<compile_context>
chip_gen: v7x
topology: tpu7x:2x2x1
jax: 0.10.2.dev20260603
libtpu: 0.0.44.dev20260713+nightly
codegen_flags: <defaults>
</compile_context>

<pallas_src>
import functools

import jax
import jax.numpy as jnp
from jax import lax
from jax.experimental import pallas as pl
from jax.experimental.pallas import tpu as pltpu
from jax.experimental.pallas import tpu_sc as plsc

NC = 2
NS = 16
CHUNK = 128


def _hist_body(nodes_pad, nch, dstp, deg, dst_v, ones_v, cnt_v, hist, sem):
    del sem
    c = lax.axis_index("c")
    s = lax.axis_index("s")
    rows = nodes_pad // NS

    def init_ones(i, _):
        ones_v[pl.ds(i * 16, 16)] = jnp.ones((16,), jnp.float32)
        return 0

    def init_zero(i, _):
        cnt_v[pl.ds(i * 16, 16)] = jnp.zeros((16,), jnp.float32)
        return 0

    lax.fori_loop(0, CHUNK // 16, init_ones, 0)
    lax.fori_loop(0, rows // 16, init_zero, 0)
    pltpu.sync_copy(cnt_v, hist.at[pl.ds(s * rows, rows)])
    plsc.subcore_barrier()

    pltpu.sync_copy(dstp.at[s], dst_v)

    def scatter(j, _):
        pltpu.sync_copy(ones_v, hist.at[dst_v.at[j]], add=True)
        return 0

    lax.fori_loop(0, nch, scatter, 0)
    plsc.subcore_barrier()

    @pl.when(c == 0)
    def _drain():
        pltpu.sync_copy(hist.at[pl.ds(s * rows, rows)], cnt_v)
        pltpu.sync_copy(cnt_v, deg.at[pl.ds(s * rows, rows)])


def _degree_hist(dstp, nodes_pad):
    ns, nch, _ = dstp.shape
    assert ns == NS
    rows = nodes_pad // NS
    mesh = plsc.VectorSubcoreMesh(core_axis_name="c", subcore_axis_name="s")
    return pl.kernel(
        functools.partial(_hist_body, nodes_pad, nch),
        out_type=jax.ShapeDtypeStruct((nodes_pad,), jnp.float32),
        mesh=mesh,
        scratch_types=[
            pltpu.VMEM((nch, CHUNK), jnp.int32),
            pltpu.VMEM((CHUNK,), jnp.float32),
            pltpu.VMEM((rows,), jnp.float32),
            pltpu.VMEM_SHARED((nodes_pad,), jnp.float32),
            pltpu.SemaphoreType.DMA,
        ],
        name="sc_degree_hist",
    )(dstp)


def _agg_body(n, nch, g, srcp, dstp, out, src_v, dst_v, gbuf, acc, sem):
    del sem
    c = lax.axis_index("c")
    s = lax.axis_index("s")
    col = pl.multiple_of(c * CHUNK, CHUNK)
    rpt = n // NS
    rchunk = CHUNK

    def seed(k, _):
        r0 = s * rpt + k * rchunk
        pltpu.sync_copy(g.at[pl.ds(r0, rchunk), pl.ds(col, CHUNK)],
                        acc.at[pl.ds(r0, rchunk)])
        return 0

    lax.fori_loop(0, rpt // rchunk, seed, 0)

    pltpu.sync_copy(srcp.at[s], src_v)
    pltpu.sync_copy(dstp.at[s], dst_v)
    plsc.subcore_barrier()

    def edge_chunk(j, _):
        pltpu.sync_copy(g.at[src_v.at[j], pl.ds(col, CHUNK)], gbuf)
        pltpu.sync_copy(gbuf, acc.at[dst_v.at[j]], add=True)
        return 0

    lax.fori_loop(0, nch, edge_chunk, 0)
    plsc.subcore_barrier()

    def drain(k, _):
        r0 = s * rpt + k * rchunk
        pltpu.sync_copy(acc.at[pl.ds(r0, rchunk)],
                        out.at[pl.ds(r0, rchunk), pl.ds(col, CHUNK)])
        return 0

    lax.fori_loop(0, rpt // rchunk, drain, 0)


def _aggregate(g, srcp, dstp):
    np_rows = g.shape[0]
    ns, nch, _ = srcp.shape
    assert ns == NS and np_rows % (NS * CHUNK) == 0
    mesh = plsc.VectorSubcoreMesh(core_axis_name="c", subcore_axis_name="s")
    return pl.kernel(
        functools.partial(_agg_body, np_rows, nch),
        out_type=jax.ShapeDtypeStruct((np_rows, NC * CHUNK), jnp.float32),
        mesh=mesh,
        scratch_types=[
            pltpu.VMEM((nch, CHUNK), jnp.int32),
            pltpu.VMEM((nch, CHUNK), jnp.int32),
            pltpu.VMEM((CHUNK, CHUNK), jnp.float32),
            pltpu.VMEM_SHARED((np_rows, CHUNK), jnp.float32),
            pltpu.SemaphoreType.DMA,
        ],
        name="sc_edge_aggregate",
    )(g, srcp, dstp)


def _mm_body(relu_in, deg_ref, h_ref, w_ref, b_ref, g_ref):
    dis = lax.rsqrt(deg_ref[...] + 1.0)
    h = h_ref[...]
    if relu_in:
        h = jnp.maximum(h * dis, 0.0)
    acc = jnp.dot(h, w_ref[...], preferred_element_type=jnp.float32)
    g_ref[...] = (acc + b_ref[...]) * dis


def _matmul_scaled(h, w, b, deg2d, relu_in, block_rows=1024):
    n, d = h.shape
    _, hdim = w.shape
    return pl.pallas_call(
        functools.partial(_mm_body, relu_in),
        grid=(n // block_rows,),
        in_specs=[
            pl.BlockSpec((block_rows, 1), lambda i: (i, 0)),
            pl.BlockSpec((block_rows, d), lambda i: (i, 0)),
            pl.BlockSpec((d, hdim), lambda i: (0, 0)),
            pl.BlockSpec((1, hdim), lambda i: (0, 0)),
        ],
        out_specs=pl.BlockSpec((block_rows, hdim), lambda i: (i, 0)),
        out_shape=jax.ShapeDtypeStruct((n, hdim), jnp.float32),
        name="tc_matmul_scaled",
    )(deg2d, h, w, b.reshape(1, hdim))


def _relu_body(deg_ref, a_ref, o_ref):
    dis = lax.rsqrt(deg_ref[...] + 1.0)
    o_ref[...] = jnp.maximum(a_ref[...] * dis, 0.0)


def _relu_scale(a, deg2d, n_out, block_rows=1000):
    hdim = a.shape[1]
    assert n_out % block_rows == 0
    return pl.pallas_call(
        _relu_body,
        grid=(n_out // block_rows,),
        in_specs=[
            pl.BlockSpec((block_rows, 1), lambda i: (i, 0)),
            pl.BlockSpec((block_rows, hdim), lambda i: (i, 0)),
        ],
        out_specs=pl.BlockSpec((block_rows, hdim), lambda i: (i, 0)),
        out_shape=jax.ShapeDtypeStruct((n_out, hdim), jnp.float32),
        name="tc_relu_scale",
    )(deg2d, a)


def kernel(x, edge_index, W1, b1, W2, b2):
    n, d = x.shape
    e = edge_index.shape[1]
    ept = e // NS
    nch = pl.cdiv(ept, CHUNK)
    ept_pad = nch * CHUNK
    np_rows = pl.cdiv(n, NS * CHUNK) * NS * CHUNK

    src = edge_index[0].reshape(NS, ept)
    dst = edge_index[1].reshape(NS, ept)
    pad = ((0, 0), (0, ept_pad - ept))
    srcp = jnp.pad(src, pad).reshape(NS, nch, CHUNK)
    dstp = jnp.pad(dst, pad, constant_values=n).reshape(NS, nch, CHUNK)

    deg_raw = _degree_hist(dstp, np_rows)
    deg2d = deg_raw.reshape(np_rows, 1)
    xp = jnp.pad(x, ((0, np_rows - n), (0, 0)))

    g1 = _matmul_scaled(xp, W1, b1, deg2d, relu_in=False)
    a1 = _aggregate(g1, srcp, dstp)
    g2 = _matmul_scaled(a1, W2, b2, deg2d, relu_in=True)
    a2 = _aggregate(g2, srcp, dstp)
    return _relu_scale(a2, deg2d, n)

# --- scband reference (transcript-rebuilt; emitter-appended) ---
"""Pipeline reference for scband-augmae-15298673509102 (READ-ONLY COPY).

The authoritative reference and input builder live on the scoring server;
editing this copy changes nothing except your own understanding.
"""

import jax, jax.numpy as jnp
import numpy as np

N = 10000
E = 160000
D = 256
H = 256


def setup_inputs(seed: int = 0) -> dict:
    key = jax.random.key(seed)
    k1, k2, k3, k4 = jax.random.split(key, 4)
    x = jax.random.normal(k1, (N, D), dtype=jnp.float32)
    edge_index = jax.random.randint(k2, (2, E), 0, N, dtype=jnp.int32)
    W1 = jax.random.normal(k3, (D, H), dtype=jnp.float32) * 0.05
    b1 = jnp.zeros((H,), dtype=jnp.float32)
    W2 = jax.random.normal(k4, (H, H), dtype=jnp.float32) * 0.05
    b2 = jnp.zeros((H,), dtype=jnp.float32)
    return {"x": x, "edge_index": edge_index, "W1": W1, "b1": b1, "W2": W2, "b2": b2}


def reference(x, edge_index, W1, b1, W2, b2):
    # AUGMAE.forward -> encoder(x, edge_index); encoder modeled as a 2-layer GCN
    # with symmetric degree normalization and self-loops.
    src = edge_index[0]
    dst = edge_index[1]
    deg = jnp.zeros((N,), dtype=x.dtype).at[dst].add(1.0) + 1.0  # +1 for self-loop
    dis = jax.lax.rsqrt(deg)
    norm = dis[src] * dis[dst]
    self_norm = (dis * dis)[:, None]

    def gcn_layer(h, W, b):
        h = h @ W + b
        msg = jnp.take(h, src, axis=0) * norm[:, None]
        agg = jnp.zeros_like(h).at[dst].add(msg) + h * self_norm
        return jax.nn.relu(agg)

    h1 = gcn_layer(x, W1, b1)
    h2 = gcn_layer(h1, W2, b2)
    return h2

if __name__ == "__main__":
    import jax
    _d = setup_inputs()
    print(jax.jit(kernel)(*tuple(_d.values())))

</pallas_src>

<mosaic_0001>
#map = affine_map<(d0, d1) -> (0, 0, 0)>
#map1 = affine_map<(d0, d1) -> (0)>
module attributes {stable_mosaic.version = 14 : i64} {
  func.func @sc_degree_hist(%arg0: i32, %arg1: i32, %arg2: memref<16x79x128xi32, #tpu.memory_space<hbm>>, %arg3: memref<10240xf32, #tpu.memory_space<hbm>>, %arg4: memref<79x128xi32, #tpu.memory_space<vmem>>, %arg5: memref<128xf32, #tpu.memory_space<vmem>>, %arg6: memref<640xf32, #tpu.memory_space<vmem>>, %arg7: memref<10240xf32, #tpu.memory_space<vmem_shared>>, %arg8: memref<!tpu.dma_semaphore, #tpu.memory_space<semaphore_mem>>) attributes {dimension_semantics = [#tpu.dimension_semantics<core_parallel>, #tpu.dimension_semantics<subcore_parallel>], iteration_bounds = array<i64: 2, 16>, scalar_prefetch = 0 : i64, scratch_operands = 5 : i64, tpu.core_type = #tpu.core_type<sc_vector_subcore>, window_params = [{transform_indices = #map}, {transform_indices = #map1}]} {
    %scan3A = arith.constant 0 : i32
    %scan3A_0 = arith.constant 0 : i32
    %scan3A_1 = arith.constant 8 : i32
    %scan3A_2 = arith.addi %scan3A_0, %scan3A_1 : i32
    %scan3A_3 = arith.constant 1 : i32
    %scan3A_4 = scf.for %scan3A_24 = %scan3A_0 to %scan3A_2 step %scan3A_3 iter_args(%scan3A_25 = %scan3A) -> (i32)  : i32 {
      %broadcast_in_dim3A = arith.constant 1.000000e+00 : f32
      %broadcast_in_dim3A_26 = vector.broadcast %broadcast_in_dim3A : f32 to vector<16xf32>
      %mul3A_27 = arith.constant 16 : i32
      %mul3A_28 = arith.muli %scan3A_24, %mul3A_27 : i32
      %swap3A = arith.index_cast %mul3A_28 : i32 to index
      %swap3A_29 = tpu.vector_load %arg5[%swap3A] {strides = array<i32>} : memref<128xf32, #tpu.memory_space<vmem>>, vector<16xf32>,
      %swap3A_30 = vector.shape_cast %swap3A_29 : vector<16xf32> to vector<16xf32>
      %swap3A_31 = vector.shape_cast %broadcast_in_dim3A_26 : vector<16xf32> to vector<16xf32>
      tpu.vector_store %arg5[%swap3A], %swap3A_31 {strides = array<i32>} : memref<128xf32, #tpu.memory_space<vmem>>, vector<16xf32>,
      %scan3A_32 = arith.constant 0 : i32
      scf.yield %scan3A_32 : i32
    }
    %scan3A_5 = arith.constant 8 : i32
    %scan3A_6 = arith.constant 0 : i32
    %scan3A_7 = arith.constant 0 : i32
    %scan3A_8 = arith.constant 40 : i32
    %scan3A_9 = arith.addi %scan3A_7, %scan3A_8 : i32
    %scan3A_10 = arith.constant 1 : i32
    %scan3A_11 = scf.for %scan3A_24 = %scan3A_7 to %scan3A_9 step %scan3A_10 iter_args(%scan3A_25 = %scan3A_6) -> (i32)  : i32 {
      %broadcast_in_dim3A = arith.constant 0.000000e+00 : f32
      %broadcast_in_dim3A_26 = vector.broadcast %broadcast_in_dim3A : f32 to vector<16xf32>
      %mul3A_27 = arith.constant 16 : i32
      %mul3A_28 = arith.muli %scan3A_24, %mul3A_27 : i32
      %swap3A = arith.index_cast %mul3A_28 : i32 to index
      %swap3A_29 = tpu.vector_load %arg6[%swap3A] {strides = array<i32>} : memref<640xf32, #tpu.memory_space<vmem>>, vector<16xf32>,
      %swap3A_30 = vector.shape_cast %swap3A_29 : vector<16xf32> to vector<16xf32>
      %swap3A_31 = vector.shape_cast %broadcast_in_dim3A_26 : vector<16xf32> to vector<16xf32>
      tpu.vector_store %arg6[%swap3A], %swap3A_31 {strides = array<i32>} : memref<640xf32, #tpu.memory_space<vmem>>, vector<16xf32>,
      %scan3A_32 = arith.constant 0 : i32
      scf.yield %scan3A_32 : i32
    }
    %scan3A_12 = arith.constant 40 : i32
    %mul3A = arith.constant 640 : i32
    %mul3A_13 = arith.muli %arg1, %mul3A : i32
    "tpu.region"() ({
      %run_scoped3A = tpu.sem_alloc : memref<!tpu.dma_semaphore, #tpu.memory_space<semaphore_mem>>
      %dma_start3A = tpu.memref_slice %arg7[%mul3A_13] : memref<10240xf32, #tpu.memory_space<vmem_shared>> -> memref<640xf32, #tpu.memory_space<vmem_shared>>
      %dma_start3A_24 = tpu.memref_slice %arg7[%mul3A_13] : memref<10240xf32, #tpu.memory_space<vmem_shared>> -> memref<640xf32, #tpu.memory_space<vmem_shared>>
      tpu.enqueue_dma source(%arg6 : memref<640xf32, #tpu.memory_space<vmem>>) target(%dma_start3A_24 : memref<640xf32, #tpu.memory_space<vmem_shared>>) target_semaphore(%run_scoped3A : memref<!tpu.dma_semaphore, #tpu.memory_space<semaphore_mem>>)
      %dma_wait3A = tpu.memref_slice %arg7[%mul3A_13] : memref<10240xf32, #tpu.memory_space<vmem_shared>> -> memref<640xf32, #tpu.memory_space<vmem_shared>>
      %dma_wait3A_25 = tpu.memref_slice %arg7[%mul3A_13] : memref<10240xf32, #tpu.memory_space<vmem_shared>> -> memref<640xf32, #tpu.memory_space<vmem_shared>>
      tpu.wait_dma2 semaphore(%run_scoped3A : memref<!tpu.dma_semaphore, #tpu.memory_space<semaphore_mem>>) src(%arg6 : memref<640xf32, #tpu.memory_space<vmem>>) dst(%dma_wait3A_25 : memref<640xf32, #tpu.memory_space<vmem_shared>>)
      tpu.yield
    }) : () -> ()
    %barrier3A = arith.constant 0 : index
    tpu.barrier barrier_id(%barrier3A)
    "tpu.region"() ({
      %run_scoped3A = tpu.sem_alloc : memref<!tpu.dma_semaphore, #tpu.memory_space<semaphore_mem>>
      %dma_start3A = arith.constant 0 : i32
      %dma_start3A_24 = arith.constant 0 : i32
      %dma_start3A_25 = tpu.memref_slice %arg2[%arg1, %dma_start3A, %dma_start3A_24] : memref<16x79x128xi32, #tpu.memory_space<hbm>> -> memref<1x79x128xi32, #tpu.memory_space<hbm>>
      %dma_start3A_26 = tpu.memref_squeeze %dma_start3A_25 : memref<1x79x128xi32, #tpu.memory_space<hbm>> -> memref<79x128xi32, #tpu.memory_space<hbm>>
      %dma_start3A_27 = arith.constant 0 : i32
      %dma_start3A_28 = arith.constant 0 : i32
      %dma_start3A_29 = tpu.memref_slice %arg2[%arg1, %dma_start3A_27, %dma_start3A_28] : memref<16x79x128xi32, #tpu.memory_space<hbm>> -> memref<1x79x128xi32, #tpu.memory_space<hbm>>
      %dma_start3A_30 = tpu.memref_squeeze %dma_start3A_29 : memref<1x79x128xi32, #tpu.memory_space<hbm>> -> memref<79x128xi32, #tpu.memory_space<hbm>>
      tpu.enqueue_dma source(%dma_start3A_30 : memref<79x128xi32, #tpu.memory_space<hbm>>) target(%arg4 : memref<79x128xi32, #tpu.memory_space<vmem>>) target_semaphore(%run_scoped3A : memref<!tpu.dma_semaphore, #tpu.memory_space<semaphore_mem>>)
      %dma_wait3A = arith.constant 0 : i32
      %dma_wait3A_31 = arith.constant 0 : i32
      %dma_wait3A_32 = tpu.memref_slice %arg2[%arg1, %dma_wait3A, %dma_wait3A_31] : memref<16x79x128xi32, #tpu.memory_space<hbm>> -> memref<1x79x128xi32, #tpu.memory_space<hbm>>
      %dma_wait3A_33 = tpu.memref_squeeze %dma_wait3A_32 : memref<1x79x128xi32, #tpu.memory_space<hbm>> -> memref<79x128xi32, #tpu.memory_space<hbm>>
      %dma_wait3A_34 = arith.constant 0 : i32
      %dma_wait3A_35 = arith.constant 0 : i32
      %dma_wait3A_36 = tpu.memref_slice %arg2[%arg1, %dma_wait3A_34, %dma_wait3A_35] : memref<16x79x128xi32, #tpu.memory_space<hbm>> -> memref<1x79x128xi32, #tpu.memory_space<hbm>>
      %dma_wait3A_37 = tpu.memref_squeeze %dma_wait3A_36 : memref<1x79x128xi32, #tpu.memory_space<hbm>> -> memref<79x128xi32, #tpu.memory_space<hbm>>
      tpu.wait_dma2 semaphore(%run_scoped3A : memref<!tpu.dma_semaphore, #tpu.memory_space<semaphore_mem>>) src(%dma_wait3A_37 : memref<79x128xi32, #tpu.memory_space<hbm>>) dst(%arg4 : memref<79x128xi32, #tpu.memory_space<vmem>>)
      tpu.yield
    }) : () -> ()
    %scan3A_14 = arith.constant 0 : i32
    %scan3A_15 = arith.constant 0 : i32
    %scan3A_16 = arith.constant 79 : i32
    %scan3A_17 = arith.addi %scan3A_15, %scan3A_16 : i32
    %scan3A_18 = arith.constant 1 : i32
    %scan3A_19 = scf.for %scan3A_24 = %scan3A_15 to %scan3A_17 step %scan3A_18 iter_args(%scan3A_25 = %scan3A_14) -> (i32)  : i32 {
      "tpu.region"() ({
        %run_scoped3A = tpu.sem_alloc : memref<!tpu.dma_semaphore, #tpu.memory_space<semaphore_mem>>
        %dma_start3A = arith.constant 0 : i32
        %dma_start3A_27 = tpu.memref_slice %arg4[%scan3A_24, %dma_start3A] : memref<79x128xi32, #tpu.memory_space<vmem>> -> memref<1x128xi32, #tpu.memory_space<vmem>>
        %dma_start3A_28 = tpu.memref_squeeze %dma_start3A_27 : memref<1x128xi32, #tpu.memory_space<vmem>> -> memref<128xi32, #tpu.memory_space<vmem>>
        %dma_start3A_29 = arith.constant 0 : i32
        %dma_start3A_30 = tpu.memref_slice %arg7[%dma_start3A_29] : memref<10240xf32, #tpu.memory_space<vmem_shared>> -> memref<10240xf32, #tpu.memory_space<vmem_shared>>
        tpu.enqueue_indirect_dma source(%arg5 : memref<128xf32, #tpu.memory_space<vmem>>) target(%dma_start3A_30 : memref<10240xf32, #tpu.memory_space<vmem_shared>>) offsets(%dma_start3A_28 : memref<128xi32, #tpu.memory_space<vmem>>) semaphore(%run_scoped3A : memref<!tpu.dma_semaphore, #tpu.memory_space<semaphore_mem>>) {add = true}
        %dma_wait3A = arith.constant 0 : i32
        %dma_wait3A_31 = tpu.memref_slice %arg4[%scan3A_24, %dma_wait3A] : memref<79x128xi32, #tpu.memory_space<vmem>> -> memref<1x128xi32, #tpu.memory_space<vmem>>
        %dma_wait3A_32 = tpu.memref_squeeze %dma_wait3A_31 : memref<1x128xi32, #tpu.memory_space<vmem>> -> memref<128xi32, #tpu.memory_space<vmem>>
        %dma_wait3A_33 = arith.constant 0 : i32
        %dma_wait3A_34 = tpu.memref_slice %arg7[%dma_wait3A_33] : memref<10240xf32, #tpu.memory_space<vmem_shared>> -> memref<10240xf32, #tpu.memory_space<vmem_shared>>
        tpu.wait_indirect_dma semaphore(%run_scoped3A : memref<!tpu.dma_semaphore, #tpu.memory_space<semaphore_mem>>) src(%arg5 : memref<128xf32, #tpu.memory_space<vmem>>) dst(%dma_wait3A_34 : memref<10240xf32, #tpu.memory_space<vmem_shared>>)
        tpu.yield
      }) : () -> ()
      %scan3A_26 = arith.constant 0 : i32
      scf.yield %scan3A_26 : i32
    }
    %scan3A_20 = arith.constant 79 : i32
    %barrier3A_21 = arith.constant 0 : index
    tpu.barrier barrier_id(%barrier3A_21)
    %eq3A = arith.constant 0 : i32
    %eq3A_22 = arith.cmpi eq, %arg0, %eq3A : i32
    %convert_element_type3A = arith.extui %eq3A_22 : i1 to i32
    %cond3A = arith.constant 0 : i32
    %cond3A_23 = arith.cmpi ne, %convert_element_type3A, %cond3A : i32
    scf.if %cond3A_23 {
      %mul3A_24 = arith.constant 640 : i32
      %mul3A_25 = arith.muli %arg1, %mul3A_24 : i32
      "tpu.region"() ({
        %run_scoped3A = tpu.sem_alloc : memref<!tpu.dma_semaphore, #tpu.memory_space<semaphore_mem>>
        %dma_start3A = tpu.memref_slice %arg7[%mul3A_25] : memref<10240xf32, #tpu.memory_space<vmem_shared>> -> memref<640xf32, #tpu.memory_space<vmem_shared>>
        %dma_start3A_28 = tpu.memref_slice %arg7[%mul3A_25] : memref<10240xf32, #tpu.memory_space<vmem_shared>> -> memref<640xf32, #tpu.memory_space<vmem_shared>>
        tpu.enqueue_dma source(%dma_start3A_28 : memref<640xf32, #tpu.memory_space<vmem_shared>>) target(%arg6 : memref<640xf32, #tpu.memory_space<vmem>>) target_semaphore(%run_scoped3A : memref<!tpu.dma_semaphore, #tpu.memory_space<semaphore_mem>>)
        %dma_wait3A = tpu.memref_slice %arg7[%mul3A_25] : memref<10240xf32, #tpu.memory_space<vmem_shared>> -> memref<640xf32, #tpu.memory_space<vmem_shared>>
        %dma_wait3A_29 = tpu.memref_slice %arg7[%mul3A_25] : memref<10240xf32, #tpu.memory_space<vmem_shared>> -> memref<640xf32, #tpu.memory_space<vmem_shared>>
        tpu.wait_dma2 semaphore(%run_scoped3A : memref<!tpu.dma_semaphore, #tpu.memory_space<semaphore_mem>>) src(%dma_wait3A_29 : memref<640xf32, #tpu.memory_space<vmem_shared>>) dst(%arg6 : memref<640xf32, #tpu.memory_space<vmem>>)
        tpu.yield
      }) : () -> ()
      %mul3A_26 = arith.constant 640 : i32
      %mul3A_27 = arith.muli %arg1, %mul3A_26 : i32
      "tpu.region"() ({
        %run_scoped3A = tpu.sem_alloc : memref<!tpu.dma_semaphore, #tpu.memory_space<semaphore_mem>>
        %dma_start3A = tpu.memref_slice %arg3[%mul3A_27] : memref<10240xf32, #tpu.memory_space<hbm>> -> memref<640xf32, #tpu.memory_space<hbm>>
        %dma_start3A_28 = tpu.memref_slice %arg3[%mul3A_27] : memref<10240xf32, #tpu.memory_space<hbm>> -> memref<640xf32, #tpu.memory_space<hbm>>
        tpu.enqueue_dma source(%arg6 : memref<640xf32, #tpu.memory_space<vmem>>) target(%dma_start3A_28 : memref<640xf32, #tpu.memory_space<hbm>>) target_semaphore(%run_scoped3A : memref<!tpu.dma_semaphore, #tpu.memory_space<semaphore_mem>>)
        %dma_wait3A = tpu.memref_slice %arg3[%mul3A_27] : memref<10240xf32, #tpu.memory_space<hbm>> -> memref<640xf32, #tpu.memory_space<hbm>>
        %dma_wait3A_29 = tpu.memref_slice %arg3[%mul3A_27] : memref<10240xf32, #tpu.memory_space<hbm>> -> memref<640xf32, #tpu.memory_space<hbm>>
        tpu.wait_dma2 semaphore(%run_scoped3A : memref<!tpu.dma_semaphore, #tpu.memory_space<semaphore_mem>>) src(%arg6 : memref<640xf32, #tpu.memory_space<vmem>>) dst(%dma_wait3A_29 : memref<640xf32, #tpu.memory_space<hbm>>)
        tpu.yield
      }) : () -> ()
    } else {
    }
    return
  }
}

#map = affine_map<(d0, d1) -> (0, 0)>
#map1 = affine_map<(d0, d1) -> (0, 0, 0)>
module attributes {stable_mosaic.version = 14 : i64} {
  func.func @sc_edge_aggregate(%arg0: i32, %arg1: i32, %arg2: memref<10240x256xf32, #tpu.memory_space<hbm>>, %arg3: memref<16x79x128xi32, #tpu.memory_space<hbm>>, %arg4: memref<16x79x128xi32, #tpu.memory_space<hbm>>, %arg5: memref<10240x256xf32, #tpu.memory_space<hbm>>, %arg6: memref<79x128xi32, #tpu.memory_space<vmem>>, %arg7: memref<79x128xi32, #tpu.memory_space<vmem>>, %arg8: memref<128x128xf32, #tpu.memory_space<vmem>>, %arg9: memref<10240x128xf32, #tpu.memory_space<vmem_shared>>, %arg10: memref<!tpu.dma_semaphore, #tpu.memory_space<semaphore_mem>>) attributes {dimension_semantics = [#tpu.dimension_semantics<core_parallel>, #tpu.dimension_semantics<subcore_parallel>], iteration_bounds = array<i64: 2, 16>, scalar_prefetch = 0 : i64, scratch_operands = 5 : i64, tpu.core_type = #tpu.core_type<sc_vector_subcore>, window_params = [{transform_indices = #map}, {transform_indices = #map1}, {transform_indices = #map1}, {transform_indices = #map}]} {
    %mul3A = arith.constant 128 : i32
    %mul3A_0 = arith.muli %arg0, %mul3A : i32
    %multiple_of3A = tpu.assume_multiple %mul3A_0, 128 : i32
    %scan3A = arith.constant 0 : i32
    %scan3A_1 = arith.constant 0 : i32
    %scan3A_2 = arith.constant 5 : i32
    %scan3A_3 = arith.addi %scan3A_1, %scan3A_2 : i32
    %scan3A_4 = arith.constant 1 : i32
    %scan3A_5 = scf.for %scan3A_22 = %scan3A_1 to %scan3A_3 step %scan3A_4 iter_args(%scan3A_23 = %scan3A) -> (i32)  : i32 {
      %mul3A_24 = arith.constant 640 : i32
      %mul3A_25 = arith.muli %arg1, %mul3A_24 : i32
      %mul3A_26 = arith.constant 128 : i32
      %mul3A_27 = arith.muli %scan3A_22, %mul3A_26 : i32
      %add3A = arith.addi %mul3A_25, %mul3A_27 : i32
      "tpu.region"() ({
        %run_scoped3A = tpu.sem_alloc : memref<!tpu.dma_semaphore, #tpu.memory_space<semaphore_mem>>
        %dma_start3A = arith.constant 0 : i32
        %dma_start3A_29 = tpu.memref_slice %arg9[%add3A, %dma_start3A] : memref<10240x128xf32, #tpu.memory_space<vmem_shared>> -> memref<128x128xf32, #tpu.memory_space<vmem_shared>>
        %dma_start3A_30 = tpu.memref_slice %arg2[%add3A, %multiple_of3A] : memref<10240x256xf32, #tpu.memory_space<hbm>> -> memref<128x128xf32, #tpu.memory_space<hbm>>
        tpu.enqueue_dma source(%dma_start3A_30 : memref<128x128xf32, #tpu.memory_space<hbm>>) target(%dma_start3A_29 : memref<128x128xf32, #tpu.memory_space<vmem_shared>>) target_semaphore(%run_scoped3A : memref<!tpu.dma_semaphore, #tpu.memory_space<semaphore_mem>>)
        %dma_wait3A = arith.constant 0 : i32
        %dma_wait3A_31 = tpu.memref_slice %arg9[%add3A, %dma_wait3A] : memref<10240x128xf32, #tpu.memory_space<vmem_shared>> -> memref<128x128xf32, #tpu.memory_space<vmem_shared>>
        %dma_wait3A_32 = tpu.memref_slice %arg2[%add3A, %multiple_of3A] : memref<10240x256xf32, #tpu.memory_space<hbm>> -> memref<128x128xf32, #tpu.memory_space<hbm>>
        tpu.wait_dma2 semaphore(%run_scoped3A : memref<!tpu.dma_semaphore, #tpu.memory_space<semaphore_mem>>) src(%dma_wait3A_32 : memref<128x128xf32, #tpu.memory_space<hbm>>) dst(%dma_wait3A_31 : memref<128x128xf32, #tpu.memory_space<vmem_shared>>)
        tpu.yield
      }) : () -> ()
      %scan3A_28 = arith.constant 0 : i32
      scf.yield %scan3A_28 : i32
    }
    %scan3A_6 = arith.constant 5 : i32
    "tpu.region"() ({
      %run_scoped3A = tpu.sem_alloc : memref<!tpu.dma_semaphore, #tpu.memory_space<semaphore_mem>>
      %dma_start3A = arith.constant 0 : i32
      %dma_start3A_22 = arith.constant 0 : i32
      %dma_start3A_23 = tpu.memref_slice %arg3[%arg1, %dma_start3A, %dma_start3A_22] : memref<16x79x128xi32, #tpu.memory_space<hbm>> -> memref<1x79x128xi32, #tpu.memory_space<hbm>>
      %dma_start3A_24 = tpu.memref_squeeze %dma_start3A_23 : memref<1x79x128xi32, #tpu.memory_space<hbm>> -> memref<79x128xi32, #tpu.memory_space<hbm>>
      %dma_start3A_25 = arith.constant 0 : i32
      %dma_start3A_26 = arith.constant 0 : i32
      %dma_start3A_27 = tpu.memref_slice %arg3[%arg1, %dma_start3A_25, %dma_start3A_26] : memref<16x79x128xi32, #tpu.memory_space<hbm>> -> memref<1x79x128xi32, #tpu.memory_space<hbm>>
      %dma_start3A_28 = tpu.memref_squeeze %dma_start3A_27 : memref<1x79x128xi32, #tpu.memory_space<hbm>> -> memref<79x128xi32, #tpu.memory_space<hbm>>
      tpu.enqueue_dma source(%dma_start3A_28 : memref<79x128xi32, #tpu.memory_space<hbm>>) target(%arg6 : memref<79x128xi32, #tpu.memory_space<vmem>>) target_semaphore(%run_scoped3A : memref<!tpu.dma_semaphore, #tpu.memory_space<semaphore_mem>>)
      %dma_wait3A = arith.constant 0 : i32
      %dma_wait3A_29 = arith.constant 0 : i32
      %dma_wait3A_30 = tpu.memref_slice %arg3[%arg1, %dma_wait3A, %dma_wait3A_29] : memref<16x79x128xi32, #tpu.memory_space<hbm>> -> memref<1x79x128xi32, #tpu.memory_space<hbm>>
      %dma_wait3A_31 = tpu.memref_squeeze %dma_wait3A_30 : memref<1x79x128xi32, #tpu.memory_space<hbm>> -> memref<79x128xi32, #tpu.memory_space<hbm>>
      %dma_wait3A_32 = arith.constant 0 : i32
      %dma_wait3A_33 = arith.constant 0 : i32
      %dma_wait3A_34 = tpu.memref_slice %arg3[%arg1, %dma_wait3A_32, %dma_wait3A_33] : memref<16x79x128xi32, #tpu.memory_space<hbm>> -> memref<1x79x128xi32, #tpu.memory_space<hbm>>
      %dma_wait3A_35 = tpu.memref_squeeze %dma_wait3A_34 : memref<1x79x128xi32, #tpu.memory_space<hbm>> -> memref<79x128xi32, #tpu.memory_space<hbm>>
      tpu.wait_dma2 semaphore(%run_scoped3A : memref<!tpu.dma_semaphore, #tpu.memory_space<semaphore_mem>>) src(%dma_wait3A_35 : memref<79x128xi32, #tpu.memory_space<hbm>>) dst(%arg6 : memref<79x128xi32, #tpu.memory_space<vmem>>)
      tpu.yield
    }) : () -> ()
    "tpu.region"() ({
      %run_scoped3A = tpu.sem_alloc : memref<!tpu.dma_semaphore, #tpu.memory_space<semaphore_mem>>
      %dma_start3A = arith.constant 0 : i32
      %dma_start3A_22 = arith.constant 0 : i32
      %dma_start3A_23 = tpu.memref_slice %arg4[%arg1, %dma_start3A, %dma_start3A_22] : memref<16x79x128xi32, #tpu.memory_space<hbm>> -> memref<1x79x128xi32, #tpu.memory_space<hbm>>
      %dma_start3A_24 = tpu.memref_squeeze %dma_start3A_23 : memref<1x79x128xi32, #tpu.memory_space<hbm>> -> memref<79x128xi32, #tpu.memory_space<hbm>>
      %dma_start3A_25 = arith.constant 0 : i32
      %dma_start3A_26 = arith.constant 0 : i32
      %dma_start3A_27 = tpu.memref_slice %arg4[%arg1, %dma_start3A_25, %dma_start3A_26] : memref<16x79x128xi32, #tpu.memory_space<hbm>> -> memref<1x79x128xi32, #tpu.memory_space<hbm>>
      %dma_start3A_28 = tpu.memref_squeeze %dma_start3A_27 : memref<1x79x128xi32, #tpu.memory_space<hbm>> -> memref<79x128xi32, #tpu.memory_space<hbm>>
      tpu.enqueue_dma source(%dma_start3A_28 : memref<79x128xi32, #tpu.memory_space<hbm>>) target(%arg7 : memref<79x128xi32, #tpu.memory_space<vmem>>) target_semaphore(%run_scoped3A : memref<!tpu.dma_semaphore, #tpu.memory_space<semaphore_mem>>)
      %dma_wait3A = arith.constant 0 : i32
      %dma_wait3A_29 = arith.constant 0 : i32
      %dma_wait3A_30 = tpu.memref_slice %arg4[%arg1, %dma_wait3A, %dma_wait3A_29] : memref<16x79x128xi32, #tpu.memory_space<hbm>> -> memref<1x79x128xi32, #tpu.memory_space<hbm>>
      %dma_wait3A_31 = tpu.memref_squeeze %dma_wait3A_30 : memref<1x79x128xi32, #tpu.memory_space<hbm>> -> memref<79x128xi32, #tpu.memory_space<hbm>>
      %dma_wait3A_32 = arith.constant 0 : i32
      %dma_wait3A_33 = arith.constant 0 : i32
      %dma_wait3A_34 = tpu.memref_slice %arg4[%arg1, %dma_wait3A_32, %dma_wait3A_33] : memref<16x79x128xi32, #tpu.memory_space<hbm>> -> memref<1x79x128xi32, #tpu.memory_space<hbm>>
      %dma_wait3A_35 = tpu.memref_squeeze %dma_wait3A_34 : memref<1x79x128xi32, #tpu.memory_space<hbm>> -> memref<79x128xi32, #tpu.memory_space<hbm>>
      tpu.wait_dma2 semaphore(%run_scoped3A : memref<!tpu.dma_semaphore, #tpu.memory_space<semaphore_mem>>) src(%dma_wait3A_35 : memref<79x128xi32, #tpu.memory_space<hbm>>) dst(%arg7 : memref<79x128xi32, #tpu.memory_space<vmem>>)
      tpu.yield
    }) : () -> ()
    %barrier3A = arith.constant 0 : index
    tpu.barrier barrier_id(%barrier3A)
    %scan3A_7 = arith.constant 0 : i32
    %scan3A_8 = arith.constant 0 : i32
    %scan3A_9 = arith.constant 79 : i32
    %scan3A_10 = arith.addi %scan3A_8, %scan3A_9 : i32
    %scan3A_11 = arith.constant 1 : i32
    %scan3A_12 = scf.for %scan3A_22 = %scan3A_8 to %scan3A_10 step %scan3A_11 iter_args(%scan3A_23 = %scan3A_7) -> (i32)  : i32 {
      "tpu.region"() ({
        %run_scoped3A = tpu.sem_alloc : memref<!tpu.dma_semaphore, #tpu.memory_space<semaphore_mem>>
        %dma_start3A = arith.constant 0 : i32
        %dma_start3A_25 = tpu.memref_slice %arg6[%scan3A_22, %dma_start3A] : memref<79x128xi32, #tpu.memory_space<vmem>> -> memref<1x128xi32, #tpu.memory_space<vmem>>
        %dma_start3A_26 = tpu.memref_squeeze %dma_start3A_25 : memref<1x128xi32, #tpu.memory_space<vmem>> -> memref<128xi32, #tpu.memory_space<vmem>>
        %dma_start3A_27 = arith.constant 0 : i32
        %dma_start3A_28 = tpu.memref_slice %arg2[%dma_start3A_27, %multiple_of3A] : memref<10240x256xf32, #tpu.memory_space<hbm>> -> memref<10240x128xf32, #tpu.memory_space<hbm>>
        tpu.enqueue_indirect_dma source(%dma_start3A_28 : memref<10240x128xf32, #tpu.memory_space<hbm>>) target(%arg8 : memref<128x128xf32, #tpu.memory_space<vmem>>) offsets(%dma_start3A_26 : memref<128xi32, #tpu.memory_space<vmem>>) semaphore(%run_scoped3A : memref<!tpu.dma_semaphore, #tpu.memory_space<semaphore_mem>>)
        %dma_wait3A = arith.constant 0 : i32
        %dma_wait3A_29 = tpu.memref_slice %arg6[%scan3A_22, %dma_wait3A] : memref<79x128xi32, #tpu.memory_space<vmem>> -> memref<1x128xi32, #tpu.memory_space<vmem>>
        %dma_wait3A_30 = tpu.memref_squeeze %dma_wait3A_29 : memref<1x128xi32, #tpu.memory_space<vmem>> -> memref<128xi32, #tpu.memory_space<vmem>>
        %dma_wait3A_31 = arith.constant 0 : i32
        %dma_wait3A_32 = tpu.memref_slice %arg2[%dma_wait3A_31, %multiple_of3A] : memref<10240x256xf32, #tpu.memory_space<hbm>> -> memref<10240x128xf32, #tpu.memory_space<hbm>>
        tpu.wait_indirect_dma semaphore(%run_scoped3A : memref<!tpu.dma_semaphore, #tpu.memory_space<semaphore_mem>>) src(%dma_wait3A_32 : memref<10240x128xf32, #tpu.memory_space<hbm>>) dst(%arg8 : memref<128x128xf32, #tpu.memory_space<vmem>>)
        tpu.yield
      }) : () -> ()
      "tpu.region"() ({
        %run_scoped3A = tpu.sem_alloc : memref<!tpu.dma_semaphore, #tpu.memory_space<semaphore_mem>>
        %dma_start3A = arith.constant 0 : i32
        %dma_start3A_25 = tpu.memref_slice %arg7[%scan3A_22, %dma_start3A] : memref<79x128xi32, #tpu.memory_space<vmem>> -> memref<1x128xi32, #tpu.memory_space<vmem>>
        %dma_start3A_26 = tpu.memref_squeeze %dma_start3A_25 : memref<1x128xi32, #tpu.memory_space<vmem>> -> memref<128xi32, #tpu.memory_space<vmem>>
        %dma_start3A_27 = arith.constant 0 : i32
        %dma_start3A_28 = arith.constant 0 : i32
        %dma_start3A_29 = tpu.memref_slice %arg9[%dma_start3A_27, %dma_start3A_28] : memref<10240x128xf32, #tpu.memory_space<vmem_shared>> -> memref<10240x128xf32, #tpu.memory_space<vmem_shared>>
        tpu.enqueue_indirect_dma source(%arg8 : memref<128x128xf32, #tpu.memory_space<vmem>>) target(%dma_start3A_29 : memref<10240x128xf32, #tpu.memory_space<vmem_shared>>) offsets(%dma_start3A_26 : memref<128xi32, #tpu.memory_space<vmem>>) semaphore(%run_scoped3A : memref<!tpu.dma_semaphore, #tpu.memory_space<semaphore_mem>>) {add = true}
        %dma_wait3A = arith.constant 0 : i32
        %dma_wait3A_30 = tpu.memref_slice %arg7[%scan3A_22, %dma_wait3A] : memref<79x128xi32, #tpu.memory_space<vmem>> -> memref<1x128xi32, #tpu.memory_space<vmem>>
        %dma_wait3A_31 = tpu.memref_squeeze %dma_wait3A_30 : memref<1x128xi32, #tpu.memory_space<vmem>> -> memref<128xi32, #tpu.memory_space<vmem>>
        %dma_wait3A_32 = arith.constant 0 : i32
        %dma_wait3A_33 = arith.constant 0 : i32
        %dma_wait3A_34 = tpu.memref_slice %arg9[%dma_wait3A_32, %dma_wait3A_33] : memref<10240x128xf32, #tpu.memory_space<vmem_shared>> -> memref<10240x128xf32, #tpu.memory_space<vmem_shared>>
        tpu.wait_indirect_dma semaphore(%run_scoped3A : memref<!tpu.dma_semaphore, #tpu.memory_space<semaphore_mem>>) src(%arg8 : memref<128x128xf32, #tpu.memory_space<vmem>>) dst(%dma_wait3A_34 : memref<10240x128xf32, #tpu.memory_space<vmem_shared>>)
        tpu.yield
      }) : () -> ()
      %scan3A_24 = arith.constant 0 : i32
      scf.yield %scan3A_24 : i32
    }
    %scan3A_13 = arith.constant 79 : i32
    %barrier3A_14 = arith.constant 0 : index
    tpu.barrier barrier_id(%barrier3A_14)
    %scan3A_15 = arith.constant 0 : i32
    %scan3A_16 = arith.constant 0 : i32
    %scan3A_17 = arith.constant 5 : i32
    %scan3A_18 = arith.addi %scan3A_16, %scan3A_17 : i32
    %scan3A_19 = arith.constant 1 : i32
    %scan3A_20 = scf.for %scan3A_22 = %scan3A_16 to %scan3A_18 step %scan3A_19 iter_args(%scan3A_23 = %scan3A_15) -> (i32)  : i32 {
      %mul3A_24 = arith.constant 640 : i32
      %mul3A_25 = arith.muli %arg1, %mul3A_24 : i32
      %mul3A_26 = arith.constant 128 : i32
      %mul3A_27 = arith.muli %scan3A_22, %mul3A_26 : i32
      %add3A = arith.addi %mul3A_25, %mul3A_27 : i32
      "tpu.region"() ({
        %run_scoped3A = tpu.sem_alloc : memref<!tpu.dma_semaphore, #tpu.memory_space<semaphore_mem>>
        %dma_start3A = tpu.memref_slice %arg5[%add3A, %multiple_of3A] : memref<10240x256xf32, #tpu.memory_space<hbm>> -> memref<128x128xf32, #tpu.memory_space<hbm>>
        %dma_start3A_29 = arith.constant 0 : i32
        %dma_start3A_30 = tpu.memref_slice %arg9[%add3A, %dma_start3A_29] : memref<10240x128xf32, #tpu.memory_space<vmem_shared>> -> memref<128x128xf32, #tpu.memory_space<vmem_shared>>
        tpu.enqueue_dma source(%dma_start3A_30 : memref<128x128xf32, #tpu.memory_space<vmem_shared>>) target(%dma_start3A : memref<128x128xf32, #tpu.memory_space<hbm>>) target_semaphore(%run_scoped3A : memref<!tpu.dma_semaphore, #tpu.memory_space<semaphore_mem>>)
        %dma_wait3A = tpu.memref_slice %arg5[%add3A, %multiple_of3A] : memref<10240x256xf32, #tpu.memory_space<hbm>> -> memref<128x128xf32, #tpu.memory_space<hbm>>
        %dma_wait3A_31 = arith.constant 0 : i32
        %dma_wait3A_32 = tpu.memref_slice %arg9[%add3A, %dma_wait3A_31] : memref<10240x128xf32, #tpu.memory_space<vmem_shared>> -> memref<128x128xf32, #tpu.memory_space<vmem_shared>>
        tpu.wait_dma2 semaphore(%run_scoped3A : memref<!tpu.dma_semaphore, #tpu.memory_space<semaphore_mem>>) src(%dma_wait3A_32 : memref<128x128xf32, #tpu.memory_space<vmem_shared>>) dst(%dma_wait3A : memref<128x128xf32, #tpu.memory_space<hbm>>)
        tpu.yield
      }) : () -> ()
      %scan3A_28 = arith.constant 0 : i32
      scf.yield %scan3A_28 : i32
    }
    %scan3A_21 = arith.constant 5 : i32
    return
  }
}

#map = affine_map<(d0, d1) -> (0, 0)>
#map1 = affine_map<(d0, d1) -> (0, 0, 0)>
module attributes {stable_mosaic.version = 14 : i64} {
  func.func @sc_edge_aggregate(%arg0: i32, %arg1: i32, %arg2: memref<10240x256xf32, #tpu.memory_space<hbm>>, %arg3: memref<16x79x128xi32, #tpu.memory_space<hbm>>, %arg4: memref<16x79x128xi32, #tpu.memory_space<hbm>>, %arg5: memref<10240x256xf32, #tpu.memory_space<hbm>>, %arg6: memref<79x128xi32, #tpu.memory_space<vmem>>, %arg7: memref<79x128xi32, #tpu.memory_space<vmem>>, %arg8: memref<128x128xf32, #tpu.memory_space<vmem>>, %arg9: memref<10240x128xf32, #tpu.memory_space<vmem_shared>>, %arg10: memref<!tpu.dma_semaphore, #tpu.memory_space<semaphore_mem>>) attributes {dimension_semantics = [#tpu.dimension_semantics<core_parallel>, #tpu.dimension_semantics<subcore_parallel>], iteration_bounds = array<i64: 2, 16>, scalar_prefetch = 0 : i64, scratch_operands = 5 : i64, tpu.core_type = #tpu.core_type<sc_vector_subcore>, window_params = [{transform_indices = #map}, {transform_indices = #map1}, {transform_indices = #map1}, {transform_indices = #map}]} {
    %mul3A = arith.constant 128 : i32
    %mul3A_0 = arith.muli %arg0, %mul3A : i32
    %multiple_of3A = tpu.assume_multiple %mul3A_0, 128 : i32
    %scan3A = arith.constant 0 : i32
    %scan3A_1 = arith.constant 0 : i32
    %scan3A_2 = arith.constant 5 : i32
    %scan3A_3 = arith.addi %scan3A_1, %scan3A_2 : i32
    %scan3A_4 = arith.constant 1 : i32
    %scan3A_5 = scf.for %scan3A_22 = %scan3A_1 to %scan3A_3 step %scan3A_4 iter_args(%scan3A_23 = %scan3A) -> (i32)  : i32 {
      %mul3A_24 = arith.constant 640 : i32
      %mul3A_25 = arith.muli %arg1, %mul3A_24 : i32
      %mul3A_26 = arith.constant 128 : i32
      %mul3A_27 = arith.muli %scan3A_22, %mul3A_26 : i32
      %add3A = arith.addi %mul3A_25, %mul3A_27 : i32
      "tpu.region"() ({
        %run_scoped3A = tpu.sem_alloc : memref<!tpu.dma_semaphore, #tpu.memory_space<semaphore_mem>>
        %dma_start3A = arith.constant 0 : i32
        %dma_start3A_29 = tpu.memref_slice %arg9[%add3A, %dma_start3A] : memref<10240x128xf32, #tpu.memory_space<vmem_shared>> -> memref<128x128xf32, #tpu.memory_space<vmem_shared>>
        %dma_start3A_30 = tpu.memref_slice %arg2[%add3A, %multiple_of3A] : memref<10240x256xf32, #tpu.memory_space<hbm>> -> memref<128x128xf32, #tpu.memory_space<hbm>>
        tpu.enqueue_dma source(%dma_start3A_30 : memref<128x128xf32, #tpu.memory_space<hbm>>) target(%dma_start3A_29 : memref<128x128xf32, #tpu.memory_space<vmem_shared>>) target_semaphore(%run_scoped3A : memref<!tpu.dma_semaphore, #tpu.memory_space<semaphore_mem>>)
        %dma_wait3A = arith.constant 0 : i32
        %dma_wait3A_31 = tpu.memref_slice %arg9[%add3A, %dma_wait3A] : memref<10240x128xf32, #tpu.memory_space<vmem_shared>> -> memref<128x128xf32, #tpu.memory_space<vmem_shared>>
        %dma_wait3A_32 = tpu.memref_slice %arg2[%add3A, %multiple_of3A] : memref<10240x256xf32, #tpu.memory_space<hbm>> -> memref<128x128xf32, #tpu.memory_space<hbm>>
        tpu.wait_dma2 semaphore(%run_scoped3A : memref<!tpu.dma_semaphore, #tpu.memory_space<semaphore_mem>>) src(%dma_wait3A_32 : memref<128x128xf32, #tpu.memory_space<hbm>>) dst(%dma_wait3A_31 : memref<128x128xf32, #tpu.memory_space<vmem_shared>>)
        tpu.yield
      }) : () -> ()
      %scan3A_28 = arith.constant 0 : i32
      scf.yield %scan3A_28 : i32
    }
    %scan3A_6 = arith.constant 5 : i32
    "tpu.region"() ({
      %run_scoped3A = tpu.sem_alloc : memref<!tpu.dma_semaphore, #tpu.memory_space<semaphore_mem>>
      %dma_start3A = arith.constant 0 : i32
      %dma_start3A_22 = arith.constant 0 : i32
      %dma_start3A_23 = tpu.memref_slice %arg3[%arg1, %dma_start3A, %dma_start3A_22] : memref<16x79x128xi32, #tpu.memory_space<hbm>> -> memref<1x79x128xi32, #tpu.memory_space<hbm>>
      %dma_start3A_24 = tpu.memref_squeeze %dma_start3A_23 : memref<1x79x128xi32, #tpu.memory_space<hbm>> -> memref<79x128xi32, #tpu.memory_space<hbm>>
      %dma_start3A_25 = arith.constant 0 : i32
      %dma_start3A_26 = arith.constant 0 : i32
      %dma_start3A_27 = tpu.memref_slice %arg3[%arg1, %dma_start3A_25, %dma_start3A_26] : memref<16x79x128xi32, #tpu.memory_space<hbm>> -> memref<1x79x128xi32, #tpu.memory_space<hbm>>
      %dma_start3A_28 = tpu.memref_squeeze %dma_start3A_27 : memref<1x79x128xi32, #tpu.memory_space<hbm>> -> memref<79x128xi32, #tpu.memory_space<hbm>>
      tpu.enqueue_dma source(%dma_start3A_28 : memref<79x128xi32, #tpu.memory_space<hbm>>) target(%arg6 : memref<79x128xi32, #tpu.memory_space<vmem>>) target_semaphore(%run_scoped3A : memref<!tpu.dma_semaphore, #tpu.memory_space<semaphore_mem>>)
      %dma_wait3A = arith.constant 0 : i32
      %dma_wait3A_29 = arith.constant 0 : i32
      %dma_wait3A_30 = tpu.memref_slice %arg3[%arg1, %dma_wait3A, %dma_wait3A_29] : memref<16x79x128xi32, #tpu.memory_space<hbm>> -> memref<1x79x128xi32, #tpu.memory_space<hbm>>
      %dma_wait3A_31 = tpu.memref_squeeze %dma_wait3A_30 : memref<1x79x128xi32, #tpu.memory_space<hbm>> -> memref<79x128xi32, #tpu.memory_space<hbm>>
      %dma_wait3A_32 = arith.constant 0 : i32
      %dma_wait3A_33 = arith.constant 0 : i32
      %dma_wait3A_34 = tpu.memref_slice %arg3[%arg1, %dma_wait3A_32, %dma_wait3A_33] : memref<16x79x128xi32, #tpu.memory_space<hbm>> -> memref<1x79x128xi32, #tpu.memory_space<hbm>>
      %dma_wait3A_35 = tpu.memref_squeeze %dma_wait3A_34 : memref<1x79x128xi32, #tpu.memory_space<hbm>> -> memref<79x128xi32, #tpu.memory_space<hbm>>
      tpu.wait_dma2 semaphore(%run_scoped3A : memref<!tpu.dma_semaphore, #tpu.memory_space<semaphore_mem>>) src(%dma_wait3A_35 : memref<79x128xi32, #tpu.memory_space<hbm>>) dst(%arg6 : memref<79x128xi32, #tpu.memory_space<vmem>>)
      tpu.yield
    }) : () -> ()
    "tpu.region"() ({
      %run_scoped3A = tpu.sem_alloc : memref<!tpu.dma_semaphore, #tpu.memory_space<semaphore_mem>>
      %dma_start3A = arith.constant 0 : i32
      %dma_start3A_22 = arith.constant 0 : i32
      %dma_start3A_23 = tpu.memref_slice %arg4[%arg1, %dma_start3A, %dma_start3A_22] : memref<16x79x128xi32, #tpu.memory_space<hbm>> -> memref<1x79x128xi32, #tpu.memory_space<hbm>>
      %dma_start3A_24 = tpu.memref_squeeze %dma_start3A_23 : memref<1x79x128xi32, #tpu.memory_space<hbm>> -> memref<79x128xi32, #tpu.memory_space<hbm>>
      %dma_start3A_25 = arith.constant 0 : i32
      %dma_start3A_26 = arith.constant 0 : i32
      %dma_start3A_27 = tpu.memref_slice %arg4[%arg1, %dma_start3A_25, %dma_start3A_26] : memref<16x79x128xi32, #tpu.memory_space<hbm>> -> memref<1x79x128xi32, #tpu.memory_space<hbm>>
      %dma_start3A_28 = tpu.memref_squeeze %dma_start3A_27 : memref<1x79x128xi32, #tpu.memory_space<hbm>> -> memref<79x128xi32, #tpu.memory_space<hbm>>
      tpu.enqueue_dma source(%dma_start3A_28 : memref<79x128xi32, #tpu.memory_space<hbm>>) target(%arg7 : memref<79x128xi32, #tpu.memory_space<vmem>>) target_semaphore(%run_scoped3A : memref<!tpu.dma_semaphore, #tpu.memory_space<semaphore_mem>>)
      %dma_wait3A = arith.constant 0 : i32
      %dma_wait3A_29 = arith.constant 0 : i32
      %dma_wait3A_30 = tpu.memref_slice %arg4[%arg1, %dma_wait3A, %dma_wait3A_29] : memref<16x79x128xi32, #tpu.memory_space<hbm>> -> memref<1x79x128xi32, #tpu.memory_space<hbm>>
      %dma_wait3A_31 = tpu.memref_squeeze %dma_wait3A_30 : memref<1x79x128xi32, #tpu.memory_space<hbm>> -> memref<79x128xi32, #tpu.memory_space<hbm>>
      %dma_wait3A_32 = arith.constant 0 : i32
      %dma_wait3A_33 = arith.constant 0 : i32
      %dma_wait3A_34 = tpu.memref_slice %arg4[%arg1, %dma_wait3A_32, %dma_wait3A_33] : memref<16x79x128xi32, #tpu.memory_space<hbm>> -> memref<1x79x128xi32, #tpu.memory_space<hbm>>
      %dma_wait3A_35 = tpu.memref_squeeze %dma_wait3A_34 : memref<1x79x128xi32, #tpu.memory_space<hbm>> -> memref<79x128xi32, #tpu.memory_space<hbm>>
      tpu.wait_dma2 semaphore(%run_scoped3A : memref<!tpu.dma_semaphore, #tpu.memory_space<semaphore_mem>>) src(%dma_wait3A_35 : memref<79x128xi32, #tpu.memory_space<hbm>>) dst(%arg7 : memref<79x128xi32, #tpu.memory_space<vmem>>)
      tpu.yield
    }) : () -> ()
    %barrier3A = arith.constant 0 : index
    tpu.barrier barrier_id(%barrier3A)
    %scan3A_7 = arith.constant 0 : i32
    %scan3A_8 = arith.constant 0 : i32
    %scan3A_9 = arith.constant 79 : i32
    %scan3A_10 = arith.addi %scan3A_8, %scan3A_9 : i32
    %scan3A_11 = arith.constant 1 : i32
    %scan3A_12 = scf.for %scan3A_22 = %scan3A_8 to %scan3A_10 step %scan3A_11 iter_args(%scan3A_23 = %scan3A_7) -> (i32)  : i32 {
      "tpu.region"() ({
        %run_scoped3A = tpu.sem_alloc : memref<!tpu.dma_semaphore, #tpu.memory_space<semaphore_mem>>
        %dma_start3A = arith.constant 0 : i32
        %dma_start3A_25 = tpu.memref_slice %arg6[%scan3A_22, %dma_start3A] : memref<79x128xi32, #tpu.memory_space<vmem>> -> memref<1x128xi32, #tpu.memory_space<vmem>>
        %dma_start3A_26 = tpu.memref_squeeze %dma_start3A_25 : memref<1x128xi32, #tpu.memory_space<vmem>> -> memref<128xi32, #tpu.memory_space<vmem>>
        %dma_start3A_27 = arith.constant 0 : i32
        %dma_start3A_28 = tpu.memref_slice %arg2[%dma_start3A_27, %multiple_of3A] : memref<10240x256xf32, #tpu.memory_space<hbm>> -> memref<10240x128xf32, #tpu.memory_space<hbm>>
        tpu.enqueue_indirect_dma source(%dma_start3A_28 : memref<10240x128xf32, #tpu.memory_space<hbm>>) target(%arg8 : memref<128x128xf32, #tpu.memory_space<vmem>>) offsets(%dma_start3A_26 : memref<128xi32, #tpu.memory_space<vmem>>) semaphore(%run_scoped3A : memref<!tpu.dma_semaphore, #tpu.memory_space<semaphore_mem>>)
        %dma_wait3A = arith.constant 0 : i32
        %dma_wait3A_29 = tpu.memref_slice %arg6[%scan3A_22, %dma_wait3A] : memref<79x128xi32, #tpu.memory_space<vmem>> -> memref<1x128xi32, #tpu.memory_space<vmem>>
        %dma_wait3A_30 = tpu.memref_squeeze %dma_wait3A_29 : memref<1x128xi32, #tpu.memory_space<vmem>> -> memref<128xi32, #tpu.memory_space<vmem>>
        %dma_wait3A_31 = arith.constant 0 : i32
        %dma_wait3A_32 = tpu.memref_slice %arg2[%dma_wait3A_31, %multiple_of3A] : memref<10240x256xf32, #tpu.memory_space<hbm>> -> memref<10240x128xf32, #tpu.memory_space<hbm>>
        tpu.wait_indirect_dma semaphore(%run_scoped3A : memref<!tpu.dma_semaphore, #tpu.memory_space<semaphore_mem>>) src(%dma_wait3A_32 : memref<10240x128xf32, #tpu.memory_space<hbm>>) dst(%arg8 : memref<128x128xf32, #tpu.memory_space<vmem>>)
        tpu.yield
      }) : () -> ()
      "tpu.region"() ({
        %run_scoped3A = tpu.sem_alloc : memref<!tpu.dma_semaphore, #tpu.memory_space<semaphore_mem>>
        %dma_start3A = arith.constant 0 : i32
        %dma_start3A_25 = tpu.memref_slice %arg7[%scan3A_22, %dma_start3A] : memref<79x128xi32, #tpu.memory_space<vmem>> -> memref<1x128xi32, #tpu.memory_space<vmem>>
        %dma_start3A_26 = tpu.memref_squeeze %dma_start3A_25 : memref<1x128xi32, #tpu.memory_space<vmem>> -> memref<128xi32, #tpu.memory_space<vmem>>
        %dma_start3A_27 = arith.constant 0 : i32
        %dma_start3A_28 = arith.constant 0 : i32
        %dma_start3A_29 = tpu.memref_slice %arg9[%dma_start3A_27, %dma_start3A_28] : memref<10240x128xf32, #tpu.memory_space<vmem_shared>> -> memref<10240x128xf32, #tpu.memory_space<vmem_shared>>
        tpu.enqueue_indirect_dma source(%arg8 : memref<128x128xf32, #tpu.memory_space<vmem>>) target(%dma_start3A_29 : memref<10240x128xf32, #tpu.memory_space<vmem_shared>>) offsets(%dma_start3A_26 : memref<128xi32, #tpu.memory_space<vmem>>) semaphore(%run_scoped3A : memref<!tpu.dma_semaphore, #tpu.memory_space<semaphore_mem>>) {add = true}
        %dma_wait3A = arith.constant 0 : i32
        %dma_wait3A_30 = tpu.memref_slice %arg7[%scan3A_22, %dma_wait3A] : memref<79x128xi32, #tpu.memory_space<vmem>> -> memref<1x128xi32, #tpu.memory_space<vmem>>
        %dma_wait3A_31 = tpu.memref_squeeze %dma_wait3A_30 : memref<1x128xi32, #tpu.memory_space<vmem>> -> memref<128xi32, #tpu.memory_space<vmem>>
        %dma_wait3A_32 = arith.constant 0 : i32
        %dma_wait3A_33 = arith.constant 0 : i32
        %dma_wait3A_34 = tpu.memref_slice %arg9[%dma_wait3A_32, %dma_wait3A_33] : memref<10240x128xf32, #tpu.memory_space<vmem_shared>> -> memref<10240x128xf32, #tpu.memory_space<vmem_shared>>
        tpu.wait_indirect_dma semaphore(%run_scoped3A : memref<!tpu.dma_semaphore, #tpu.memory_space<semaphore_mem>>) src(%arg8 : memref<128x128xf32, #tpu.memory_space<vmem>>) dst(%dma_wait3A_34 : memref<10240x128xf32, #tpu.memory_space<vmem_shared>>)
        tpu.yield
      }) : () -> ()
      %scan3A_24 = arith.constant 0 : i32
      scf.yield %scan3A_24 : i32
    }
    %scan3A_13 = arith.constant 79 : i32
    %barrier3A_14 = arith.constant 0 : index
    tpu.barrier barrier_id(%barrier3A_14)
    %scan3A_15 = arith.constant 0 : i32
    %scan3A_16 = arith.constant 0 : i32
    %scan3A_17 = arith.constant 5 : i32
    %scan3A_18 = arith.addi %scan3A_16, %scan3A_17 : i32
    %scan3A_19 = arith.constant 1 : i32
    %scan3A_20 = scf.for %scan3A_22 = %scan3A_16 to %scan3A_18 step %scan3A_19 iter_args(%scan3A_23 = %scan3A_15) -> (i32)  : i32 {
      %mul3A_24 = arith.constant 640 : i32
      %mul3A_25 = arith.muli %arg1, %mul3A_24 : i32
      %mul3A_26 = arith.constant 128 : i32
      %mul3A_27 = arith.muli %scan3A_22, %mul3A_26 : i32
      %add3A = arith.addi %mul3A_25, %mul3A_27 : i32
      "tpu.region"() ({
        %run_scoped3A = tpu.sem_alloc : memref<!tpu.dma_semaphore, #tpu.memory_space<semaphore_mem>>
        %dma_start3A = tpu.memref_slice %arg5[%add3A, %multiple_of3A] : memref<10240x256xf32, #tpu.memory_space<hbm>> -> memref<128x128xf32, #tpu.memory_space<hbm>>
        %dma_start3A_29 = arith.constant 0 : i32
        %dma_start3A_30 = tpu.memref_slice %arg9[%add3A, %dma_start3A_29] : memref<10240x128xf32, #tpu.memory_space<vmem_shared>> -> memref<128x128xf32, #tpu.memory_space<vmem_shared>>
        tpu.enqueue_dma source(%dma_start3A_30 : memref<128x128xf32, #tpu.memory_space<vmem_shared>>) target(%dma_start3A : memref<128x128xf32, #tpu.memory_space<hbm>>) target_semaphore(%run_scoped3A : memref<!tpu.dma_semaphore, #tpu.memory_space<semaphore_mem>>)
        %dma_wait3A = tpu.memref_slice %arg5[%add3A, %multiple_of3A] : memref<10240x256xf32, #tpu.memory_space<hbm>> -> memref<128x128xf32, #tpu.memory_space<hbm>>
        %dma_wait3A_31 = arith.constant 0 : i32
        %dma_wait3A_32 = tpu.memref_slice %arg9[%add3A, %dma_wait3A_31] : memref<10240x128xf32, #tpu.memory_space<vmem_shared>> -> memref<128x128xf32, #tpu.memory_space<vmem_shared>>
        tpu.wait_dma2 semaphore(%run_scoped3A : memref<!tpu.dma_semaphore, #tpu.memory_space<semaphore_mem>>) src(%dma_wait3A_32 : memref<128x128xf32, #tpu.memory_space<vmem_shared>>) dst(%dma_wait3A : memref<128x128xf32, #tpu.memory_space<hbm>>)
        tpu.yield
      }) : () -> ()
      %scan3A_28 = arith.constant 0 : i32
      scf.yield %scan3A_28 : i32
    }
    %scan3A_21 = arith.constant 5 : i32
    return
  }
}

module attributes {stable_mosaic.version = 14 : i64} {
  func.func @tc_matmul_scaled(%arg0: i32, %arg1: memref<1024x1xf32, #tpu.memory_space<vmem>>, %arg2: memref<1024x256xf32, #tpu.memory_space<vmem>>, %arg3: memref<256x256xf32, #tpu.memory_space<vmem>>, %arg4: memref<1x256xf32, #tpu.memory_space<vmem>>, %arg5: memref<1024x256xf32, #tpu.memory_space<vmem>>) attributes {dimension_semantics = [#tpu.dimension_semantics<arbitrary>], iteration_bounds = array<i64: 10>, scalar_prefetch = 0 : i64, scratch_operands = 0 : i64, tpu.core_type = #tpu.core_type<tc>, window_params = [{transform_indices = @transform_0, window_bounds = array<i64: 1024, 1>}, {transform_indices = @transform_1, window_bounds = array<i64: 1024, 256>}, {pipeline_mode = #tpu.pipeline_mode<synchronous>, transform_indices = @transform_2, window_bounds = array<i64: 256, 256>}, {pipeline_mode = #tpu.pipeline_mode<synchronous>, transform_indices = @transform_3, window_bounds = array<i64: 1, 256>}, {transform_indices = @transform_4, window_bounds = array<i64: 1024, 256>}]} {
    %get3A = arith.constant 0 : index
    %get3A_0 = arith.constant 0 : index
    %get3A_1 = vector.load %arg1[%get3A, %get3A_0] : memref<1024x1xf32, #tpu.memory_space<vmem>>, vector<1024x1xf32>
    %add3A = arith.constant 1.000000e+00 : f32
    %add3A_2 = vector.broadcast %add3A : f32 to vector<1024x1xf32>
    %add3A_3 = arith.addf %get3A_1, %add3A_2 : vector<1024x1xf32>
    %rsqrt3A = math.rsqrt %add3A_3 : vector<1024x1xf32>
    %get3A_4 = arith.constant 0 : index
    %get3A_5 = arith.constant 0 : index
    %get3A_6 = vector.load %arg2[%get3A_4, %get3A_5] : memref<1024x256xf32, #tpu.memory_space<vmem>>, vector<1024x256xf32>
    %get3A_7 = arith.constant 0 : index
    %get3A_8 = arith.constant 0 : index
    %get3A_9 = vector.load %arg3[%get3A_7, %get3A_8] : memref<256x256xf32, #tpu.memory_space<vmem>>, vector<256x256xf32>
    %dot_general3A = arith.constant dense<0.000000e+00> : vector<1024x256xf32>
    %dot_general3A_10 = tpu.matmul %get3A_6, %get3A_9, %dot_general3A {dimension_numbers = #tpu.dot_dimension_numbers<[1], [0], [0], [1], [0, 0, 1, 1], [], []>, transpose_lhs_hint = false} : vector<1024x256xf32>, vector<256x256xf32>, vector<1024x256xf32> -> vector<1024x256xf32>
    %get3A_11 = arith.constant 0 : index
    %get3A_12 = arith.constant 0 : index
    %get3A_13 = vector.load %arg4[%get3A_11, %get3A_12] : memref<1x256xf32, #tpu.memory_space<vmem>>, vector<1x256xf32>
    %add3A_14 = vector.broadcast %get3A_13 : vector<1x256xf32> to vector<1024x256xf32>
    %add3A_15 = arith.addf %dot_general3A_10, %add3A_14 : vector<1024x256xf32>
    %mul3A = vector.broadcast %rsqrt3A : vector<1024x1xf32> to vector<1024x256xf32>
    %mul3A_16 = arith.mulf %add3A_15, %mul3A : vector<1024x256xf32>
    %swap3A = arith.constant 0 : index
    %swap3A_17 = arith.constant 0 : index
    %swap3A_18 = vector.load %arg5[%swap3A, %swap3A_17] : memref<1024x256xf32, #tpu.memory_space<vmem>>, vector<1024x256xf32>
    tpu.vector_store %arg5[%swap3A, %swap3A_17], %mul3A_16 {strides = array<i32>} : memref<1024x256xf32, #tpu.memory_space<vmem>>, vector<1024x256xf32>,
    return
  }
  func.func @transform_0(%arg0: i32) -> (i32, i32) {
    %c0_i32 = arith.constant 0 : i32
    %c0_i32_0 = arith.constant 0 : i32
    return %arg0, %c0_i32 : i32, i32
  }
  func.func @transform_1(%arg0: i32) -> (i32, i32) {
    %c0_i32 = arith.constant 0 : i32
    %c0_i32_0 = arith.constant 0 : i32
    return %arg0, %c0_i32 : i32, i32
  }
  func.func @transform_2(%arg0: i32) -> (i32, i32) {
    %c0_i32 = arith.constant 0 : i32
    %c0_i32_0 = arith.constant 0 : i32
    %c0_i32_1 = arith.constant 0 : i32
    return %c0_i32, %c0_i32_0 : i32, i32
  }
  func.func @transform_3(%arg0: i32) -> (i32, i32) {
    %c0_i32 = arith.constant 0 : i32
    %c0_i32_0 = arith.constant 0 : i32
    %c0_i32_1 = arith.constant 0 : i32
    return %c0_i32, %c0_i32_0 : i32, i32
  }
  func.func @transform_4(%arg0: i32) -> (i32, i32) {
    %c0_i32 = arith.constant 0 : i32
    %c0_i32_0 = arith.constant 0 : i32
    return %arg0, %c0_i32 : i32, i32
  }
}

module attributes {stable_mosaic.version = 14 : i64} {
  func.func @tc_matmul_scaled(%arg0: i32, %arg1: memref<1024x1xf32, #tpu.memory_space<vmem>>, %arg2: memref<1024x256xf32, #tpu.memory_space<vmem>>, %arg3: memref<256x256xf32, #tpu.memory_space<vmem>>, %arg4: memref<1x256xf32, #tpu.memory_space<vmem>>, %arg5: memref<1024x256xf32, #tpu.memory_space<vmem>>) attributes {dimension_semantics = [#tpu.dimension_semantics<arbitrary>], iteration_bounds = array<i64: 10>, scalar_prefetch = 0 : i64, scratch_operands = 0 : i64, tpu.core_type = #tpu.core_type<tc>, window_params = [{transform_indices = @transform_0, window_bounds = array<i64: 1024, 1>}, {transform_indices = @transform_1, window_bounds = array<i64: 1024, 256>}, {pipeline_mode = #tpu.pipeline_mode<synchronous>, transform_indices = @transform_2, window_bounds = array<i64: 256, 256>}, {pipeline_mode = #tpu.pipeline_mode<synchronous>, transform_indices = @transform_3, window_bounds = array<i64: 1, 256>}, {transform_indices = @transform_4, window_bounds = array<i64: 1024, 256>}]} {
    %get3A = arith.constant 0 : index
    %get3A_0 = arith.constant 0 : index
    %get3A_1 = vector.load %arg1[%get3A, %get3A_0] : memref<1024x1xf32, #tpu.memory_space<vmem>>, vector<1024x1xf32>
    %add3A = arith.constant 1.000000e+00 : f32
    %add3A_2 = vector.broadcast %add3A : f32 to vector<1024x1xf32>
    %add3A_3 = arith.addf %get3A_1, %add3A_2 : vector<1024x1xf32>
    %rsqrt3A = math.rsqrt %add3A_3 : vector<1024x1xf32>
    %get3A_4 = arith.constant 0 : index
    %get3A_5 = arith.constant 0 : index
    %get3A_6 = vector.load %arg2[%get3A_4, %get3A_5] : memref<1024x256xf32, #tpu.memory_space<vmem>>, vector<1024x256xf32>
    %mul3A = vector.broadcast %rsqrt3A : vector<1024x1xf32> to vector<1024x256xf32>
    %mul3A_7 = arith.mulf %get3A_6, %mul3A : vector<1024x256xf32>
    %max3A = arith.constant 0.000000e+00 : f32
    %max3A_8 = vector.broadcast %max3A : f32 to vector<1024x256xf32>
    %max3A_9 = arith.maximumf %mul3A_7, %max3A_8 : vector<1024x256xf32>
    %get3A_10 = arith.constant 0 : index
    %get3A_11 = arith.constant 0 : index
    %get3A_12 = vector.load %arg3[%get3A_10, %get3A_11] : memref<256x256xf32, #tpu.memory_space<vmem>>, vector<256x256xf32>
    %dot_general3A = arith.constant dense<0.000000e+00> : vector<1024x256xf32>
    %dot_general3A_13 = tpu.matmul %max3A_9, %get3A_12, %dot_general3A {dimension_numbers = #tpu.dot_dimension_numbers<[1], [0], [0], [1], [0, 0, 1, 1], [], []>, transpose_lhs_hint = false} : vector<1024x256xf32>, vector<256x256xf32>, vector<1024x256xf32> -> vector<1024x256xf32>
    %get3A_14 = arith.constant 0 : index
    %get3A_15 = arith.constant 0 : index
    %get3A_16 = vector.load %arg4[%get3A_14, %get3A_15] : memref<1x256xf32, #tpu.memory_space<vmem>>, vector<1x256xf32>
    %add3A_17 = vector.broadcast %get3A_16 : vector<1x256xf32> to vector<1024x256xf32>
    %add3A_18 = arith.addf %dot_general3A_13, %add3A_17 : vector<1024x256xf32>
    %mul3A_19 = vector.broadcast %rsqrt3A : vector<1024x1xf32> to vector<1024x256xf32>
    %mul3A_20 = arith.mulf %add3A_18, %mul3A_19 : vector<1024x256xf32>
    %swap3A = arith.constant 0 : index
    %swap3A_21 = arith.constant 0 : index
    %swap3A_22 = vector.load %arg5[%swap3A, %swap3A_21] : memref<1024x256xf32, #tpu.memory_space<vmem>>, vector<1024x256xf32>
    tpu.vector_store %arg5[%swap3A, %swap3A_21], %mul3A_20 {strides = array<i32>} : memref<1024x256xf32, #tpu.memory_space<vmem>>, vector<1024x256xf32>,
    return
  }
  func.func @transform_0(%arg0: i32) -> (i32, i32) {
    %c0_i32 = arith.constant 0 : i32
    %c0_i32_0 = arith.constant 0 : i32
    return %arg0, %c0_i32 : i32, i32
  }
  func.func @transform_1(%arg0: i32) -> (i32, i32) {
    %c0_i32 = arith.constant 0 : i32
    %c0_i32_0 = arith.constant 0 : i32
    return %arg0, %c0_i32 : i32, i32
  }
  func.func @transform_2(%arg0: i32) -> (i32, i32) {
    %c0_i32 = arith.constant 0 : i32
    %c0_i32_0 = arith.constant 0 : i32
    %c0_i32_1 = arith.constant 0 : i32
    return %c0_i32, %c0_i32_0 : i32, i32
  }
  func.func @transform_3(%arg0: i32) -> (i32, i32) {
    %c0_i32 = arith.constant 0 : i32
    %c0_i32_0 = arith.constant 0 : i32
    %c0_i32_1 = arith.constant 0 : i32
    return %c0_i32, %c0_i32_0 : i32, i32
  }
  func.func @transform_4(%arg0: i32) -> (i32, i32) {
    %c0_i32 = arith.constant 0 : i32
    %c0_i32_0 = arith.constant 0 : i32
    return %arg0, %c0_i32 : i32, i32
  }
}

module attributes {stable_mosaic.version = 14 : i64} {
  func.func @tc_relu_scale(%arg0: i32, %arg1: memref<1000x1xf32, #tpu.memory_space<vmem>>, %arg2: memref<1000x256xf32, #tpu.memory_space<vmem>>, %arg3: memref<1000x256xf32, #tpu.memory_space<vmem>>) attributes {dimension_semantics = [#tpu.dimension_semantics<arbitrary>], iteration_bounds = array<i64: 10>, scalar_prefetch = 0 : i64, scratch_operands = 0 : i64, tpu.core_type = #tpu.core_type<tc>, window_params = [{transform_indices = @transform_0, window_bounds = array<i64: 1000, 1>}, {transform_indices = @transform_1, window_bounds = array<i64: 1000, 256>}, {transform_indices = @transform_2, window_bounds = array<i64: 1000, 256>}]} {
    %get3A = arith.constant 0 : index
    %get3A_0 = arith.constant 0 : index
    %get3A_1 = vector.load %arg1[%get3A, %get3A_0] : memref<1000x1xf32, #tpu.memory_space<vmem>>, vector<1000x1xf32>
    %add3A = arith.constant 1.000000e+00 : f32
    %add3A_2 = vector.broadcast %add3A : f32 to vector<1000x1xf32>
    %add3A_3 = arith.addf %get3A_1, %add3A_2 : vector<1000x1xf32>
    %rsqrt3A = math.rsqrt %add3A_3 : vector<1000x1xf32>
    %get3A_4 = arith.constant 0 : index
    %get3A_5 = arith.constant 0 : index
    %get3A_6 = vector.load %arg2[%get3A_4, %get3A_5] : memref<1000x256xf32, #tpu.memory_space<vmem>>, vector<1000x256xf32>
    %mul3A = vector.broadcast %rsqrt3A : vector<1000x1xf32> to vector<1000x256xf32>
    %mul3A_7 = arith.mulf %get3A_6, %mul3A : vector<1000x256xf32>
    %max3A = arith.constant 0.000000e+00 : f32
    %max3A_8 = vector.broadcast %max3A : f32 to vector<1000x256xf32>
    %max3A_9 = arith.maximumf %mul3A_7, %max3A_8 : vector<1000x256xf32>
    %swap3A = arith.constant 0 : index
    %swap3A_10 = arith.constant 0 : index
    %swap3A_11 = vector.load %arg3[%swap3A, %swap3A_10] : memref<1000x256xf32, #tpu.memory_space<vmem>>, vector<1000x256xf32>
    tpu.vector_store %arg3[%swap3A, %swap3A_10], %max3A_9 {strides = array<i32>} : memref<1000x256xf32, #tpu.memory_space<vmem>>, vector<1000x256xf32>,
    return
  }
  func.func @transform_0(%arg0: i32) -> (i32, i32) {
    %c0_i32 = arith.constant 0 : i32
    %c0_i32_0 = arith.constant 0 : i32
    return %arg0, %c0_i32 : i32, i32
  }
  func.func @transform_1(%arg0: i32) -> (i32, i32) {
    %c0_i32 = arith.constant 0 : i32
    %c0_i32_0 = arith.constant 0 : i32
    return %arg0, %c0_i32 : i32, i32
  }
  func.func @transform_2(%arg0: i32) -> (i32, i32) {
    %c0_i32 = arith.constant 0 : i32
    %c0_i32_0 = arith.constant 0 : i32
    return %arg0, %c0_i32 : i32, i32
  }
}

</mosaic_0001>

<sc_bundles>
// kernel: sc_degree_hist.3.cloned.1.call-start
scs
__scs_entry_jumppad:
0x0: {  	(pc) =	sbr.rel $0x88, $3  }
0x1: {  	(tag) =	ssettag $0x0;
	lr =	simm.s32 $0x1  }
0x2: {  	[smem:$0x3F9B] =	sst lr;
	_ =	strace $0xD0000000  }
0x3: {  	_ = 	snop  }
0x4: {  	_ = 	snop  }
0x5: {  	_ = 	snop  }
0x6: {  	_ = 	snop  }
0x7: {  	_ = 	snop  }
__scs_overlays_trampoline_lowered:
0x8: {  	[smem:$0x3FAA] =	sst s0  }
0x9: {  	[smem:$0x3FAB] =	sst s1  }
0xa: {  	[smem:$0x3FAC] =	sst s2  }
0xb: {  	[smem:$0x3FAD] =	sst s3  }
0xc: {  	[smem:$0x3FAE] =	sst s4  }
0xd: {  	[smem:$0x3FAF] =	sst s5  }
0xe: {  	[smem:$0x3FB0] =	sst s6  }
0xf: {  	[smem:$0x3FB1] =	sst s7  }
0x10: {  	[smem:$0x3FB2] =	sst s8  }
0x11: {  	[smem:$0x3FB3] =	sst s9;
	s0 =	simm.s32 @!p0 $0x0  }
0x12: {  	s1 =	sld [smem:$0x3F99];
	s0 =	simm.s32 @p0 $0x1  }
0x13: {  	[smem:$0x3FB4] =	sst s0;
	s0 =	simm.s32 @!p1 $0x0  }
0x14: {  	s2 =	sld [smem:$0x3F98];
	s0 =	simm.s32 @p1 $0x1  }
0x15: {  	[smem:$0x3FB5] =	sst s0;
	s0 =	simm.s32 @!p2 $0x0  }
0x16: {  	s3 =	sld [smem:$0x3FDB];
	s0 =	simm.s32 @p2 $0x1  }
0x17: {  	s4 =	simm.s32 $0x1BF5;
	[smem:$0x3FB7] =	sst s0  }
0x18: {  	s0 =	sld [smem:$0x3F9A];
	_ =	swait.ge [sflag:s4], $0x0  }
0x19: {  	s7 =	sld [smem:$0x3F9B]  }
0x1a: {  	s8 =	sadd.s32 $0xFFFFE003, lr  }
0x1b: {  	s9 =	sadd.s32 $0xFFFFFEF7, lr;
	s5 =	simm.s32 $0xFFFFFFFF;
	p2 =	slt.u32 s8, $0xFFFFF086  }
0x1c: {  	p1 =	slt.u32 s9, $0xF7A;
	s5 =	simm.s32 @!p2 $0x0  }
0x1d: {  	s5 =	simm.s32 @p1 $0x1;
	p0 =	seq.s32 s7, s2  }
0x1e: {  	s7 =	smul.u32 @!p0 $0xF7A, s2;
	p2 =	seq.s32 @!p0 s5, $0x0  }
0x1f: {  	s9 =	smul.u32 $0xF7A, s1;
	s8 =	simm.s32 @!p0 $0x1BF5;
	p2 =	por !p2, p0  }
0x20: {  	[sflag:s8] =	ssyncset.s32 @!p0 $0xFFFFF086;
	s6 =	sadd.s32 @!p0 s3, s7;
	s7 =	simm.s32 @!p0 $0x108  }
0x21: {  	s3 =	sadd.s32 s3, s9;
	s6 =	sadd.s32 @!p0 $0x88, s6;
	s7 =	simm.s32 @p2 $0x1082  }
0x22: {  	[simem:s7], [sflag:s8] =	dma.local @!p0 [hbm:s6], $0xF7A  }
0x23: {  	s9 =	sor.u32 $0xD0000000, s2;
	s6 =	simm.s32 $0x108;
	_ =	swait.ge @!p0 [sflag:s8], $0x0  }
0x24: {  	s3 =	sadd.s32 $0x88, s3;
	s6 =	simm.s32 @!p1 $0x1082;
	[sflag:s4] =	ssyncset.s32 $0xFFFFF086  }
0x25: {  	[simem:s6], [sflag:s4] =	dma.local [hbm:s3], $0xF7A  }
0x26: {  	[smem:$0x3F9B] =	sst s1;
	(tag) =	ssettag s2;
	_ =	strace s9  }
0x27: {  	s1 =	sld [smem:$0x3FAB]  }
0x28: {  	s2 =	sld [smem:$0x3FAC]  }
0x29: {  	s4 =	sld [smem:$0x3FAE]  }
0x2a: {  	p0 =	seq.s32 s5, $0x0;
	s5 =	sld [smem:$0x3FAF]  }
0x2b: {  	s6 =	sld [smem:$0x3FB0]  }
0x2c: {  	s7 =	sld [smem:$0x3FB1]  }
0x2d: {  	s3 =	simm.s32 $0x108;
	s8 =	sld [smem:$0x3FB2]  }
0x2e: {  	s3 =	simm.s32 @!p0 $0x1082;
	s9 =	sld [smem:$0x3FB3]  }
0x2f: {  	lr =	sadd.s32 s0, s3;
	s0 =	sld [smem:$0x3FAA]  }
0x30: {  	s3 =	sld [smem:$0x3FAD]  }
0x31: {  	[smem:$0x3FB6] =	sst s10  }
0x32: {  	s10 =	sld [smem:$0x3FB4];
	_ =	sdelay $0x3  }
0x33: {  	p0 =	seq.s32 s10, $0x1;
	s10 =	sld [smem:$0x3FB6];
	_ =	sdelay $0x3  }
0x34: {  	[smem:$0x3FB6] =	sst s10  }
0x35: {  	s10 =	sld [smem:$0x3FB5];
	_ =	sdelay $0x3  }
0x36: {  	p1 =	seq.s32 s10, $0x1;
	s10 =	sld [smem:$0x3FB6];
	_ =	sdelay $0x3  }
0x37: {  	[smem:$0x3FB6] =	sst s10  }
0x38: {  	s10 =	sld [smem:$0x3FB7]  }
0x39: {  	_ = 	snop;
	(pc) =	sbr.ind lr, $3  }
0x3a: {  	_ = 	snop  }
0x3b: {  	_ = 	snop  }
0x3c: {  	p2 =	seq.s32 s10, $0x1;
	s10 =	sld [smem:$0x3FB6]  }
0x3d: {  	_ =	shalt  }
0x3e: {  	_ =	shalt  }
0x3f: {  	_ =	shalt  }
0x40: {  	_ =	shalt  }
0x41: {  	_ =	shalt  }
0x42: {  	_ =	shalt  }
0x43: {  	_ =	shalt  }
0x44: {  	_ =	shalt  }
0x45: {  	_ =	shalt  }
0x46: {  	_ =	shalt  }
0x47: {  	_ =	shalt  }
0x48: {  	_ =	shalt  }
0x49: {  	_ =	shalt  }
0x4a: {  	_ =	shalt  }
0x4b: {  	_ =	shalt  }
0x4c: {  	_ =	shalt  }
0x4d: {  	_ =	shalt  }
0x4e: {  	_ =	shalt  }
0x4f: {  	_ =	shalt  }
0x50: {  	_ =	shalt  }
0x51: {  	_ =	shalt  }
0x52: {  	_ =	shalt  }
0x53: {  	_ =	shalt  }
0x54: {  	_ =	shalt  }
0x55: {  	_ =	shalt  }
0x56: {  	_ =	shalt  }
0x57: {  	_ =	shalt  }
0x58: {  	_ =	shalt  }
0x59: {  	_ =	shalt  }
0x5a: {  	_ =	shalt  }
0x5b: {  	_ =	shalt  }
0x5c: {  	_ =	shalt  }
0x5d: {  	_ =	shalt  }
0x5e: {  	_ =	shalt  }
0x5f: {  	_ =	shalt  }
0x60: {  	_ =	shalt  }
0x61: {  	_ =	shalt  }
0x62: {  	_ =	shalt  }
0x63: {  	_ =	shalt  }
0x64: {  	_ =	shalt  }
0x65: {  	_ =	shalt  }
0x66: {  	_ =	shalt  }
0x67: {  	_ =	shalt  }
0x68: {  	_ =	shalt  }
0x69: {  	_ =	shalt  }
0x6a: {  	_ =	shalt  }
0x6b: {  	_ =	shalt  }
0x6c: {  	_ =	shalt  }
0x6d: {  	_ =	shalt  }
0x6e: {  	_ =	shalt  }
0x6f: {  	_ =	shalt  }
0x70: {  	_ =	shalt  }
0x71: {  	_ =	shalt  }
0x72: {  	_ =	shalt  }
0x73: {  	_ =	shalt  }
0x74: {  	_ =	shalt  }
0x75: {  	_ =	shalt  }
0x76: {  	_ =	shalt  }
0x77: {  	_ =	shalt  }
0x78: {  	_ =	shalt  }
0x79: {  	_ =	shalt  }
0x7a: {  	_ =	shalt  }
0x7b: {  	_ =	shalt  }
0x7c: {  	_ =	shalt  }
0x7d: {  	_ =	shalt  }
0x7e: {  	_ =	shalt  }
0x7f: {  	_ =	shalt  }
0x80: {  	_ =	shalt  }
0x81: {  	_ =	shalt  }
0x82: {  	_ =	shalt  }
0x83: {  	_ =	shalt  }
0x84: {  	_ =	shalt  }
0x85: {  	_ =	shalt  }
0x86: {  	_ =	shalt  }
0x87: {  	_ =	shalt  }
.Lfunc_end0:
.L_simem_size_0:
called_computation_lowered:
.L_overlay_start_0:
0x88: {  	s2 =	sld [smem:$0x3FD9]  }
0x89: {  	s3 =	sld [smem:$0x3FFE];
	_ =	sdelay $0x1  }
0x8a: {  	s1 =	srdreg.scid  }
0x8b: {  	s0 =	sand.u32 $0x1, s1  }
0x8c: {  	s17 =	sshll.u32 s0, $0xA;
	s2 =	sadd.s32 s3, s2  }
0x8d: {  	s2 =	sadd.s32 s2, s17  }
0x8e: {  	[smem:$0x3FC2] =	sst s2  }
0x8f: {  	_ = 	snop  }
0x90: {  	s2 =	sld [smem:$0x3FD0];
	(tm) =	ssettm $0x1  }
0x91: {  	s18 =	sld [smem:$0x3FFB];
	_ =	sdelay $0x3  }
0x92: {  	_ =	strace s18  }
0x93: {  	s3 =	sld [smem:$0x3FFC];
	_ =	sdelay $0x3  }
0x94: {  	_ =	strace s3  }
0x95: {  	s3 =	sld [smem:$0x3FFD];
	_ =	sdelay $0x3  }
0x96: {  	_ =	strace s3  }
0x97: {  	_ =	strace $0x8FFFFFFF  }
0x98: {  	s19 =	sld [smem:$0x3FDB];
	_ =	sdelay $0x1  }
0x99: {  	s4 =	simm.s32 $_scs_section_size  }
0x9a: {  	s5 =	simm.s32 $_size__tile_overlayer_lowered;
	s6 =	simm.s32 $_tile_overlayer_lowered  }
0x9b: {  	s22 =	simm.s32 $0x1BFF;
	s21 =	sshll.u32 s6, $0x1;
	s3 =	sadd.s32 s4, s19  }
0x9c: {  	s7 =	simm.s32 $0x0;
	s20 =	sshll.u32 s5, $0x1;
	s5 =	sadd.s32 s21, s3  }
0x9d: {  	[timem:s7], [sflag:s22] =	dma.local [hbm:s5], s20  }
0x9e: {  	_ =	swait.ge [sflag:s22], s20  }
0x9f: {  	s4 =	ssub.s32 $0x0, s20;
	[sflag:s22] =	ssyncset.done $0x0  }
0xa0: {  	[sflag:s22] =	ssyncadd.s32 s4;
	_ =	sdelay $0x1  }
0xa1: {  	s23 =	simm.s32 $0x1B8B  }
0xa2: {  	_ =	swait.ge [sflag:s23], $0x1  }
0xa3: {  	[sflag:s23] =	ssyncset.done $0x0  }
0xa4: {  	s25 =	simm.s32 $0x1B8E;
	s24 =	sld [smem:$0x3FFE];
	[sflag:s23] =	ssyncadd.s32 $0xFFFFFFFF  }
0xa5: {  	s26 =	simm.s32 $execute0_lowered;
	[smem:$0x3FD2] =	sst s25  }
0xa6: {  	s5 =	sshll.u32 s26, $0x1;
	_ =	strace $0x80000046;
	[dreg:$0x1] =	wrdreg $0xFFFFFFFF  }
0xa7: {  	s28 =	simm.s32 $_size_execute0_lowered;
	s3 =	sadd.s32 s3, s5;
	[dreg:$0x0] =	wrdreg $0x0  }
0xa8: {  	s5 =	sshll.u32 s28, $0x1;
	[dreg:$0x2] =	wrdreg s3  }
0xa9: {  	[dreg:$0x3] =	wrdreg s5  }
0xaa: {  	[dreg:$0x4] =	wrdreg $0xC0  }
0xab: {  	_ =	task [dreg:s7], $0x5FFFF  }
0xac: {  	[dreg:$0x1] =	wrdreg $0xFFFFFFFF  }
0xad: {  	[dreg:$0x0] =	wrdreg $0x60  }
0xae: {  	[dreg:$0x2] =	wrdreg s2  }
0xaf: {  	[dreg:$0x3] =	wrdreg s24  }
0xb0: {  	[dreg:$0x4] =	wrdreg $0x2B000  }
0xb1: {  	[dreg:$0x5] =	wrdreg $0x9  }
0xb2: {  	_ =	task.clear_ibuf [dreg:s7], $0x6FFFF;
	_ =	strace $0x90000046  }
0xb3: {  	s29 =	simm.s32 $0x9;
	_ =	strace $0x80000048  }
0xb4: {  	_ =	swait.ge [sflag:s29], $0x1  }
0xb5: {  	[sflag:s29] =	ssyncadd.s32 $0xFFFFFFFF  }
0xb6: {  	_ =	strace $0x90000048  }
0xb7: {  	_ =	sfence  }
0xb8: {  	s30 =	sld [smem:$0x0];
	_ =	sdelay $0x2  }
0xb9: {  	s31 =	sshll.u32 s1, $0xD;
	s1 =	sshrl.u32 s1, $0x2  }
0xba: {  	s3 =	sand.u32 $0x4000, s31;
	s1 =	sadd.s32 s1, s30  }
0xbb: {  	s0 =	sor.u32 s3, s0;
	s1 =	sshll.u32 s1, $0x11  }
0xbc: {  	s0 =	sor.u32 s1, s0  }
0xbd: {  	s0 =	sadd.s32 $0x8F2B, s0  }
0xbe: {  	[sflag:s0] =	ssyncadd.remote.s32 $0x1  }
0xbf: {  	_ =	sfence.sel $0xFFFF  }
0xc0: {  	[dreg:$0x0] =	wrdreg $0xFFFFFFFF;
	(pc) =	sbr.abs _section_cstart, $3  }
0xc1: {  	[dreg:$0x1] =	wrdreg $0xFFFFFFFF  }
0xc2: {  	_ =	task.clear_ibuf [dreg:s7], $0x2FFFF;
	_ =	strace $0x9FFFFFFF  }
0xc3: {  	(tm) =	ssettm $0x7FFFFFFF  }
tec
execute0_lowered:
.L_overlay_start_1:
0x0: {  	(tag) =	ssettag $0x1  }
0x1: {  	s5 =	rddreg [dreg:$0x0]  }
0x2: {  	s4 =	rddreg [dreg:$0x1]  }
0x3: {  	s2 =	rddreg [dreg:$0x2]  }
0x4: {  	s0 =	rddreg [dreg:$0x3];
	s3 =	simm.s32 $0x0;
	s1 =	stileid.u32  }
0x5: {  	s6 =	srdreg.scid;
	s11 =	simm.s32 $0x2800;
	s7 =	smul.u32 $0x280, s1  }
0x6: {  	[smem:$0x7FF] =	sst s3;
	s12 =	sand.u32 $0x1, s6;
	s10 =	smul.u32 $0x500, s1  }
0x7: {  	_ =	strace $0x80000047;
	s6 =	ssub.s32 $0x2, s12;
	p0 =	sne.s32 s12, $0x0  }
0x8: {  	s12 =	simm.s32 $0x0;
	s8 =	sshrl.u32 s7, $0x3;
	s9 =	sshrl.u32 s6, $0x1  }
0x9: {  	s5 =	sadd.s32 s5, s10;
	s10 =	simm.s32 $0x80;
	s8 =	sadd.s32 s8, s4  }
0xa: {  	s9 =	ssub.s32 s6, s9;
	s4 =	sadd.s32 s7, s2;
	s6 =	sadd.s32 $0x1400, s8  }
0xb: {  	v0 =	vimm.f32 $1.000000000e+00;
	v1 =	vimm.f32 $0.0e+00;
	s7 =	smax.u32 s9, $0x1;
	s8 =	simm.s32 $0x2880;
	s9 =	simm.s32 $0x1  }
.LBB2_1:
0xc: {  	[tilespmem:$0x2800] =	vst v0  }
0xd: {  	[tilespmem:$0x2810] =	vst v0  }
0xe: {  	[tilespmem:$0x2820] =	vst v0  }
0xf: {  	[tilespmem:$0x2830] =	vst v0  }
0x10: {  	[tilespmem:$0x2840] =	vst v0  }
0x11: {  	[tilespmem:$0x2850] =	vst v0  }
0x12: {  	[tilespmem:$0x2860] =	vst v0  }
0x13: {  	[tilespmem:$0x2870] =	vst v0  }
0x14: {  	[tilespmem:$0x2880] =	vst v1  }
0x15: {  	[tilespmem:$0x2890] =	vst v1  }
0x16: {  	[tilespmem:$0x28A0] =	vst v1  }
0x17: {  	[tilespmem:$0x28B0] =	vst v1  }
0x18: {  	[tilespmem:$0x28C0] =	vst v1  }
0x19: {  	[tilespmem:$0x28D0] =	vst v1  }
0x1a: {  	[tilespmem:$0x28E0] =	vst v1  }
0x1b: {  	[tilespmem:$0x28F0] =	vst v1  }
0x1c: {  	[tilespmem:$0x2900] =	vst v1  }
0x1d: {  	[tilespmem:$0x2910] =	vst v1  }
0x1e: {  	[tilespmem:$0x2920] =	vst v1  }
0x1f: {  	[tilespmem:$0x2930] =	vst v1  }
0x20: {  	[tilespmem:$0x2940] =	vst v1  }
0x21: {  	[tilespmem:$0x2950] =	vst v1  }
0x22: {  	[tilespmem:$0x2960] =	vst v1  }
0x23: {  	[tilespmem:$0x2970] =	vst v1  }
0x24: {  	[tilespmem:$0x2980] =	vst v1  }
0x25: {  	[tilespmem:$0x2990] =	vst v1  }
0x26: {  	[tilespmem:$0x29A0] =	vst v1  }
0x27: {  	[tilespmem:$0x29B0] =	vst v1  }
0x28: {  	[tilespmem:$0x29C0] =	vst v1  }
0x29: {  	[tilespmem:$0x29D0] =	vst v1  }
0x2a: {  	[tilespmem:$0x29E0] =	vst v1  }
0x2b: {  	[tilespmem:$0x29F0] =	vst v1  }
0x2c: {  	[tilespmem:$0x2A00] =	vst v1  }
0x2d: {  	[tilespmem:$0x2A10] =	vst v1  }
0x2e: {  	[tilespmem:$0x2A20] =	vst v1  }
0x2f: {  	[tilespmem:$0x2A30] =	vst v1  }
0x30: {  	[tilespmem:$0x2A40] =	vst v1  }
0x31: {  	[tilespmem:$0x2A50] =	vst v1  }
0x32: {  	[tilespmem:$0x2A60] =	vst v1  }
0x33: {  	[tilespmem:$0x2A70] =	vst v1  }
0x34: {  	[tilespmem:$0x2A80] =	vst v1  }
0x35: {  	[tilespmem:$0x2A90] =	vst v1  }
0x36: {  	[tilespmem:$0x2AA0] =	vst v1  }
0x37: {  	[tilespmem:$0x2AB0] =	vst v1  }
0x38: {  	[tilespmem:$0x2AC0] =	vst v1  }
0x39: {  	[tilespmem:$0x2AD0] =	vst v1  }
0x3a: {  	[tilespmem:$0x2AE0] =	vst v1  }
0x3b: {  	[tilespmem:$0x2AF0] =	vst v1  }
0x3c: {  	[spmem:s4] =	stream.linear.scatter [tilespmem:s8], [sflag:$0x1], $0x280, $0x38;
	[tilespmem:$0x2D80] =	vst v63  }
0x3d: {  	_ =	swait.ge [sflag:s9], $0x280  }
0x3e: {  	[sflag:s9] =	ssyncset.done $0x0  }
0x3f: {  	[sflag:s9] =	ssyncadd.s32 $0xFFFFFD80  }
0x40: {  	[bflag:$0x0] =	sbarrier.arrive $0xFFFF  }
0x41: {  	[tilespmem:s3], [sflag:$0x1] =	stream.linear.gather [hbm4b:s5+s3], $0x2780, $0x38;
	[tilespmem:$0x2D80] =	vst v63  }
0x42: {  	_ =	swait.ge [sflag:s9], $0x2780  }
0x43: {  	[sflag:s9] =	ssyncset.done $0x0  }
0x44: {  	s13 =	simm.s32 $0x0;
	[sflag:s9] =	ssyncadd.s32 $0xFFFFD880  }
0x45: {  	[spmem:s2] =	stream.indirect.scatter.add.f32 [tilespmem:s11], [sflag:$0x1], $0x1, s13, s10, $0xb8;
	[tilespmem:$0x2D80] =	vst v63  }
0x46: {  	_ =	swait.ge [sflag:s9], $0x80  }
0x47: {  	s13 =	simm.s32 $0x200;
	[sflag:s9] =	ssyncset.done $0x0  }
.LBB2_2:
0x48: {  	s14 =	sshra.s32 s13, $0x2;
	[sflag:s9] =	ssyncadd.s32 $0xFFFFFF80;
	p1 =	sne.s32 s13, $0x9C00  }
0x49: {  	[spmem:s2] =	stream.indirect.scatter.add.f32 [tilespmem:s11], [sflag:$0x1], $0x1, s14, s10, $0xb8;
	[tilespmem:$0x2D80] =	vst v63  }
.Ltmp0:
0x4a: {  	_ = 	snop;
	(pc) =	sbr.rel @p1 .LBB2_2-.Ltmp0, $4  }
0x4b: {  	_ = 	snop  }
0x4c: {  	s13 =	sadd.s32 $0x200, s13  }
0x4d: {  	_ =	swait.ge [sflag:s9], $0x80  }
0x4e: {  	[sflag:s9] =	ssyncset.done $0x0  }
0x4f: {  	[sflag:s9] =	ssyncadd.s32 $0xFFFFFF80  }
0x50: {  	s13 =	simm.s32 @!p0 $0x2880;
	s14 =	simm.s32 @!p0 $0x1;
	[bflag:$0x0] =	sbarrier.arrive $0xFFFF  }
0x51: {  	[tilespmem:s13], [sflag:$0x1] =	stream.linear.gather @!p0 [spmem:s4], $0x280, $0x38;
	[tilespmem:$0x2D80] =	vst v63  }
0x52: {  	s12 =	sadd.s32 $0x1, s12;
	_ =	swait.ge @!p0 [sflag:s14], $0x280  }
0x53: {  	p1 =	sne.s32 s12, s7;
	[sflag:s14] =	ssyncset.done @!p0 $0x0  }
.Ltmp1:
0x54: {  	s15 =	simm.s32 @!p0 $0x0;
	[sflag:s14] =	ssyncadd.s32 @!p0 $0xFFFFFD80;
	(pc) =	sbr.rel @p1 .LBB2_1-.Ltmp1, $4  }
0x55: {  	[hbm4b:s6+s15] =	stream.linear.scatter @!p0 [tilespmem:s13], [sflag:$0x1], $0x280, $0x38;
	[tilespmem:$0x2D80] =	vst v63  }
0x56: {  	_ =	swait.ge @!p0 [sflag:s14], $0x280  }
0x57: {  	[sflag:s14] =	ssyncset.done @!p0 $0x0  }
0x58: {  	[sflag:s14] =	ssyncadd.s32 @!p0 $0xFFFFFD80  }
0x59: {  	_ =	sfence.sel $0x180000  }
0x5a: {  	[bflag:$0x0] =	sbarrier.arrive $0xFFFF  }
0x5b: {  	p0 =	sne.s32 s1, $0x0;
	_ =	strace $0x90000047  }
0x5c: {  	s0 =	sadd.s32 @!p0 $0x100000, s0;
	[bflag:$0x2] =	sbarrier.arrive $0xFFFF  }
0x5d: {  	[sflag:s0] =	ssyncadd.tile.s32 @!p0 $0x1;
	_ =	shalt  }
.Lfunc_end2:
_tile_overlayer_lowered:
.L_overlay_start_2:
0x5e: {  	(tag) =	ssettag $0x2  }
0x5f: {  	s0 =	rddreg [dreg:$0x0];
	s2 =	stileid.u32  }
0x60: {  	s1 =	rddreg [dreg:$0x1];
	p0 =	sne.s32 s2, $0x0  }
0x61: {  	s3 =	rddreg [dreg:$0x2];
	[bflag:$0x3] =	sbarrier.arrive $0xFFFF;
	s2 =	simm.s32 @!p0 $0x1C01  }
0x62: {  	[timem:s3], [sflag:s2] =	dma.local @!p0 [hbm:s0], s1  }
0x63: {  	s0 =	simm.s32 @!p0 $0x1  }
0x64: {  	_ =	swait.ge @!p0 [sflag:s0], s1  }
0x65: {  	s1 =	ssub.s32 @!p0 $0x0, s1;
	[sflag:s0] =	ssyncset.done @!p0 $0x0  }
0x66: {  	[sflag:s0] =	ssyncadd.s32 @!p0 s1  }
0x67: {  	[bflag:$0x3] =	sbarrier.arrive $0xFFFF  }
0x68: {  	_ =	shalt  }

// kernel: sc_edge_aggregate.4.cloned.1.call-start
scs
__scs_entry_jumppad:
0x0: {  	(pc) =	sbr.rel $0x88, $3  }
0x1: {  	(tag) =	ssettag $0x0;
	lr =	simm.s32 $0x1  }
0x2: {  	[smem:$0x3F9B] =	sst lr;
	_ =	strace $0xD0000000  }
0x3: {  	_ = 	snop  }
0x4: {  	_ = 	snop  }
0x5: {  	_ = 	snop  }
0x6: {  	_ = 	snop  }
0x7: {  	_ = 	snop  }
__scs_overlays_trampoline_lowered:
0x8: {  	[smem:$0x3FAA] =	sst s0  }
0x9: {  	[smem:$0x3FAB] =	sst s1  }
0xa: {  	[smem:$0x3FAC] =	sst s2  }
0xb: {  	[smem:$0x3FAD] =	sst s3  }
0xc: {  	[smem:$0x3FAE] =	sst s4  }
0xd: {  	[smem:$0x3FAF] =	sst s5  }
0xe: {  	[smem:$0x3FB0] =	sst s6  }
0xf: {  	[smem:$0x3FB1] =	sst s7  }
0x10: {  	[smem:$0x3FB2] =	sst s8  }
0x11: {  	[smem:$0x3FB3] =	sst s9;
	s0 =	simm.s32 @!p0 $0x0  }
0x12: {  	s1 =	sld [smem:$0x3F99];
	s0 =	simm.s32 @p0 $0x1  }
0x13: {  	[smem:$0x3FB4] =	sst s0;
	s0 =	simm.s32 @!p1 $0x0  }
0x14: {  	s2 =	sld [smem:$0x3F98];
	s0 =	simm.s32 @p1 $0x1  }
0x15: {  	[smem:$0x3FB5] =	sst s0;
	s0 =	simm.s32 @!p2 $0x0  }
0x16: {  	s3 =	sld [smem:$0x3FDB];
	s0 =	simm.s32 @p2 $0x1  }
0x17: {  	s4 =	simm.s32 $0x1BF5;
	[smem:$0x3FB7] =	sst s0  }
0x18: {  	s0 =	sld [smem:$0x3F9A];
	_ =	swait.ge [sflag:s4], $0x0  }
0x19: {  	s7 =	sld [smem:$0x3F9B]  }
0x1a: {  	s8 =	sadd.s32 $0xFFFFE003, lr  }
0x1b: {  	s9 =	sadd.s32 $0xFFFFFEF7, lr;
	s5 =	simm.s32 $0xFFFFFFFF;
	p2 =	slt.u32 s8, $0xFFFFF086  }
0x1c: {  	p1 =	slt.u32 s9, $0xF7A;
	s5 =	simm.s32 @!p2 $0x0  }
0x1d: {  	s5 =	simm.s32 @p1 $0x1;
	p0 =	seq.s32 s7, s2  }
0x1e: {  	s7 =	smul.u32 @!p0 $0xF7A, s2;
	p2 =	seq.s32 @!p0 s5, $0x0  }
0x1f: {  	s9 =	smul.u32 $0xF7A, s1;
	s8 =	simm.s32 @!p0 $0x1BF5;
	p2 =	por !p2, p0  }
0x20: {  	[sflag:s8] =	ssyncset.s32 @!p0 $0xFFFFF086;
	s6 =	sadd.s32 @!p0 s3, s7;
	s7 =	simm.s32 @!p0 $0x108  }
0x21: {  	s3 =	sadd.s32 s3, s9;
	s6 =	sadd.s32 @!p0 $0x88, s6;
	s7 =	simm.s32 @p2 $0x1082  }
0x22: {  	[simem:s7], [sflag:s8] =	dma.local @!p0 [hbm:s6], $0xF7A  }
0x23: {  	s9 =	sor.u32 $0xD0000000, s2;
	s6 =	simm.s32 $0x108;
	_ =	swait.ge @!p0 [sflag:s8], $0x0  }
0x24: {  	s3 =	sadd.s32 $0x88, s3;
	s6 =	simm.s32 @!p1 $0x1082;
	[sflag:s4] =	ssyncset.s32 $0xFFFFF086  }
0x25: {  	[simem:s6], [sflag:s4] =	dma.local [hbm:s3], $0xF7A  }
0x26: {  	[smem:$0x3F9B] =	sst s1;
	(tag) =	ssettag s2;
	_ =	strace s9  }
0x27: {  	s1 =	sld [smem:$0x3FAB]  }
0x28: {  	s2 =	sld [smem:$0x3FAC]  }
0x29: {  	s4 =	sld [smem:$0x3FAE]  }
0x2a: {  	p0 =	seq.s32 s5, $0x0;
	s5 =	sld [smem:$0x3FAF]  }
0x2b: {  	s6 =	sld [smem:$0x3FB0]  }
0x2c: {  	s7 =	sld [smem:$0x3FB1]  }
0x2d: {  	s3 =	simm.s32 $0x108;
	s8 =	sld [smem:$0x3FB2]  }
0x2e: {  	s3 =	simm.s32 @!p0 $0x1082;
	s9 =	sld [smem:$0x3FB3]  }
0x2f: {  	lr =	sadd.s32 s0, s3;
	s0 =	sld [smem:$0x3FAA]  }
0x30: {  	s3 =	sld [smem:$0x3FAD]  }
0x31: {  	[smem:$0x3FB6] =	sst s10  }
0x32: {  	s10 =	sld [smem:$0x3FB4];
	_ =	sdelay $0x3  }
0x33: {  	p0 =	seq.s32 s10, $0x1;
	s10 =	sld [smem:$0x3FB6];
	_ =	sdelay $0x3  }
0x34: {  	[smem:$0x3FB6] =	sst s10  }
0x35: {  	s10 =	sld [smem:$0x3FB5];
	_ =	sdelay $0x3  }
0x36: {  	p1 =	seq.s32 s10, $0x1;
	s10 =	sld [smem:$0x3FB6];
	_ =	sdelay $0x3  }
0x37: {  	[smem:$0x3FB6] =	sst s10  }
0x38: {  	s10 =	sld [smem:$0x3FB7]  }
0x39: {  	_ = 	snop;
	(pc) =	sbr.ind lr, $3  }
0x3a: {  	_ = 	snop  }
0x3b: {  	_ = 	snop  }
0x3c: {  	p2 =	seq.s32 s10, $0x1;
	s10 =	sld [smem:$0x3FB6]  }
0x3d: {  	_ =	shalt  }
0x3e: {  	_ =	shalt  }
0x3f: {  	_ =	shalt  }
0x40: {  	_ =	shalt  }
0x41: {  	_ =	shalt  }
0x42: {  	_ =	shalt  }
0x43: {  	_ =	shalt  }
0x44: {  	_ =	shalt  }
0x45: {  	_ =	shalt  }
0x46: {  	_ =	shalt  }
0x47: {  	_ =	shalt  }
0x48: {  	_ =	shalt  }
0x49: {  	_ =	shalt  }
0x4a: {  	_ =	shalt  }
0x4b: {  	_ =	shalt  }
0x4c: {  	_ =	shalt  }
0x4d: {  	_ =	shalt  }
0x4e: {  	_ =	shalt  }
0x4f: {  	_ =	shalt  }
0x50: {  	_ =	shalt  }
0x51: {  	_ =	shalt  }
0x52: {  	_ =	shalt  }
0x53: {  	_ =	shalt  }
0x54: {  	_ =	shalt  }
0x55: {  	_ =	shalt  }
0x56: {  	_ =	shalt  }
0x57: {  	_ =	shalt  }
0x58: {  	_ =	shalt  }
0x59: {  	_ =	shalt  }
0x5a: {  	_ =	shalt  }
0x5b: {  	_ =	shalt  }
0x5c: {  	_ =	shalt  }
0x5d: {  	_ =	shalt  }
0x5e: {  	_ =	shalt  }
0x5f: {  	_ =	shalt  }
0x60: {  	_ =	shalt  }
0x61: {  	_ =	shalt  }
0x62: {  	_ =	shalt  }
0x63: {  	_ =	shalt  }
0x64: {  	_ =	shalt  }
0x65: {  	_ =	shalt  }
0x66: {  	_ =	shalt  }
0x67: {  	_ =	shalt  }
0x68: {  	_ =	shalt  }
0x69: {  	_ =	shalt  }
0x6a: {  	_ =	shalt  }
0x6b: {  	_ =	shalt  }
0x6c: {  	_ =	shalt  }
0x6d: {  	_ =	shalt  }
0x6e: {  	_ =	shalt  }
0x6f: {  	_ =	shalt  }
0x70: {  	_ =	shalt  }
0x71: {  	_ =	shalt  }
0x72: {  	_ =	shalt  }
0x73: {  	_ =	shalt  }
0x74: {  	_ =	shalt  }
0x75: {  	_ =	shalt  }
0x76: {  	_ =	shalt  }
0x77: {  	_ =	shalt  }
0x78: {  	_ =	shalt  }
0x79: {  	_ =	shalt  }
0x7a: {  	_ =	shalt  }
0x7b: {  	_ =	shalt  }
0x7c: {  	_ =	shalt  }
0x7d: {  	_ =	shalt  }
0x7e: {  	_ =	shalt  }
0x7f: {  	_ =	shalt  }
0x80: {  	_ =	shalt  }
0x81: {  	_ =	shalt  }
0x82: {  	_ =	shalt  }
0x83: {  	_ =	shalt  }
0x84: {  	_ =	shalt  }
0x85: {  	_ =	shalt  }
0x86: {  	_ =	shalt  }
0x87: {  	_ =	shalt  }
.Lfunc_end0:
.L_simem_size_0:
called_computation.1_lowered:
.L_overlay_start_0:
0x88: {  	s2 =	sld [smem:$0x3FD9]  }
0x89: {  	s3 =	sld [smem:$0x3FFE];
	_ =	sdelay $0x1  }
0x8a: {  	s1 =	srdreg.scid  }
0x8b: {  	s0 =	sand.u32 $0x1, s1  }
0x8c: {  	s17 =	sshll.u32 s0, $0xA;
	s2 =	sadd.s32 s3, s2  }
0x8d: {  	s2 =	sadd.s32 s2, s17  }
0x8e: {  	[smem:$0x3FC2] =	sst s2  }
0x8f: {  	_ = 	snop  }
0x90: {  	s2 =	sld [smem:$0x3FD0];
	(tm) =	ssettm $0x1  }
0x91: {  	s18 =	sld [smem:$0x3FFB];
	_ =	sdelay $0x3  }
0x92: {  	_ =	strace s18  }
0x93: {  	s3 =	sld [smem:$0x3FFC];
	_ =	sdelay $0x3  }
0x94: {  	_ =	strace s3  }
0x95: {  	s3 =	sld [smem:$0x3FFD];
	_ =	sdelay $0x3  }
0x96: {  	_ =	strace s3  }
0x97: {  	_ =	strace $0x8FFFFFFF  }
0x98: {  	s19 =	sld [smem:$0x3FDB];
	_ =	sdelay $0x1  }
0x99: {  	s4 =	simm.s32 $_scs_section_size  }
0x9a: {  	s5 =	simm.s32 $_size__tile_overlayer_lowered;
	s6 =	simm.s32 $_tile_overlayer_lowered  }
0x9b: {  	s22 =	simm.s32 $0x1BFF;
	s21 =	sshll.u32 s6, $0x1;
	s3 =	sadd.s32 s4, s19  }
0x9c: {  	s7 =	simm.s32 $0x0;
	s20 =	sshll.u32 s5, $0x1;
	s5 =	sadd.s32 s21, s3  }
0x9d: {  	[timem:s7], [sflag:s22] =	dma.local [hbm:s5], s20  }
0x9e: {  	_ =	swait.ge [sflag:s22], s20  }
0x9f: {  	s4 =	ssub.s32 $0x0, s20;
	[sflag:s22] =	ssyncset.done $0x0  }
0xa0: {  	[sflag:s22] =	ssyncadd.s32 s4;
	_ =	sdelay $0x1  }
0xa1: {  	s23 =	simm.s32 $0x1B8B  }
0xa2: {  	_ =	swait.ge [sflag:s23], $0x1  }
0xa3: {  	[sflag:s23] =	ssyncset.done $0x0  }
0xa4: {  	s25 =	simm.s32 $0x1B8E;
	s24 =	sld [smem:$0x3FFE];
	[sflag:s23] =	ssyncadd.s32 $0xFFFFFFFF  }
0xa5: {  	s26 =	simm.s32 $execute0_lowered;
	[smem:$0x3FD2] =	sst s25  }
0xa6: {  	s5 =	sshll.u32 s26, $0x1;
	_ =	strace $0x80000049;
	[dreg:$0x1] =	wrdreg $0xFFFFFFFF  }
0xa7: {  	s28 =	simm.s32 $_size_execute0_lowered;
	s3 =	sadd.s32 s3, s5;
	[dreg:$0x0] =	wrdreg $0x0  }
0xa8: {  	s5 =	sshll.u32 s28, $0x1;
	[dreg:$0x2] =	wrdreg s3  }
0xa9: {  	[dreg:$0x3] =	wrdreg s5  }
0xaa: {  	[dreg:$0x4] =	wrdreg $0xC0  }
0xab: {  	_ =	task [dreg:s7], $0x5FFFF  }
0xac: {  	[dreg:$0x1] =	wrdreg $0xFFFFFFFF  }
0xad: {  	[dreg:$0x0] =	wrdreg $0x60  }
0xae: {  	[dreg:$0x2] =	wrdreg s24  }
0xaf: {  	[dreg:$0x3] =	wrdreg s2  }
0xb0: {  	[dreg:$0x4] =	wrdreg $0x90000  }
0xb1: {  	[dreg:$0x5] =	wrdreg $0x9  }
0xb2: {  	_ =	task.clear_ibuf [dreg:s7], $0x6FFFF;
	_ =	strace $0x90000049  }
0xb3: {  	s29 =	simm.s32 $0x9;
	_ =	strace $0x8000004B  }
0xb4: {  	_ =	swait.ge [sflag:s29], $0x1  }
0xb5: {  	[sflag:s29] =	ssyncadd.s32 $0xFFFFFFFF  }
0xb6: {  	_ =	strace $0x9000004B  }
0xb7: {  	_ =	sfence  }
0xb8: {  	s30 =	sld [smem:$0x0];
	_ =	sdelay $0x2  }
0xb9: {  	s31 =	sshll.u32 s1, $0xD;
	s1 =	sshrl.u32 s1, $0x2  }
0xba: {  	s3 =	sand.u32 $0x4000, s31;
	s1 =	sadd.s32 s1, s30  }
0xbb: {  	s0 =	sor.u32 s3, s0;
	s1 =	sshll.u32 s1, $0x11  }
0xbc: {  	s0 =	sor.u32 s1, s0  }
0xbd: {  	s0 =	sadd.s32 $0x8F2B, s0  }
0xbe: {  	[sflag:s0] =	ssyncadd.remote.s32 $0x1  }
0xbf: {  	_ =	sfence.sel $0xFFFF  }
0xc0: {  	[dreg:$0x0] =	wrdreg $0xFFFFFFFF;
	(pc) =	sbr.abs _section_cstart, $3  }
0xc1: {  	[dreg:$0x1] =	wrdreg $0xFFFFFFFF  }
0xc2: {  	_ =	task.clear_ibuf [dreg:s7], $0x2FFFF;
	_ =	strace $0x9FFFFFFF  }
0xc3: {  	(tm) =	ssettm $0x7FFFFFFF  }
tec
execute0_lowered:
.L_overlay_start_1:
0x0: {  	(tag) =	ssettag $0x1  }
0x1: {  	s3 =	rddreg [dreg:$0x0]  }
0x2: {  	s0 =	rddreg [dreg:$0x1]  }
0x3: {  	s1 =	rddreg [dreg:$0x2];
	s2 =	simm.s32 $0x0  }
0x4: {  	s4 =	simm.s32 $0x5080;
	[smem:$0x7FF] =	sst s2  }
0x5: {  	s16 =	simm.s32 $0x5100;
	_ =	strace $0x8000004A;
	[dreg:$0x4] =	wrdreg s4  }
0x6: {  	s17 =	simm.s32 $0x5180;
	[dreg:$0x5] =	wrdreg s16  }
0x7: {  	s18 =	simm.s32 $0x5200;
	[dreg:$0x6] =	wrdreg s17  }
0x8: {  	s19 =	simm.s32 $0x5280;
	[dreg:$0x7] =	wrdreg s18  }
0x9: {  	s20 =	simm.s32 $0x5300;
	[dreg:$0x8] =	wrdreg s19  }
0xa: {  	s21 =	simm.s32 $0x5380;
	[dreg:$0x9] =	wrdreg s20  }
0xb: {  	s22 =	simm.s32 $0x5400;
	[dreg:$0xa] =	wrdreg s21  }
0xc: {  	s23 =	simm.s32 $0x5480;
	[dreg:$0xb] =	wrdreg s22  }
0xd: {  	s24 =	simm.s32 $0x5500;
	[dreg:$0xc] =	wrdreg s23  }
0xe: {  	s25 =	simm.s32 $0x5580;
	[dreg:$0xd] =	wrdreg s24  }
0xf: {  	s26 =	simm.s32 $0x5600;
	[dreg:$0xe] =	wrdreg s25  }
0x10: {  	s29 =	simm.s32 $0x5680;
	[dreg:$0xf] =	wrdreg s26  }
0x11: {  	s5 =	simm.s32 $0x5700;
	[dreg:$0x10] =	wrdreg s29  }
0x12: {  	s6 =	simm.s32 $0x5780;
	[dreg:$0x11] =	wrdreg s5  }
0x13: {  	s7 =	simm.s32 $0x5800;
	[dreg:$0x12] =	wrdreg s6  }
0x14: {  	s8 =	simm.s32 $0x5880;
	[dreg:$0x13] =	wrdreg s7  }
0x15: {  	s9 =	simm.s32 $0x5900;
	[dreg:$0x14] =	wrdreg s8  }
0x16: {  	s10 =	simm.s32 $0x5980;
	[dreg:$0x15] =	wrdreg s9  }
0x17: {  	s11 =	simm.s32 $0x5A00;
	[dreg:$0x16] =	wrdreg s10  }
0x18: {  	s12 =	simm.s32 $0x5A80;
	[dreg:$0x17] =	wrdreg s11  }
0x19: {  	s13 =	simm.s32 $0x5B00;
	[dreg:$0x18] =	wrdreg s12  }
0x1a: {  	s14 =	simm.s32 $0x5B80;
	[dreg:$0x19] =	wrdreg s13  }
0x1b: {  	s15 =	simm.s32 $0x5C00;
	[dreg:$0x1a] =	wrdreg s14  }
0x1c: {  	[dreg:$0x1b] =	wrdreg s15;
	s16 =	simm.s32 $0x5C80  }
0x1d: {  	s17 =	simm.s32 $0x5D00;
	[dreg:$0x1c] =	wrdreg s16  }
0x1e: {  	s18 =	simm.s32 $0x5D80;
	[dreg:$0x1d] =	wrdreg s17  }
0x1f: {  	s19 =	simm.s32 $0x5E00;
	[dreg:$0x1e] =	wrdreg s18  }
0x20: {  	s20 =	simm.s32 $0x5E80;
	[dreg:$0x1f] =	wrdreg s19  }
0x21: {  	s21 =	simm.s32 $0x5F00;
	[smem:$0x79C] =	sst s20  }
0x22: {  	s22 =	simm.s32 $0x5F80;
	[smem:$0x79D] =	sst s21  }
0x23: {  	s23 =	simm.s32 $0x6000;
	[smem:$0x79E] =	sst s22  }
0x24: {  	s24 =	simm.s32 $0x6080;
	[smem:$0x79F] =	sst s23  }
0x25: {  	s25 =	simm.s32 $0x6100;
	[smem:$0x7A0] =	sst s24  }
0x26: {  	s26 =	simm.s32 $0x6180;
	[smem:$0x7A1] =	sst s25  }
0x27: {  	s29 =	simm.s32 $0x6200;
	[smem:$0x7A2] =	sst s26  }
0x28: {  	s5 =	simm.s32 $0x6280;
	[smem:$0x7A3] =	sst s29  }
0x29: {  	s6 =	simm.s32 $0x6300;
	[smem:$0x7A4] =	sst s5  }
0x2a: {  	s7 =	simm.s32 $0x6380;
	[smem:$0x7A5] =	sst s6  }
0x2b: {  	s8 =	simm.s32 $0x6400;
	[smem:$0x7A6] =	sst s7  }
0x2c: {  	s9 =	simm.s32 $0x6480;
	[smem:$0x7A7] =	sst s8  }
0x2d: {  	s10 =	simm.s32 $0x6500;
	[smem:$0x7A8] =	sst s9  }
0x2e: {  	s11 =	simm.s32 $0x6580;
	[smem:$0x7A9] =	sst s10  }
0x2f: {  	s12 =	simm.s32 $0x6600;
	[smem:$0x7AA] =	sst s11  }
0x30: {  	s13 =	simm.s32 $0x6680;
	[smem:$0x7AB] =	sst s12  }
0x31: {  	s14 =	simm.s32 $0x6700;
	[smem:$0x7AC] =	sst s13  }
0x32: {  	s15 =	simm.s32 $0x6780;
	[smem:$0x7AD] =	sst s14  }
0x33: {  	[smem:$0x7AE] =	sst s15;
	s16 =	simm.s32 $0x6800  }
0x34: {  	s17 =	simm.s32 $0x6880;
	[smem:$0x7AF] =	sst s16  }
0x35: {  	s18 =	simm.s32 $0x6900;
	[smem:$0x7B0] =	sst s17  }
0x36: {  	s19 =	simm.s32 $0x6980;
	[smem:$0x7B1] =	sst s18  }
0x37: {  	s20 =	simm.s32 $0x6A00;
	[smem:$0x7B2] =	sst s19  }
0x38: {  	s21 =	simm.s32 $0x6A80;
	[smem:$0x7B3] =	sst s20  }
0x39: {  	s22 =	simm.s32 $0x6B00;
	[smem:$0x7B4] =	sst s21  }
0x3a: {  	s23 =	simm.s32 $0x6B80;
	[smem:$0x7B5] =	sst s22  }
0x3b: {  	s24 =	simm.s32 $0x6C00;
	[smem:$0x7B6] =	sst s23  }
0x3c: {  	s25 =	simm.s32 $0x6C80;
	[smem:$0x7B7] =	sst s24  }
0x3d: {  	s26 =	simm.s32 $0x6D00;
	[smem:$0x7B8] =	sst s25  }
0x3e: {  	s29 =	simm.s32 $0x6D80;
	[smem:$0x7B9] =	sst s26  }
0x3f: {  	s6 =	simm.s32 $0x6E00;
	[smem:$0x7BA] =	sst s29  }
0x40: {  	s7 =	simm.s32 $0x6E80;
	[smem:$0x7BB] =	sst s6  }
0x41: {  	s8 =	simm.s32 $0x6F00;
	[smem:$0x7BC] =	sst s7  }
0x42: {  	s9 =	simm.s32 $0x6F80;
	[smem:$0x7BD] =	sst s8  }
0x43: {  	s11 =	simm.s32 $0x7000;
	[smem:$0x7BE] =	sst s9  }
0x44: {  	s12 =	simm.s32 $0x7080;
	[smem:$0x7BF] =	sst s11  }
0x45: {  	s13 =	simm.s32 $0x7100;
	[smem:$0x7C0] =	sst s12  }
0x46: {  	s15 =	simm.s32 $0x7180;
	[smem:$0x7C1] =	sst s13  }
0x47: {  	[smem:$0x7C2] =	sst s15;
	s16 =	simm.s32 $0x7200  }
0x48: {  	s17 =	simm.s32 $0x7280;
	[smem:$0x7C3] =	sst s16  }
0x49: {  	s9 =	simm.s32 $0x7300;
	[smem:$0x7C4] =	sst s17  }
0x4a: {  	s18 =	simm.s32 $0x7380;
	[smem:$0x7C5] =	sst s9  }
0x4b: {  	s19 =	simm.s32 $0x7400;
	[smem:$0x7C7] =	sst s18  }
0x4c: {  	s20 =	simm.s32 $0x7480;
	[smem:$0x7C9] =	sst s19  }
0x4d: {  	s22 =	simm.s32 $0x7500;
	[smem:$0x7CA] =	sst s20  }
0x4e: {  	s23 =	simm.s32 $0x7580;
	[smem:$0x7CB] =	sst s22  }
0x4f: {  	s24 =	simm.s32 $0x7600;
	[smem:$0x7CC] =	sst s23  }
0x50: {  	s26 =	simm.s32 $0x7680;
	[smem:$0x7CD] =	sst s24  }
0x51: {  	s29 =	simm.s32 $0x7700;
	[smem:$0x7CF] =	sst s26  }
0x52: {  	s11 =	simm.s32 $0x7780;
	[smem:$0x7D1] =	sst s29  }
0x53: {  	s13 =	simm.s32 $0x7800;
	[smem:$0x7D3] =	sst s11  }
0x54: {  	s15 =	simm.s32 $0x7880;
	[smem:$0x7D5] =	sst s13  }
0x55: {  	s28 =	simm.s32 $0x1;
	[smem:$0x7D6] =	sst s15;
	s17 =	simm.s32 $0x7900  }
0x56: {  	s30 =	simm.s32 $0x5000;
	s18 =	simm.s32 $0x7980;
	[smem:$0x7D7] =	sst s17  }
0x57: {  	s31 =	simm.s32 $0x8580;
	s20 =	simm.s32 $0x7A00;
	[smem:$0x7D8] =	sst s18  }
0x58: {  	s10 =	stileid.u32;
	s22 =	simm.s32 $0x7B00;
	[smem:$0x7D9] =	sst s20  }
0x59: {  	s5 =	smul.u32 $0x500, s10;
	s24 =	simm.s32 $0x7B80;
	[smem:$0x7DC] =	sst s22  }
0x5a: {  	s7 =	srdreg.scid;
	s26 =	simm.s32 $0x7C00;
	[smem:$0x7DE] =	sst s24  }
0x5b: {  	s21 =	smul.u32 $0x50000, s10;
	s11 =	simm.s32 $0x8080;
	[smem:$0x7DF] =	sst s26  }
0x5c: {  	s25 =	smul.u32 $0x5000, s10;
	s13 =	simm.s32 $0x8100;
	[smem:$0x7EC] =	sst s11  }
0x5d: {  	s6 =	sadd.s32 s5, s3;
	s0 =	sadd.s32 s0, s5;
	[smem:$0x7ED] =	sst s13  }
0x5e: {  	s5 =	sshrl.u32 s21, $0x2;
	s21 =	simm.s32 $0x7A80;
	[smem:$0x7C8] =	sst s0  }
0x5f: {  	s7 =	sand.u32 $0x1, s7;
	s18 =	simm.s32 $0x7D00;
	[smem:$0x7DA] =	sst s21  }
0x60: {  	s16 =	sshll.u32 s10, $0x6;
	s20 =	simm.s32 $0x7E00;
	[smem:$0x7E1] =	sst s18  }
0x61: {  	s8 =	sshll.u32 s7, $0x7;
	s22 =	simm.s32 $0x7E80;
	[smem:$0x7E5] =	sst s20  }
0x62: {  	s23 =	sor.u32 $0x1C01, s16;
	s16 =	simm.s32 $0x8200;
	[smem:$0x7E6] =	sst s22  }
0x63: {  	s14 =	ssub.s32 $0x2, s7;
	s17 =	simm.s32 $0x8280;
	[smem:$0x7EF] =	sst s16  }
0x64: {  	s13 =	simm.s32 $0x8B00;
	s11 =	simm.s32 $0x0;
	[smem:$0x7F1] =	sst s17  }
0x65: {  	s8 =	sadd.s32 s8, s3;
	s7 =	sshrl.u32 s14, $0x1;
	[smem:$0x7FC] =	sst s11  }
0x66: {  	s3 =	smul.u32 $0x280, s10;
	s6 =	sadd.s32 $0x1A00, s6;
	[smem:$0x7FD] =	sst s23  }
0x67: {  	s5 =	sadd.s32 s5, s1;
	s10 =	simm.s32 $0x8000;
	[smem:$0x7C6] =	sst s6  }
0x68: {  	s18 =	simm.s32 $0x8300;
	s20 =	simm.s32 $0x8380;
	[smem:$0x7CE] =	sst s5  }
0x69: {  	s22 =	simm.s32 $0x8400;
	s16 =	simm.s32 $0x8C80;
	[smem:$0x7EA] =	sst s10  }
0x6a: {  	s17 =	simm.s32 $0x8D00;
	s7 =	ssub.s32 s14, s7;
	[smem:$0x7F3] =	sst s18  }
0x6b: {  	s4 =	sadd.s32 $0x6A00, s8;
	s0 =	sadd.s32 $0x56A00, s8;
	[smem:$0x7F5] =	sst s20  }
0x6c: {  	s8 =	simm.s32 $0x7C80;
	[smem:$0x7F7] =	sst s22;
	s10 =	simm.s32 $0x8A00  }
0x6d: {  	s18 =	simm.s32 $0x8D80;
	s9 =	sadd.s32 s25, s0;
	[smem:$0x7E0] =	sst s8  }
0x6e: {  	s20 =	simm.s32 $0x8E80;
	s12 =	smax.u32 s7, $0x1;
	[smem:$0x7D0] =	sst s9  }
0x6f: {  	s14 =	sadd.s32 s25, s4;
	s19 =	sadd.s32 $0x80, s3;
	[smem:$0x7D2] =	sst s12  }
0x70: {  	s29 =	sadd.s32 $0x100, s3;
	s24 =	sadd.s32 $0x180, s3;
	[smem:$0x7D4] =	sst s14  }
0x71: {  	s7 =	sshll.u32 s19, $0x5;
	s6 =	sshll.u32 s19, $0x7;
	s19 =	simm.s32 $0x7D80  }
0x72: {  	s3 =	sadd.s32 $0x200, s3;
	s14 =	simm.s32 $0x8180;
	[smem:$0x7E3] =	sst s19  }
0x73: {  	s9 =	sshll.u32 s29, $0x5;
	s6 =	sadd.s32 s6, s1;
	[smem:$0x7EE] =	sst s14  }
0x74: {  	s26 =	sshll.u32 s24, $0x5;
	s25 =	sadd.s32 s7, s4;
	[smem:$0x7DB] =	sst s6  }
0x75: {  	s15 =	sshll.u32 s3, $0x5;
	s21 =	sadd.s32 s9, s4;
	[smem:$0x7DD] =	sst s25  }
0x76: {  	s3 =	sshll.u32 s3, $0x7;
	s12 =	sadd.s32 s26, s4;
	[smem:$0x7E4] =	sst s21  }
0x77: {  	s22 =	simm.s32 $0x8F80;
	s3 =	sadd.s32 s3, s1;
	[smem:$0x7EB] =	sst s12  }
0x78: {  	s8 =	simm.s32 $0x8900;
	s19 =	sadd.s32 s15, s4;
	[smem:$0x7F0] =	sst s3  }
0x79: {  	s26 =	sadd.s32 s26, s0;
	s14 =	simm.s32 $0x8B80;
	[smem:$0x7F2] =	sst s19  }
0x7a: {  	s6 =	sshll.u32 s29, $0x7;
	s25 =	simm.s32 $0x7F00;
	[smem:$0x7F8] =	sst s26  }
0x7b: {  	s29 =	simm.s32 $0x7F80;
	s21 =	sadd.s32 s7, s0;
	[smem:$0x7E7] =	sst s25  }
0x7c: {  	s26 =	simm.s32 $0x100;
	s7 =	simm.s32 $0x8880;
	[smem:$0x7E8] =	sst s29  }
0x7d: {  	v0 =	vimm.s32 $0x7;
	s12 =	simm.s32 $0x8A80;
	s6 =	sadd.s32 s6, s1;
	[smem:$0x7F4] =	sst s21  }
0x7e: {  	v1 =	vimm.s32 $0x1;
	v2 =	vimm.s32 $0x0;
	v3 =	vlaneseq.u32;
	s19 =	simm.s32 $0x8E00;
	s25 =	simm.s32 $0x8480;
	[smem:$0x7E2] =	sst s6  }
0x7f: {  	vm0 =	vmmov $0x1;
	v4 =	vimm.s32 $0x2;
	v5 =	vimm.s32 $0x3;
	s29 =	simm.s32 $0x8500;
	s21 =	simm.s32 $0x8F00;
	[smem:$0x7F9] =	sst s25  }
0x80: {  	v6 =	vimm.s32 $0x4;
	v7 =	vimm.s32 $0x5;
	v8 =	vimm.s32 $0x6;
	s6 =	sshll.u32 s24, $0x7;
	s24 =	sadd.s32 s9, s0;
	[smem:$0x7FB] =	sst s29  }
0x81: {  	v9 =	vimm.s32 $0x8;
	v10 =	vimm.s32 $0x9;
	v11 =	vimm.s32 $0xA;
	s0 =	sadd.s32 s15, s0;
	s25 =	simm.s32 $0x80;
	[smem:$0x7F6] =	sst s24  }
0x82: {  	v12 =	vimm.s32 $0xB;
	v13 =	vimm.s32 $0xC;
	v14 =	vimm.s32 $0xD;
	s9 =	simm.s32 $0x8980;
	s6 =	sadd.s32 s6, s1;
	[smem:$0x7FA] =	sst s0  }
0x83: {  	v15 =	vimm.s32 $0xE;
	v16 =	vimm.s32 $0xF;
	v3 =	vmul.u32 $0x8, v3;
	s15 =	simm.s32 $0x8C00;
	s24 =	simm.s32 $0x8;
	[smem:$0x7E9] =	sst s6  }
.LBB2_1:
0x84: {  	s11 =	sld [smem:$0x7CE];
	_ =	sdelay $0x1  }
0x85: {  	s3 =	sld [smem:$0x7D4]  }
0x86: {  	s0 =	sshrl.u32 s11, $0x3  }
0x87: {  	[smem:$0x797] =	sst s0  }
0x88: {  	[spmem:s0@s25], [sflag:s23] =	dma.strided [hbm:s3@s26], $0x800, s24, $0x10   }
0x89: {  	_ =	swait.ge [sflag:s28], $0x800  }
0x8a: {  	s5 =	sld [smem:$0x7DB];
	_ =	sdelay $0x1  }
0x8b: {  	s6 =	sld [smem:$0x7DD]  }
0x8c: {  	[sflag:s28] =	ssyncset.done $0x0;
	s3 =	sshrl.u32 s5, $0x3  }
0x8d: {  	[sflag:s28] =	ssyncadd.s32 $0xFFFFF800;
	[smem:$0x798] =	sst s3  }
0x8e: {  	[spmem:s3@s25], [sflag:s23] =	dma.strided [hbm:s6@s26], $0x800, s24, $0x10   }
0x8f: {  	_ =	swait.ge [sflag:s28], $0x800  }
0x90: {  	s5 =	sld [smem:$0x7E2];
	_ =	sdelay $0x1  }
0x91: {  	s6 =	sld [smem:$0x7E4]  }
0x92: {  	[sflag:s28] =	ssyncset.done $0x0;
	s29 =	sshrl.u32 s5, $0x3  }
0x93: {  	[sflag:s28] =	ssyncadd.s32 $0xFFFFF800;
	[smem:$0x799] =	sst s29  }
0x94: {  	[spmem:s29@s25], [sflag:s23] =	dma.strided [hbm:s6@s26], $0x800, s24, $0x10   }
0x95: {  	_ =	swait.ge [sflag:s28], $0x800  }
0x96: {  	s5 =	sld [smem:$0x7E9];
	_ =	sdelay $0x1  }
0x97: {  	s6 =	sld [smem:$0x7EB]  }
0x98: {  	[sflag:s28] =	ssyncset.done $0x0;
	s5 =	sshrl.u32 s5, $0x3  }
0x99: {  	[sflag:s28] =	ssyncadd.s32 $0xFFFFF800;
	[smem:$0x79A] =	sst s5  }
0x9a: {  	[spmem:s5@s25], [sflag:s23] =	dma.strided [hbm:s6@s26], $0x800, s24, $0x10   }
0x9b: {  	_ =	swait.ge [sflag:s28], $0x800  }
0x9c: {  	s6 =	sld [smem:$0x7F0];
	_ =	sdelay $0x1  }
0x9d: {  	s11 =	sld [smem:$0x7F2]  }
0x9e: {  	[sflag:s28] =	ssyncset.done $0x0;
	s6 =	sshrl.u32 s6, $0x3  }
0x9f: {  	[sflag:s28] =	ssyncadd.s32 $0xFFFFF800;
	[smem:$0x79B] =	sst s6  }
0xa0: {  	[spmem:s6@s25], [sflag:s23] =	dma.strided [hbm:s11@s26], $0x800, s24, $0x10   }
0xa1: {  	_ =	swait.ge [sflag:s28], $0x800  }
0xa2: {  	s23 =	sld [smem:$0x7C6]  }
0xa3: {  	[sflag:s28] =	ssyncset.done $0x0  }
0xa4: {  	[sflag:s28] =	ssyncadd.s32 $0xFFFFF800  }
0xa5: {  	[tilespmem:s2], [sflag:$0x1] =	stream.linear.gather [hbm4b:s23+s2], $0x2780, $0x38;
	[tilespmem:$0x1D000] =	vst v63  }
0xa6: {  	_ =	swait.ge [sflag:s28], $0x2780  }
0xa7: {  	s24 =	sld [smem:$0x7C8]  }
0xa8: {  	[sflag:s28] =	ssyncset.done $0x0  }
0xa9: {  	s26 =	simm.s32 $0x2800;
	[sflag:s28] =	ssyncadd.s32 $0xFFFFD880  }
0xaa: {  	[tilespmem:s26], [sflag:$0x1] =	stream.linear.gather [hbm4b:s24+s2], $0x2780, $0x38;
	[tilespmem:$0x1D000] =	vst v63  }
0xab: {  	_ =	swait.ge [sflag:s28], $0x2780  }
0xac: {  	s0 =	simm.s32 $0x8600;
	s3 =	simm.s32 $0x8680;
	[sflag:s28] =	ssyncset.done $0x0  }
0xad: {  	s29 =	simm.s32 $0x8700;
	s5 =	simm.s32 $0x8780;
	[sflag:s28] =	ssyncadd.s32 $0xFFFFD880  }
0xae: {  	s6 =	simm.s32 $0x8800;
	s24 =	simm.s32 $0x0;
	[bflag:$0x0] =	sbarrier.arrive $0xFFFF  }
.LBB2_2:
0xaf: {  	s26 =	sshra.s32 s24, $0x2  }
0xb0: {  	v17 =	vld [tilespmem:s26+$0x0];
	_ =	sdelay $0x4  }
0xb1: {  	v18 =	vshll.u32 v17, $0x1  }
0xb2: {  	v17 =	vand.u32 $0x7, v17;
	v18 =	vand.u32 $0xFFFFFFF0, v18  }
0xb3: {  	v17 =	vor.u32 v17, v18  }
0xb4: {  	v18 =	vperm.xlane v17, v2;
	_ =	sdelay $0x1  }
0xb5: {  	v19 =	vperm.xlane v17, v1;
	v18 =	vadd.s32 v3, v18;
	_ =	sdelay $0x1  }
0xb6: {  	v20 =	vperm.xlane v17, v4;
	v19 =	vadd.s32 v3, v19;
	_ =	sdelay $0x1  }
0xb7: {  	v21 =	vperm.xlane v17, v5;
	v20 =	vadd.s32 v3, v20  }
0xb8: {  	[tilespmem:s30], [sflag:$0x1] =	stream.indirect_vreg.gather [hbm4b:s4+s2], $0x80, v18, vm0, $0xb8;
	[tilespmem:$0x1D000] =	vst v63  }
0xb9: {  	s23 =	rddreg [dreg:$0x4];
	v50 =	vperm.xlane v17, v6;
	v18 =	vadd.s32 v3, v21  }
0xba: {  	[tilespmem:s23], [sflag:$0x1] =	stream.indirect_vreg.gather [hbm4b:s4+s2], $0x80, v19, vm0, $0xb8;
	[tilespmem:$0x1D000] =	vst v63  }
0xbb: {  	s11 =	rddreg [dreg:$0x5];
	v51 =	vperm.xlane v17, v7;
	v19 =	vadd.s32 v3, v50  }
0xbc: {  	[tilespmem:s11], [sflag:$0x1] =	stream.indirect_vreg.gather [hbm4b:s4+s2], $0x80, v20, vm0, $0xb8;
	[tilespmem:$0x1D000] =	vst v63  }
0xbd: {  	v53 =	vperm.xlane v17, v8;
	v52 =	vadd.s32 v3, v51;
	s23 =	rddreg [dreg:$0x6]  }
0xbe: {  	[tilespmem:s23], [sflag:$0x1] =	stream.indirect_vreg.gather [hbm4b:s4+s2], $0x80, v18, vm0, $0xb8;
	[tilespmem:$0x1D000] =	vst v63  }
0xbf: {  	v54 =	vperm.xlane v17, v0;
	s11 =	rddreg [dreg:$0x7];
	v18 =	vadd.s32 v3, v53  }
0xc0: {  	[tilespmem:s11], [sflag:$0x1] =	stream.indirect_vreg.gather [hbm4b:s4+s2], $0x80, v19, vm0, $0xb8;
	[tilespmem:$0x1D000] =	vst v63  }
0xc1: {  	v55 =	vperm.xlane v17, v9;
	s23 =	rddreg [dreg:$0x8];
	v19 =	vadd.s32 v3, v54  }
0xc2: {  	[tilespmem:s23], [sflag:$0x1] =	stream.indirect_vreg.gather [hbm4b:s4+s2], $0x80, v52, vm0, $0xb8;
	[tilespmem:$0x1D000] =	vst v63  }
0xc3: {  	v57 =	vperm.xlane v17, v10;
	v56 =	vadd.s32 v3, v55;
	s11 =	rddreg [dreg:$0x9]  }
0xc4: {  	[tilespmem:s11], [sflag:$0x1] =	stream.indirect_vreg.gather [hbm4b:s4+s2], $0x80, v18, vm0, $0xb8;
	[tilespmem:$0x1D000] =	vst v63  }
0xc5: {  	v58 =	vperm.xlane v17, v11;
	s23 =	rddreg [dreg:$0xa];
	v18 =	vadd.s32 v3, v57  }
0xc6: {  	[tilespmem:s23], [sflag:$0x1] =	stream.indirect_vreg.gather [hbm4b:s4+s2], $0x80, v19, vm0, $0xb8;
	[tilespmem:$0x1D000] =	vst v63  }
0xc7: {  	v59 =	vperm.xlane v17, v12;
	s11 =	rddreg [dreg:$0xb];
	v19 =	vadd.s32 v3, v58  }
0xc8: {  	[tilespmem:s11], [sflag:$0x1] =	stream.indirect_vreg.gather [hbm4b:s4+s2], $0x80, v56, vm0, $0xb8;
	[tilespmem:$0x1D000] =	vst v63  }
0xc9: {  	v61 =	vperm.xlane v17, v13;
	v60 =	vadd.s32 v3, v59;
	s23 =	rddreg [dreg:$0xc]  }
0xca: {  	[tilespmem:s23], [sflag:$0x1] =	stream.indirect_vreg.gather [hbm4b:s4+s2], $0x80, v18, vm0, $0xb8;
	[tilespmem:$0x1D000] =	vst v63  }
0xcb: {  	v62 =	vperm.xlane v17, v14;
	s11 =	rddreg [dreg:$0xd];
	v18 =	vadd.s32 v3, v61  }
0xcc: {  	[tilespmem:s11], [sflag:$0x1] =	stream.indirect_vreg.gather [hbm4b:s4+s2], $0x80, v19, vm0, $0xb8;
	[tilespmem:$0x1D000] =	vst v63  }
0xcd: {  	v63 =	vperm.xlane v17, v15;
	s23 =	rddreg [dreg:$0xe];
	v19 =	vadd.s32 v3, v62  }
0xce: {  	[tilespmem:s23], [sflag:$0x1] =	stream.indirect_vreg.gather [hbm4b:s4+s2], $0x80, v60, vm0, $0xb8;
	[tilespmem:$0x1D000] =	vst v63  }
0xcf: {  	v17 =	vperm.xlane v17, v16;
	v24 =	vadd.s32 v3, v63;
	s11 =	rddreg [dreg:$0xf]  }
0xd0: {  	[tilespmem:s11], [sflag:$0x1] =	stream.indirect_vreg.gather [hbm4b:s4+s2], $0x80, v18, vm0, $0xb8;
	[tilespmem:$0x1D000] =	vst v63  }
0xd1: {  	v17 =	vadd.s32 v3, v17;
	s23 =	rddreg [dreg:$0x10]  }
0xd2: {  	[tilespmem:s23], [sflag:$0x1] =	stream.indirect_vreg.gather [hbm4b:s4+s2], $0x80, v19, vm0, $0xb8;
	[tilespmem:$0x1D000] =	vst v63  }
0xd3: {  	s11 =	rddreg [dreg:$0x11]  }
0xd4: {  	[tilespmem:s11], [sflag:$0x1] =	stream.indirect_vreg.gather [hbm4b:s4+s2], $0x80, v24, vm0, $0xb8;
	[tilespmem:$0x1D000] =	vst v63  }
0xd5: {  	s23 =	rddreg [dreg:$0x12]  }
0xd6: {  	[tilespmem:s23], [sflag:$0x1] =	stream.indirect_vreg.gather [hbm4b:s4+s2], $0x80, v17, vm0, $0xb8;
	[tilespmem:$0x1D000] =	vst v63  }
0xd7: {  	v17 =	vld [tilespmem:s26+$0x10];
	_ =	sdelay $0x4  }
0xd8: {  	v18 =	vshll.u32 v17, $0x1  }
0xd9: {  	v17 =	vand.u32 $0x7, v17;
	v18 =	vand.u32 $0xFFFFFFF0, v18  }
0xda: {  	v17 =	vor.u32 v17, v18  }
0xdb: {  	v18 =	vperm.xlane v17, v2;
	_ =	sdelay $0x1  }
0xdc: {  	v19 =	vperm.xlane v17, v1;
	v18 =	vadd.s32 v3, v18;
	_ =	sdelay $0x1  }
0xdd: {  	v25 =	vperm.xlane v17, v4;
	v19 =	vadd.s32 v3, v19  }
0xde: {  	s11 =	rddreg [dreg:$0x13]  }
0xdf: {  	s23 =	rddreg [dreg:$0x14];
	v26 =	vperm.xlane v17, v5;
	v20 =	vadd.s32 v3, v25  }
0xe0: {  	[tilespmem:s11], [sflag:$0x1] =	stream.indirect_vreg.gather [hbm4b:s4+s2], $0x80, v18, vm0, $0xb8;
	[tilespmem:$0x1D000] =	vst v63  }
0xe1: {  	v27 =	vperm.xlane v17, v6;
	s11 =	rddreg [dreg:$0x15];
	v18 =	vadd.s32 v3, v26  }
0xe2: {  	[tilespmem:s23], [sflag:$0x1] =	stream.indirect_vreg.gather [hbm4b:s4+s2], $0x80, v19, vm0, $0xb8;
	[tilespmem:$0x1D000] =	vst v63  }
0xe3: {  	v28 =	vperm.xlane v17, v7;
	s23 =	rddreg [dreg:$0x16];
	v19 =	vadd.s32 v3, v27  }
0xe4: {  	[tilespmem:s11], [sflag:$0x1] =	stream.indirect_vreg.gather [hbm4b:s4+s2], $0x80, v20, vm0, $0xb8;
	[tilespmem:$0x1D000] =	vst v63  }
0xe5: {  	v30 =	vperm.xlane v17, v8;
	v29 =	vadd.s32 v3, v28;
	s11 =	rddreg [dreg:$0x17]  }
0xe6: {  	[tilespmem:s23], [sflag:$0x1] =	stream.indirect_vreg.gather [hbm4b:s4+s2], $0x80, v18, vm0, $0xb8;
	[tilespmem:$0x1D000] =	vst v63  }
0xe7: {  	v31 =	vperm.xlane v17, v0;
	s23 =	rddreg [dreg:$0x18];
	v18 =	vadd.s32 v3, v30  }
0xe8: {  	[tilespmem:s11], [sflag:$0x1] =	stream.indirect_vreg.gather [hbm4b:s4+s2], $0x80, v19, vm0, $0xb8;
	[tilespmem:$0x1D000] =	vst v63  }
0xe9: {  	v32 =	vperm.xlane v17, v9;
	s11 =	rddreg [dreg:$0x19];
	v19 =	vadd.s32 v3, v31  }
0xea: {  	[tilespmem:s23], [sflag:$0x1] =	stream.indirect_vreg.gather [hbm4b:s4+s2], $0x80, v29, vm0, $0xb8;
	[tilespmem:$0x1D000] =	vst v63  }
0xeb: {  	v34 =	vperm.xlane v17, v10;
	v33 =	vadd.s32 v3, v32;
	s23 =	rddreg [dreg:$0x1a]  }
0xec: {  	[tilespmem:s11], [sflag:$0x1] =	stream.indirect_vreg.gather [hbm4b:s4+s2], $0x80, v18, vm0, $0xb8;
	[tilespmem:$0x1D000] =	vst v63  }
0xed: {  	v35 =	vperm.xlane v17, v11;
	s11 =	rddreg [dreg:$0x1b];
	v18 =	vadd.s32 v3, v34  }
0xee: {  	[tilespmem:s23], [sflag:$0x1] =	stream.indirect_vreg.gather [hbm4b:s4+s2], $0x80, v19, vm0, $0xb8;
	[tilespmem:$0x1D000] =	vst v63  }
0xef: {  	v36 =	vperm.xlane v17, v12;
	s23 =	rddreg [dreg:$0x1c];
	v19 =	vadd.s32 v3, v35  }
0xf0: {  	[tilespmem:s11], [sflag:$0x1] =	stream.indirect_vreg.gather [hbm4b:s4+s2], $0x80, v33, vm0, $0xb8;
	[tilespmem:$0x1D000] =	vst v63  }
0xf1: {  	v38 =	vperm.xlane v17, v13;
	v37 =	vadd.s32 v3, v36;
	s11 =	rddreg [dreg:$0x1d]  }
0xf2: {  	[tilespmem:s23], [sflag:$0x1] =	stream.indirect_vreg.gather [hbm4b:s4+s2], $0x80, v18, vm0, $0xb8;
	[tilespmem:$0x1D000] =	vst v63  }
0xf3: {  	v39 =	vperm.xlane v17, v14;
	s23 =	rddreg [dreg:$0x1e];
	v18 =	vadd.s32 v3, v38  }
0xf4: {  	[tilespmem:s11], [sflag:$0x1] =	stream.indirect_vreg.gather [hbm4b:s4+s2], $0x80, v19, vm0, $0xb8;
	[tilespmem:$0x1D000] =	vst v63  }
0xf5: {  	v40 =	vperm.xlane v17, v15;
	s11 =	rddreg [dreg:$0x1f];
	v19 =	vadd.s32 v3, v39  }
0xf6: {  	[tilespmem:s23], [sflag:$0x1] =	stream.indirect_vreg.gather [hbm4b:s4+s2], $0x80, v37, vm0, $0xb8;
	[tilespmem:$0x1D000] =	vst v63  }
0xf7: {  	v17 =	vperm.xlane v17, v16;
	v41 =	vadd.s32 v3, v40;
	s23 =	sld [smem:$0x79C]  }
0xf8: {  	[tilespmem:s11], [sflag:$0x1] =	stream.indirect_vreg.gather [hbm4b:s4+s2], $0x80, v18, vm0, $0xb8;
	[tilespmem:$0x1D000] =	vst v63  }
0xf9: {  	v17 =	vadd.s32 v3, v17;
	s11 =	sld [smem:$0x79D]  }
0xfa: {  	[tilespmem:s23], [sflag:$0x1] =	stream.indirect_vreg.gather [hbm4b:s4+s2], $0x80, v19, vm0, $0xb8;
	[tilespmem:$0x1D000] =	vst v63  }
0xfb: {  	s23 =	sld [smem:$0x79E]  }
0xfc: {  	[tilespmem:s11], [sflag:$0x1] =	stream.indirect_vreg.gather [hbm4b:s4+s2], $0x80, v41, vm0, $0xb8;
	[tilespmem:$0x1D000] =	vst v63  }
0xfd: {  	_ = 	snop  }
0xfe: {  	[tilespmem:s23], [sflag:$0x1] =	stream.indirect_vreg.gather [hbm4b:s4+s2], $0x80, v17, vm0, $0xb8;
	[tilespmem:$0x1D000] =	vst v63  }
0xff: {  	v17 =	vld [tilespmem:s26+$0x20];
	_ =	sdelay $0x4  }
0x100: {  	v18 =	vshll.u32 v17, $0x1  }
0x101: {  	v17 =	vand.u32 $0x7, v17;
	v18 =	vand.u32 $0xFFFFFFF0, v18  }
0x102: {  	v17 =	vor.u32 v17, v18  }
0x103: {  	v18 =	vperm.xlane v17, v2;
	_ =	sdelay $0x1  }
0x104: {  	v19 =	vperm.xlane v17, v1;
	v18 =	vadd.s32 v3, v18;
	_ =	sdelay $0x1  }
0x105: {  	s11 =	sld [smem:$0x79F];
	v42 =	vperm.xlane v17, v4;
	v19 =	vadd.s32 v3, v19;
	_ =	sdelay $0x1  }
0x106: {  	s23 =	sld [smem:$0x7A0];
	v43 =	vperm.xlane v17, v5;
	v20 =	vadd.s32 v3, v42  }
0x107: {  	[tilespmem:s11], [sflag:$0x1] =	stream.indirect_vreg.gather [hbm4b:s4+s2], $0x80, v18, vm0, $0xb8;
	[tilespmem:$0x1D000] =	vst v63  }
0x108: {  	v44 =	vperm.xlane v17, v6;
	s11 =	sld [smem:$0x7A1];
	v18 =	vadd.s32 v3, v43  }
0x109: {  	[tilespmem:s23], [sflag:$0x1] =	stream.indirect_vreg.gather [hbm4b:s4+s2], $0x80, v19, vm0, $0xb8;
	[tilespmem:$0x1D000] =	vst v63  }
0x10a: {  	v45 =	vperm.xlane v17, v7;
	s23 =	sld [smem:$0x7A2];
	v19 =	vadd.s32 v3, v44  }
0x10b: {  	[tilespmem:s11], [sflag:$0x1] =	stream.indirect_vreg.gather [hbm4b:s4+s2], $0x80, v20, vm0, $0xb8;
	[tilespmem:$0x1D000] =	vst v63  }
0x10c: {  	v47 =	vperm.xlane v17, v8;
	v46 =	vadd.s32 v3, v45;
	s11 =	sld [smem:$0x7A3]  }
0x10d: {  	[tilespmem:s23], [sflag:$0x1] =	stream.indirect_vreg.gather [hbm4b:s4+s2], $0x80, v18, vm0, $0xb8;
	[tilespmem:$0x1D000] =	vst v63  }
0x10e: {  	v48 =	vperm.xlane v17, v0;
	s23 =	sld [smem:$0x7A4];
	v18 =	vadd.s32 v3, v47  }
0x10f: {  	[tilespmem:s11], [sflag:$0x1] =	stream.indirect_vreg.gather [hbm4b:s4+s2], $0x80, v19, vm0, $0xb8;
	[tilespmem:$0x1D000] =	vst v63  }
0x110: {  	v49 =	vperm.xlane v17, v9;
	s11 =	sld [smem:$0x7A5];
	v19 =	vadd.s32 v3, v48  }
0x111: {  	[tilespmem:s23], [sflag:$0x1] =	stream.indirect_vreg.gather [hbm4b:s4+s2], $0x80, v46, vm0, $0xb8;
	[tilespmem:$0x1D000] =	vst v63  }
0x112: {  	v51 =	vperm.xlane v17, v10;
	v50 =	vadd.s32 v3, v49;
	s23 =	sld [smem:$0x7A6]  }
0x113: {  	[tilespmem:s11], [sflag:$0x1] =	stream.indirect_vreg.gather [hbm4b:s4+s2], $0x80, v18, vm0, $0xb8;
	[tilespmem:$0x1D000] =	vst v63  }
0x114: {  	v52 =	vperm.xlane v17, v11;
	s11 =	sld [smem:$0x7A7];
	v18 =	vadd.s32 v3, v51  }
0x115: {  	[tilespmem:s23], [sflag:$0x1] =	stream.indirect_vreg.gather [hbm4b:s4+s2], $0x80, v19, vm0, $0xb8;
	[tilespmem:$0x1D000] =	vst v63  }
0x116: {  	v53 =	vperm.xlane v17, v12;
	s23 =	sld [smem:$0x7A8];
	v19 =	vadd.s32 v3, v52  }
0x117: {  	[tilespmem:s11], [sflag:$0x1] =	stream.indirect_vreg.gather [hbm4b:s4+s2], $0x80, v50, vm0, $0xb8;
	[tilespmem:$0x1D000] =	vst v63  }
0x118: {  	v55 =	vperm.xlane v17, v13;
	v54 =	vadd.s32 v3, v53;
	s11 =	sld [smem:$0x7A9]  }
0x119: {  	[tilespmem:s23], [sflag:$0x1] =	stream.indirect_vreg.gather [hbm4b:s4+s2], $0x80, v18, vm0, $0xb8;
	[tilespmem:$0x1D000] =	vst v63  }
0x11a: {  	v56 =	vperm.xlane v17, v14;
	s23 =	sld [smem:$0x7AA];
	v18 =	vadd.s32 v3, v55  }
0x11b: {  	[tilespmem:s11], [sflag:$0x1] =	stream.indirect_vreg.gather [hbm4b:s4+s2], $0x80, v19, vm0, $0xb8;
	[tilespmem:$0x1D000] =	vst v63  }
0x11c: {  	v57 =	vperm.xlane v17, v15;
	s11 =	sld [smem:$0x7AB];
	v19 =	vadd.s32 v3, v56  }
0x11d: {  	[tilespmem:s23], [sflag:$0x1] =	stream.indirect_vreg.gather [hbm4b:s4+s2], $0x80, v54, vm0, $0xb8;
	[tilespmem:$0x1D000] =	vst v63  }
0x11e: {  	v17 =	vperm.xlane v17, v16;
	v58 =	vadd.s32 v3, v57;
	s23 =	sld [smem:$0x7AC]  }
0x11f: {  	[tilespmem:s11], [sflag:$0x1] =	stream.indirect_vreg.gather [hbm4b:s4+s2], $0x80, v18, vm0, $0xb8;
	[tilespmem:$0x1D000] =	vst v63  }
0x120: {  	v17 =	vadd.s32 v3, v17;
	s11 =	sld [smem:$0x7AD]  }
0x121: {  	[tilespmem:s23], [sflag:$0x1] =	stream.indirect_vreg.gather [hbm4b:s4+s2], $0x80, v19, vm0, $0xb8;
	[tilespmem:$0x1D000] =	vst v63  }
0x122: {  	s23 =	sld [smem:$0x7AE]  }
0x123: {  	[tilespmem:s11], [sflag:$0x1] =	stream.indirect_vreg.gather [hbm4b:s4+s2], $0x80, v58, vm0, $0xb8;
	[tilespmem:$0x1D000] =	vst v63  }
0x124: {  	_ = 	snop  }
0x125: {  	[tilespmem:s23], [sflag:$0x1] =	stream.indirect_vreg.gather [hbm4b:s4+s2], $0x80, v17, vm0, $0xb8;
	[tilespmem:$0x1D000] =	vst v63  }
0x126: {  	v17 =	vld [tilespmem:s26+$0x30];
	_ =	sdelay $0x4  }
0x127: {  	v18 =	vshll.u32 v17, $0x1  }
0x128: {  	v17 =	vand.u32 $0x7, v17;
	v18 =	vand.u32 $0xFFFFFFF0, v18  }
0x129: {  	v17 =	vor.u32 v17, v18  }
0x12a: {  	v18 =	vperm.xlane v17, v2;
	_ =	sdelay $0x1  }
0x12b: {  	v19 =	vperm.xlane v17, v1;
	v18 =	vadd.s32 v3, v18;
	_ =	sdelay $0x1  }
0x12c: {  	s11 =	sld [smem:$0x7AF];
	v59 =	vperm.xlane v17, v4;
	v19 =	vadd.s32 v3, v19;
	_ =	sdelay $0x1  }
0x12d: {  	s23 =	sld [smem:$0x7B0];
	v60 =	vperm.xlane v17, v5;
	v20 =	vadd.s32 v3, v59  }
0x12e: {  	[tilespmem:s11], [sflag:$0x1] =	stream.indirect_vreg.gather [hbm4b:s4+s2], $0x80, v18, vm0, $0xb8;
	[tilespmem:$0x1D000] =	vst v63  }
0x12f: {  	v61 =	vperm.xlane v17, v6;
	s11 =	sld [smem:$0x7B1];
	v18 =	vadd.s32 v3, v60  }
0x130: {  	[tilespmem:s23], [sflag:$0x1] =	stream.indirect_vreg.gather [hbm4b:s4+s2], $0x80, v19, vm0, $0xb8;
	[tilespmem:$0x1D000] =	vst v63  }
0x131: {  	v62 =	vperm.xlane v17, v7;
	s23 =	sld [smem:$0x7B2];
	v19 =	vadd.s32 v3, v61  }
0x132: {  	[tilespmem:s11], [sflag:$0x1] =	stream.indirect_vreg.gather [hbm4b:s4+s2], $0x80, v20, vm0, $0xb8;
	[tilespmem:$0x1D000] =	vst v63  }
0x133: {  	v24 =	vperm.xlane v17, v8;
	v63 =	vadd.s32 v3, v62;
	s11 =	sld [smem:$0x7B3]  }
0x134: {  	[tilespmem:s23], [sflag:$0x1] =	stream.indirect_vreg.gather [hbm4b:s4+s2], $0x80, v18, vm0, $0xb8;
	[tilespmem:$0x1D000] =	vst v63  }
0x135: {  	v25 =	vperm.xlane v17, v0;
	s23 =	sld [smem:$0x7B4];
	v18 =	vadd.s32 v3, v24  }
0x136: {  	[tilespmem:s11], [sflag:$0x1] =	stream.indirect_vreg.gather [hbm4b:s4+s2], $0x80, v19, vm0, $0xb8;
	[tilespmem:$0x1D000] =	vst v63  }
0x137: {  	v26 =	vperm.xlane v17, v9;
	s11 =	sld [smem:$0x7B5];
	v19 =	vadd.s32 v3, v25  }
0x138: {  	[tilespmem:s23], [sflag:$0x1] =	stream.indirect_vreg.gather [hbm4b:s4+s2], $0x80, v63, vm0, $0xb8;
	[tilespmem:$0x1D000] =	vst v63  }
0x139: {  	v28 =	vperm.xlane v17, v10;
	v27 =	vadd.s32 v3, v26;
	s23 =	sld [smem:$0x7B6]  }
0x13a: {  	[tilespmem:s11], [sflag:$0x1] =	stream.indirect_vreg.gather [hbm4b:s4+s2], $0x80, v18, vm0, $0xb8;
	[tilespmem:$0x1D000] =	vst v63  }
0x13b: {  	v29 =	vperm.xlane v17, v11;
	s11 =	sld [smem:$0x7B7];
	v18 =	vadd.s32 v3, v28  }
0x13c: {  	[tilespmem:s23], [sflag:$0x1] =	stream.indirect_vreg.gather [hbm4b:s4+s2], $0x80, v19, vm0, $0xb8;
	[tilespmem:$0x1D000] =	vst v63  }
0x13d: {  	v30 =	vperm.xlane v17, v12;
	s23 =	sld [smem:$0x7B8];
	v19 =	vadd.s32 v3, v29  }
0x13e: {  	[tilespmem:s11], [sflag:$0x1] =	stream.indirect_vreg.gather [hbm4b:s4+s2], $0x80, v27, vm0, $0xb8;
	[tilespmem:$0x1D000] =	vst v63  }
0x13f: {  	v32 =	vperm.xlane v17, v13;
	v31 =	vadd.s32 v3, v30;
	s11 =	sld [smem:$0x7B9]  }
0x140: {  	[tilespmem:s23], [sflag:$0x1] =	stream.indirect_vreg.gather [hbm4b:s4+s2], $0x80, v18, vm0, $0xb8;
	[tilespmem:$0x1D000] =	vst v63  }
0x141: {  	v33 =	vperm.xlane v17, v14;
	s23 =	sld [smem:$0x7BA];
	v18 =	vadd.s32 v3, v32  }
0x142: {  	[tilespmem:s11], [sflag:$0x1] =	stream.indirect_vreg.gather [hbm4b:s4+s2], $0x80, v19, vm0, $0xb8;
	[tilespmem:$0x1D000] =	vst v63  }
0x143: {  	v34 =	vperm.xlane v17, v15;
	s11 =	sld [smem:$0x7BB];
	v19 =	vadd.s32 v3, v33  }
0x144: {  	[tilespmem:s23], [sflag:$0x1] =	stream.indirect_vreg.gather [hbm4b:s4+s2], $0x80, v31, vm0, $0xb8;
	[tilespmem:$0x1D000] =	vst v63  }
0x145: {  	v17 =	vperm.xlane v17, v16;
	v35 =	vadd.s32 v3, v34;
	s23 =	sld [smem:$0x7BC]  }
0x146: {  	[tilespmem:s11], [sflag:$0x1] =	stream.indirect_vreg.gather [hbm4b:s4+s2], $0x80, v18, vm0, $0xb8;
	[tilespmem:$0x1D000] =	vst v63  }
0x147: {  	v17 =	vadd.s32 v3, v17;
	s11 =	sld [smem:$0x7BD]  }
0x148: {  	[tilespmem:s23], [sflag:$0x1] =	stream.indirect_vreg.gather [hbm4b:s4+s2], $0x80, v19, vm0, $0xb8;
	[tilespmem:$0x1D000] =	vst v63  }
0x149: {  	s23 =	sld [smem:$0x7BE]  }
0x14a: {  	[tilespmem:s11], [sflag:$0x1] =	stream.indirect_vreg.gather [hbm4b:s4+s2], $0x80, v35, vm0, $0xb8;
	[tilespmem:$0x1D000] =	vst v63  }
0x14b: {  	_ = 	snop  }
0x14c: {  	[tilespmem:s23], [sflag:$0x1] =	stream.indirect_vreg.gather [hbm4b:s4+s2], $0x80, v17, vm0, $0xb8;
	[tilespmem:$0x1D000] =	vst v63  }
0x14d: {  	v17 =	vld [tilespmem:s26+$0x40];
	_ =	sdelay $0x4  }
0x14e: {  	v18 =	vshll.u32 v17, $0x1  }
0x14f: {  	v17 =	vand.u32 $0x7, v17;
	v18 =	vand.u32 $0xFFFFFFF0, v18  }
0x150: {  	v17 =	vor.u32 v17, v18  }
0x151: {  	v18 =	vperm.xlane v17, v2;
	_ =	sdelay $0x1  }
0x152: {  	v19 =	vperm.xlane v17, v1;
	v18 =	vadd.s32 v3, v18;
	_ =	sdelay $0x1  }
0x153: {  	s11 =	sld [smem:$0x7BF];
	v36 =	vperm.xlane v17, v4;
	v19 =	vadd.s32 v3, v19;
	_ =	sdelay $0x1  }
0x154: {  	s23 =	sld [smem:$0x7C0];
	v37 =	vperm.xlane v17, v5;
	v20 =	vadd.s32 v3, v36  }
0x155: {  	[tilespmem:s11], [sflag:$0x1] =	stream.indirect_vreg.gather [hbm4b:s4+s2], $0x80, v18, vm0, $0xb8;
	[tilespmem:$0x1D000] =	vst v63  }
0x156: {  	v38 =	vperm.xlane v17, v6;
	s11 =	sld [smem:$0x7C1];
	v18 =	vadd.s32 v3, v37  }
0x157: {  	[tilespmem:s23], [sflag:$0x1] =	stream.indirect_vreg.gather [hbm4b:s4+s2], $0x80, v19, vm0, $0xb8;
	[tilespmem:$0x1D000] =	vst v63  }
0x158: {  	v39 =	vperm.xlane v17, v7;
	s23 =	sld [smem:$0x7C2];
	v19 =	vadd.s32 v3, v38  }
0x159: {  	[tilespmem:s11], [sflag:$0x1] =	stream.indirect_vreg.gather [hbm4b:s4+s2], $0x80, v20, vm0, $0xb8;
	[tilespmem:$0x1D000] =	vst v63  }
0x15a: {  	v41 =	vperm.xlane v17, v8;
	v40 =	vadd.s32 v3, v39;
	s11 =	sld [smem:$0x7C3]  }
0x15b: {  	[tilespmem:s23], [sflag:$0x1] =	stream.indirect_vreg.gather [hbm4b:s4+s2], $0x80, v18, vm0, $0xb8;
	[tilespmem:$0x1D000] =	vst v63  }
0x15c: {  	v42 =	vperm.xlane v17, v0;
	s23 =	sld [smem:$0x7C4];
	v18 =	vadd.s32 v3, v41  }
0x15d: {  	[tilespmem:s11], [sflag:$0x1] =	stream.indirect_vreg.gather [hbm4b:s4+s2], $0x80, v19, vm0, $0xb8;
	[tilespmem:$0x1D000] =	vst v63  }
0x15e: {  	v43 =	vperm.xlane v17, v9;
	s11 =	sld [smem:$0x7C5];
	v19 =	vadd.s32 v3, v42  }
0x15f: {  	[tilespmem:s23], [sflag:$0x1] =	stream.indirect_vreg.gather [hbm4b:s4+s2], $0x80, v40, vm0, $0xb8;
	[tilespmem:$0x1D000] =	vst v63  }
0x160: {  	v45 =	vperm.xlane v17, v10;
	v44 =	vadd.s32 v3, v43;
	s23 =	sld [smem:$0x7C7]  }
0x161: {  	[tilespmem:s11], [sflag:$0x1] =	stream.indirect_vreg.gather [hbm4b:s4+s2], $0x80, v18, vm0, $0xb8;
	[tilespmem:$0x1D000] =	vst v63  }
0x162: {  	v46 =	vperm.xlane v17, v11;
	s11 =	sld [smem:$0x7C9];
	v18 =	vadd.s32 v3, v45  }
0x163: {  	[tilespmem:s23], [sflag:$0x1] =	stream.indirect_vreg.gather [hbm4b:s4+s2], $0x80, v19, vm0, $0xb8;
	[tilespmem:$0x1D000] =	vst v63  }
0x164: {  	v47 =	vperm.xlane v17, v12;
	s23 =	sld [smem:$0x7CA];
	v19 =	vadd.s32 v3, v46  }
0x165: {  	[tilespmem:s11], [sflag:$0x1] =	stream.indirect_vreg.gather [hbm4b:s4+s2], $0x80, v44, vm0, $0xb8;
	[tilespmem:$0x1D000] =	vst v63  }
0x166: {  	v49 =	vperm.xlane v17, v13;
	v48 =	vadd.s32 v3, v47;
	s11 =	sld [smem:$0x7CB]  }
0x167: {  	[tilespmem:s23], [sflag:$0x1] =	stream.indirect_vreg.gather [hbm4b:s4+s2], $0x80, v18, vm0, $0xb8;
	[tilespmem:$0x1D000] =	vst v63  }
0x168: {  	v50 =	vperm.xlane v17, v14;
	s23 =	sld [smem:$0x7CC];
	v18 =	vadd.s32 v3, v49  }
0x169: {  	[tilespmem:s11], [sflag:$0x1] =	stream.indirect_vreg.gather [hbm4b:s4+s2], $0x80, v19, vm0, $0xb8;
	[tilespmem:$0x1D000] =	vst v63  }
0x16a: {  	v51 =	vperm.xlane v17, v15;
	s11 =	sld [smem:$0x7CD];
	v19 =	vadd.s32 v3, v50  }
0x16b: {  	[tilespmem:s23], [sflag:$0x1] =	stream.indirect_vreg.gather [hbm4b:s4+s2], $0x80, v48, vm0, $0xb8;
	[tilespmem:$0x1D000] =	vst v63  }
0x16c: {  	v17 =	vperm.xlane v17, v16;
	v52 =	vadd.s32 v3, v51;
	s23 =	sld [smem:$0x7CF]  }
0x16d: {  	[tilespmem:s11], [sflag:$0x1] =	stream.indirect_vreg.gather [hbm4b:s4+s2], $0x80, v18, vm0, $0xb8;
	[tilespmem:$0x1D000] =	vst v63  }
0x16e: {  	v17 =	vadd.s32 v3, v17;
	s11 =	sld [smem:$0x7D1]  }
0x16f: {  	[tilespmem:s23], [sflag:$0x1] =	stream.indirect_vreg.gather [hbm4b:s4+s2], $0x80, v19, vm0, $0xb8;
	[tilespmem:$0x1D000] =	vst v63  }
0x170: {  	s23 =	sld [smem:$0x7D3]  }
0x171: {  	[tilespmem:s11], [sflag:$0x1] =	stream.indirect_vreg.gather [hbm4b:s4+s2], $0x80, v52, vm0, $0xb8;
	[tilespmem:$0x1D000] =	vst v63  }
0x172: {  	_ = 	snop  }
0x173: {  	[tilespmem:s23], [sflag:$0x1] =	stream.indirect_vreg.gather [hbm4b:s4+s2], $0x80, v17, vm0, $0xb8;
	[tilespmem:$0x1D000] =	vst v63  }
0x174: {  	v17 =	vld [tilespmem:s26+$0x50];
	_ =	sdelay $0x4  }
0x175: {  	v18 =	vshll.u32 v17, $0x1  }
0x176: {  	v17 =	vand.u32 $0x7, v17;
	v18 =	vand.u32 $0xFFFFFFF0, v18  }
0x177: {  	v17 =	vor.u32 v17, v18  }
0x178: {  	v18 =	vperm.xlane v17, v2;
	_ =	sdelay $0x1  }
0x179: {  	v19 =	vperm.xlane v17, v1;
	v18 =	vadd.s32 v3, v18;
	_ =	sdelay $0x1  }
0x17a: {  	s11 =	sld [smem:$0x7D5];
	v53 =	vperm.xlane v17, v4;
	v19 =	vadd.s32 v3, v19;
	_ =	sdelay $0x1  }
0x17b: {  	s23 =	sld [smem:$0x7D6];
	v54 =	vperm.xlane v17, v5;
	v20 =	vadd.s32 v3, v53  }
0x17c: {  	[tilespmem:s11], [sflag:$0x1] =	stream.indirect_vreg.gather [hbm4b:s4+s2], $0x80, v18, vm0, $0xb8;
	[tilespmem:$0x1D000] =	vst v63  }
0x17d: {  	v55 =	vperm.xlane v17, v6;
	s11 =	sld [smem:$0x7D7];
	v18 =	vadd.s32 v3, v54  }
0x17e: {  	[tilespmem:s23], [sflag:$0x1] =	stream.indirect_vreg.gather [hbm4b:s4+s2], $0x80, v19, vm0, $0xb8;
	[tilespmem:$0x1D000] =	vst v63  }
0x17f: {  	v56 =	vperm.xlane v17, v7;
	s23 =	sld [smem:$0x7D8];
	v19 =	vadd.s32 v3, v55  }
0x180: {  	[tilespmem:s11], [sflag:$0x1] =	stream.indirect_vreg.gather [hbm4b:s4+s2], $0x80, v20, vm0, $0xb8;
	[tilespmem:$0x1D000] =	vst v63  }
0x181: {  	v58 =	vperm.xlane v17, v8;
	v57 =	vadd.s32 v3, v56;
	s11 =	sld [smem:$0x7D9]  }
0x182: {  	[tilespmem:s23], [sflag:$0x1] =	stream.indirect_vreg.gather [hbm4b:s4+s2], $0x80, v18, vm0, $0xb8;
	[tilespmem:$0x1D000] =	vst v63  }
0x183: {  	v59 =	vperm.xlane v17, v0;
	s23 =	sld [smem:$0x7DA];
	v18 =	vadd.s32 v3, v58  }
0x184: {  	[tilespmem:s11], [sflag:$0x1] =	stream.indirect_vreg.gather [hbm4b:s4+s2], $0x80, v19, vm0, $0xb8;
	[tilespmem:$0x1D000] =	vst v63  }
0x185: {  	v60 =	vperm.xlane v17, v9;
	s11 =	sld [smem:$0x7DC];
	v19 =	vadd.s32 v3, v59  }
0x186: {  	[tilespmem:s23], [sflag:$0x1] =	stream.indirect_vreg.gather [hbm4b:s4+s2], $0x80, v57, vm0, $0xb8;
	[tilespmem:$0x1D000] =	vst v63  }
0x187: {  	v62 =	vperm.xlane v17, v10;
	v61 =	vadd.s32 v3, v60;
	s23 =	sld [smem:$0x7DE]  }
0x188: {  	[tilespmem:s11], [sflag:$0x1] =	stream.indirect_vreg.gather [hbm4b:s4+s2], $0x80, v18, vm0, $0xb8;
	[tilespmem:$0x1D000] =	vst v63  }
0x189: {  	v63 =	vperm.xlane v17, v11;
	s11 =	sld [smem:$0x7DF];
	v18 =	vadd.s32 v3, v62  }
0x18a: {  	[tilespmem:s23], [sflag:$0x1] =	stream.indirect_vreg.gather [hbm4b:s4+s2], $0x80, v19, vm0, $0xb8;
	[tilespmem:$0x1D000] =	vst v63  }
0x18b: {  	v24 =	vperm.xlane v17, v12;
	s23 =	sld [smem:$0x7E0];
	v19 =	vadd.s32 v3, v63  }
0x18c: {  	[tilespmem:s11], [sflag:$0x1] =	stream.indirect_vreg.gather [hbm4b:s4+s2], $0x80, v61, vm0, $0xb8;
	[tilespmem:$0x1D000] =	vst v63  }
0x18d: {  	v26 =	vperm.xlane v17, v13;
	v25 =	vadd.s32 v3, v24;
	s11 =	sld [smem:$0x7E1]  }
0x18e: {  	[tilespmem:s23], [sflag:$0x1] =	stream.indirect_vreg.gather [hbm4b:s4+s2], $0x80, v18, vm0, $0xb8;
	[tilespmem:$0x1D000] =	vst v63  }
0x18f: {  	v27 =	vperm.xlane v17, v14;
	s23 =	sld [smem:$0x7E3];
	v18 =	vadd.s32 v3, v26  }
0x190: {  	[tilespmem:s11], [sflag:$0x1] =	stream.indirect_vreg.gather [hbm4b:s4+s2], $0x80, v19, vm0, $0xb8;
	[tilespmem:$0x1D000] =	vst v63  }
0x191: {  	v28 =	vperm.xlane v17, v15;
	s11 =	sld [smem:$0x7E5];
	v19 =	vadd.s32 v3, v27  }
0x192: {  	[tilespmem:s23], [sflag:$0x1] =	stream.indirect_vreg.gather [hbm4b:s4+s2], $0x80, v25, vm0, $0xb8;
	[tilespmem:$0x1D000] =	vst v63  }
0x193: {  	v17 =	vperm.xlane v17, v16;
	v29 =	vadd.s32 v3, v28;
	s23 =	sld [smem:$0x7E6]  }
0x194: {  	[tilespmem:s11], [sflag:$0x1] =	stream.indirect_vreg.gather [hbm4b:s4+s2], $0x80, v18, vm0, $0xb8;
	[tilespmem:$0x1D000] =	vst v63  }
0x195: {  	v17 =	vadd.s32 v3, v17;
	s11 =	sld [smem:$0x7E7]  }
0x196: {  	[tilespmem:s23], [sflag:$0x1] =	stream.indirect_vreg.gather [hbm4b:s4+s2], $0x80, v19, vm0, $0xb8;
	[tilespmem:$0x1D000] =	vst v63  }
0x197: {  	s23 =	sld [smem:$0x7E8]  }
0x198: {  	[tilespmem:s11], [sflag:$0x1] =	stream.indirect_vreg.gather [hbm4b:s4+s2], $0x80, v29, vm0, $0xb8;
	[tilespmem:$0x1D000] =	vst v63  }
0x199: {  	_ = 	snop  }
0x19a: {  	[tilespmem:s23], [sflag:$0x1] =	stream.indirect_vreg.gather [hbm4b:s4+s2], $0x80, v17, vm0, $0xb8;
	[tilespmem:$0x1D000] =	vst v63  }
0x19b: {  	v17 =	vld [tilespmem:s26+$0x60];
	_ =	sdelay $0x4  }
0x19c: {  	v18 =	vshll.u32 v17, $0x1  }
0x19d: {  	v17 =	vand.u32 $0x7, v17;
	v18 =	vand.u32 $0xFFFFFFF0, v18  }
0x19e: {  	v17 =	vor.u32 v17, v18  }
0x19f: {  	v18 =	vperm.xlane v17, v2;
	_ =	sdelay $0x1  }
0x1a0: {  	v19 =	vperm.xlane v17, v1;
	v18 =	vadd.s32 v3, v18;
	_ =	sdelay $0x1  }
0x1a1: {  	s11 =	sld [smem:$0x7EA];
	v30 =	vperm.xlane v17, v4;
	v19 =	vadd.s32 v3, v19;
	_ =	sdelay $0x1  }
0x1a2: {  	s23 =	sld [smem:$0x7EC];
	v31 =	vperm.xlane v17, v5;
	v20 =	vadd.s32 v3, v30  }
0x1a3: {  	[tilespmem:s11], [sflag:$0x1] =	stream.indirect_vreg.gather [hbm4b:s4+s2], $0x80, v18, vm0, $0xb8;
	[tilespmem:$0x1D000] =	vst v63  }
0x1a4: {  	v32 =	vperm.xlane v17, v6;
	s11 =	sld [smem:$0x7ED];
	v18 =	vadd.s32 v3, v31  }
0x1a5: {  	[tilespmem:s23], [sflag:$0x1] =	stream.indirect_vreg.gather [hbm4b:s4+s2], $0x80, v19, vm0, $0xb8;
	[tilespmem:$0x1D000] =	vst v63  }
0x1a6: {  	v33 =	vperm.xlane v17, v7;
	s23 =	sld [smem:$0x7EE];
	v19 =	vadd.s32 v3, v32  }
0x1a7: {  	[tilespmem:s11], [sflag:$0x1] =	stream.indirect_vreg.gather [hbm4b:s4+s2], $0x80, v20, vm0, $0xb8;
	[tilespmem:$0x1D000] =	vst v63  }
0x1a8: {  	v35 =	vperm.xlane v17, v8;
	v34 =	vadd.s32 v3, v33;
	s11 =	sld [smem:$0x7EF]  }
0x1a9: {  	[tilespmem:s23], [sflag:$0x1] =	stream.indirect_vreg.gather [hbm4b:s4+s2], $0x80, v18, vm0, $0xb8;
	[tilespmem:$0x1D000] =	vst v63  }
0x1aa: {  	v36 =	vperm.xlane v17, v0;
	s23 =	sld [smem:$0x7F1];
	v18 =	vadd.s32 v3, v35  }
0x1ab: {  	[tilespmem:s11], [sflag:$0x1] =	stream.indirect_vreg.gather [hbm4b:s4+s2], $0x80, v19, vm0, $0xb8;
	[tilespmem:$0x1D000] =	vst v63  }
0x1ac: {  	v37 =	vperm.xlane v17, v9;
	s11 =	sld [smem:$0x7F3];
	v19 =	vadd.s32 v3, v36  }
0x1ad: {  	[tilespmem:s23], [sflag:$0x1] =	stream.indirect_vreg.gather [hbm4b:s4+s2], $0x80, v34, vm0, $0xb8;
	[tilespmem:$0x1D000] =	vst v63  }
0x1ae: {  	v39 =	vperm.xlane v17, v10;
	v38 =	vadd.s32 v3, v37;
	s23 =	sld [smem:$0x7F5]  }
0x1af: {  	[tilespmem:s11], [sflag:$0x1] =	stream.indirect_vreg.gather [hbm4b:s4+s2], $0x80, v18, vm0, $0xb8;
	[tilespmem:$0x1D000] =	vst v63  }
0x1b0: {  	v40 =	vperm.xlane v17, v11;
	s11 =	sld [smem:$0x7F7];
	v18 =	vadd.s32 v3, v39  }
0x1b1: {  	[tilespmem:s23], [sflag:$0x1] =	stream.indirect_vreg.gather [hbm4b:s4+s2], $0x80, v19, vm0, $0xb8;
	[tilespmem:$0x1D000] =	vst v63  }
0x1b2: {  	v41 =	vperm.xlane v17, v12;
	s23 =	sld [smem:$0x7F9];
	v19 =	vadd.s32 v3, v40  }
0x1b3: {  	[tilespmem:s11], [sflag:$0x1] =	stream.indirect_vreg.gather [hbm4b:s4+s2], $0x80, v38, vm0, $0xb8;
	[tilespmem:$0x1D000] =	vst v63  }
0x1b4: {  	v43 =	vperm.xlane v17, v13;
	v42 =	vadd.s32 v3, v41;
	s11 =	sld [smem:$0x7FB]  }
0x1b5: {  	[tilespmem:s23], [sflag:$0x1] =	stream.indirect_vreg.gather [hbm4b:s4+s2], $0x80, v18, vm0, $0xb8;
	[tilespmem:$0x1D000] =	vst v63  }
0x1b6: {  	v44 =	vperm.xlane v17, v14;
	v18 =	vadd.s32 v3, v43  }
0x1b7: {  	[tilespmem:s11], [sflag:$0x1] =	stream.indirect_vreg.gather [hbm4b:s4+s2], $0x80, v19, vm0, $0xb8;
	[tilespmem:$0x1D000] =	vst v63  }
0x1b8: {  	v45 =	vperm.xlane v17, v15;
	v19 =	vadd.s32 v3, v44  }
0x1b9: {  	[tilespmem:s31], [sflag:$0x1] =	stream.indirect_vreg.gather [hbm4b:s4+s2], $0x80, v42, vm0, $0xb8;
	[tilespmem:$0x1D000] =	vst v63  }
0x1ba: {  	v17 =	vperm.xlane v17, v16;
	v46 =	vadd.s32 v3, v45  }
0x1bb: {  	[tilespmem:s0], [sflag:$0x1] =	stream.indirect_vreg.gather [hbm4b:s4+s2], $0x80, v18, vm0, $0xb8;
	[tilespmem:$0x1D000] =	vst v63  }
0x1bc: {  	v17 =	vadd.s32 v3, v17  }
0x1bd: {  	[tilespmem:s3], [sflag:$0x1] =	stream.indirect_vreg.gather [hbm4b:s4+s2], $0x80, v19, vm0, $0xb8;
	[tilespmem:$0x1D000] =	vst v63  }
0x1be: {  	_ = 	snop  }
0x1bf: {  	[tilespmem:s29], [sflag:$0x1] =	stream.indirect_vreg.gather [hbm4b:s4+s2], $0x80, v46, vm0, $0xb8;
	[tilespmem:$0x1D000] =	vst v63  }
0x1c0: {  	_ = 	snop  }
0x1c1: {  	[tilespmem:s5], [sflag:$0x1] =	stream.indirect_vreg.gather [hbm4b:s4+s2], $0x80, v17, vm0, $0xb8;
	[tilespmem:$0x1D000] =	vst v63  }
0x1c2: {  	v17 =	vld [tilespmem:s26+$0x70];
	_ =	sdelay $0x4  }
0x1c3: {  	v18 =	vshll.u32 v17, $0x1  }
0x1c4: {  	v17 =	vand.u32 $0x7, v17;
	v18 =	vand.u32 $0xFFFFFFF0, v18  }
0x1c5: {  	v17 =	vor.u32 v17, v18  }
0x1c6: {  	v18 =	vperm.xlane v17, v2;
	_ =	sdelay $0x1  }
0x1c7: {  	v19 =	vperm.xlane v17, v1;
	v18 =	vadd.s32 v3, v18;
	_ =	sdelay $0x1  }
0x1c8: {  	v47 =	vperm.xlane v17, v4;
	v19 =	vadd.s32 v3, v19;
	_ =	sdelay $0x1  }
0x1c9: {  	v48 =	vperm.xlane v17, v5;
	v20 =	vadd.s32 v3, v47  }
0x1ca: {  	[tilespmem:s6], [sflag:$0x1] =	stream.indirect_vreg.gather [hbm4b:s4+s2], $0x80, v18, vm0, $0xb8;
	[tilespmem:$0x1D000] =	vst v63  }
0x1cb: {  	v49 =	vperm.xlane v17, v6;
	v18 =	vadd.s32 v3, v48  }
0x1cc: {  	[tilespmem:s7], [sflag:$0x1] =	stream.indirect_vreg.gather [hbm4b:s4+s2], $0x80, v19, vm0, $0xb8;
	[tilespmem:$0x1D000] =	vst v63  }
0x1cd: {  	v50 =	vperm.xlane v17, v7;
	v19 =	vadd.s32 v3, v49  }
0x1ce: {  	[tilespmem:s8], [sflag:$0x1] =	stream.indirect_vreg.gather [hbm4b:s4+s2], $0x80, v20, vm0, $0xb8;
	[tilespmem:$0x1D000] =	vst v63  }
0x1cf: {  	v52 =	vperm.xlane v17, v8;
	v51 =	vadd.s32 v3, v50  }
0x1d0: {  	[tilespmem:s9], [sflag:$0x1] =	stream.indirect_vreg.gather [hbm4b:s4+s2], $0x80, v18, vm0, $0xb8;
	[tilespmem:$0x1D000] =	vst v63  }
0x1d1: {  	v53 =	vperm.xlane v17, v0;
	v18 =	vadd.s32 v3, v52  }
0x1d2: {  	[tilespmem:s10], [sflag:$0x1] =	stream.indirect_vreg.gather [hbm4b:s4+s2], $0x80, v19, vm0, $0xb8;
	[tilespmem:$0x1D000] =	vst v63  }
0x1d3: {  	v54 =	vperm.xlane v17, v9;
	v19 =	vadd.s32 v3, v53  }
0x1d4: {  	[tilespmem:s12], [sflag:$0x1] =	stream.indirect_vreg.gather [hbm4b:s4+s2], $0x80, v51, vm0, $0xb8;
	[tilespmem:$0x1D000] =	vst v63  }
0x1d5: {  	v56 =	vperm.xlane v17, v10;
	v55 =	vadd.s32 v3, v54  }
0x1d6: {  	[tilespmem:s13], [sflag:$0x1] =	stream.indirect_vreg.gather [hbm4b:s4+s2], $0x80, v18, vm0, $0xb8;
	[tilespmem:$0x1D000] =	vst v63  }
0x1d7: {  	v57 =	vperm.xlane v17, v11;
	v18 =	vadd.s32 v3, v56  }
0x1d8: {  	[tilespmem:s14], [sflag:$0x1] =	stream.indirect_vreg.gather [hbm4b:s4+s2], $0x80, v19, vm0, $0xb8;
	[tilespmem:$0x1D000] =	vst v63  }
0x1d9: {  	v58 =	vperm.xlane v17, v12;
	v19 =	vadd.s32 v3, v57  }
0x1da: {  	[tilespmem:s15], [sflag:$0x1] =	stream.indirect_vreg.gather [hbm4b:s4+s2], $0x80, v55, vm0, $0xb8;
	[tilespmem:$0x1D000] =	vst v63  }
0x1db: {  	v60 =	vperm.xlane v17, v13;
	v59 =	vadd.s32 v3, v58  }
0x1dc: {  	[tilespmem:s16], [sflag:$0x1] =	stream.indirect_vreg.gather [hbm4b:s4+s2], $0x80, v18, vm0, $0xb8;
	[tilespmem:$0x1D000] =	vst v63  }
0x1dd: {  	v61 =	vperm.xlane v17, v14;
	v18 =	vadd.s32 v3, v60  }
0x1de: {  	[tilespmem:s17], [sflag:$0x1] =	stream.indirect_vreg.gather [hbm4b:s4+s2], $0x80, v19, vm0, $0xb8;
	[tilespmem:$0x1D000] =	vst v63  }
0x1df: {  	v62 =	vperm.xlane v17, v15;
	v19 =	vadd.s32 v3, v61  }
0x1e0: {  	[tilespmem:s18], [sflag:$0x1] =	stream.indirect_vreg.gather [hbm4b:s4+s2], $0x80, v59, vm0, $0xb8;
	[tilespmem:$0x1D000] =	vst v63  }
0x1e1: {  	v17 =	vperm.xlane v17, v16;
	v63 =	vadd.s32 v3, v62  }
0x1e2: {  	[tilespmem:s19], [sflag:$0x1] =	stream.indirect_vreg.gather [hbm4b:s4+s2], $0x80, v18, vm0, $0xb8;
	[tilespmem:$0x1D000] =	vst v63  }
0x1e3: {  	v17 =	vadd.s32 v3, v17  }
0x1e4: {  	[tilespmem:s20], [sflag:$0x1] =	stream.indirect_vreg.gather [hbm4b:s4+s2], $0x80, v19, vm0, $0xb8;
	[tilespmem:$0x1D000] =	vst v63  }
0x1e5: {  	_ = 	snop  }
0x1e6: {  	[tilespmem:s21], [sflag:$0x1] =	stream.indirect_vreg.gather [hbm4b:s4+s2], $0x80, v63, vm0, $0xb8;
	[tilespmem:$0x1D000] =	vst v63  }
0x1e7: {  	_ = 	snop  }
0x1e8: {  	[tilespmem:s22], [sflag:$0x1] =	stream.indirect_vreg.gather [hbm4b:s4+s2], $0x80, v17, vm0, $0xb8;
	[tilespmem:$0x1D000] =	vst v63  }
0x1e9: {  	_ =	swait.ge [sflag:s28], $0x4000  }
0x1ea: {  	p0 =	sne.s32 s24, $0x9C00;
	[sflag:s28] =	ssyncset.done $0x0  }
.Ltmp0:
0x1eb: {  	s26 =	sadd.s32 $0x2800, s26;
	[sflag:s28] =	ssyncadd.s32 $0xFFFFC000;
	(pc) =	sbr.rel @p0 .LBB2_2-.Ltmp0, $4  }
0x1ec: {  	[spmem:s1] =	stream.indirect.scatter.add.f32 [tilespmem:s30], [sflag:$0x1], $0x80, s26, s25, $0xb8;
	[tilespmem:$0x1D000] =	vst v63  }
0x1ed: {  	_ =	swait.ge [sflag:s28], $0x4000  }
0x1ee: {  	[sflag:s28] =	ssyncset.done $0x0  }
0x1ef: {  	s24 =	sadd.s32 $0x200, s24;
	[sflag:s28] =	ssyncadd.s32 $0xFFFFC000  }
0x1f0: {  	[bflag:$0x0] =	sbarrier.arrive $0xFFFF  }
0x1f1: {  	s11 =	sld [smem:$0x7D0]  }
0x1f2: {  	s23 =	sld [smem:$0x7FD]  }
0x1f3: {  	s31 =	sld [smem:$0x797];
	_ =	sdelay $0x1  }
0x1f4: {  	s24 =	simm.s32 $0x8;
	s26 =	simm.s32 $0x100  }
0x1f5: {  	[hbm:s11@s26], [sflag:s23] =	dma.strided [spmem:s31@s25], $0x800, s24, $0x10   }
0x1f6: {  	_ =	swait.ge [sflag:s28], $0x800  }
0x1f7: {  	s5 =	sld [smem:$0x7F4]  }
0x1f8: {  	s0 =	sld [smem:$0x798]  }
0x1f9: {  	[sflag:s28] =	ssyncset.done $0x0  }
0x1fa: {  	[sflag:s28] =	ssyncadd.s32 $0xFFFFF800  }
0x1fb: {  	[hbm:s5@s26], [sflag:s23] =	dma.strided [spmem:s0@s25], $0x800, s24, $0x10   }
0x1fc: {  	_ =	swait.ge [sflag:s28], $0x800  }
0x1fd: {  	s6 =	sld [smem:$0x7F6]  }
0x1fe: {  	s29 =	sld [smem:$0x799]  }
0x1ff: {  	[sflag:s28] =	ssyncset.done $0x0  }
0x200: {  	[sflag:s28] =	ssyncadd.s32 $0xFFFFF800  }
0x201: {  	[hbm:s6@s26], [sflag:s23] =	dma.strided [spmem:s29@s25], $0x800, s24, $0x10   }
0x202: {  	_ =	swait.ge [sflag:s28], $0x800  }
0x203: {  	s0 =	sld [smem:$0x7F8]  }
0x204: {  	s3 =	sld [smem:$0x79A]  }
0x205: {  	[sflag:s28] =	ssyncset.done $0x0  }
0x206: {  	[sflag:s28] =	ssyncadd.s32 $0xFFFFF800  }
0x207: {  	[hbm:s0@s26], [sflag:s23] =	dma.strided [spmem:s3@s25], $0x800, s24, $0x10   }
0x208: {  	_ =	swait.ge [sflag:s28], $0x800  }
0x209: {  	s5 =	sld [smem:$0x7FA]  }
0x20a: {  	s6 =	sld [smem:$0x79B]  }
0x20b: {  	[sflag:s28] =	ssyncset.done $0x0  }
0x20c: {  	[sflag:s28] =	ssyncadd.s32 $0xFFFFF800  }
0x20d: {  	[hbm:s5@s26], [sflag:s23] =	dma.strided [spmem:s6@s25], $0x800, s24, $0x10   }
0x20e: {  	_ =	swait.ge [sflag:s28], $0x800  }
0x20f: {  	s11 =	sld [smem:$0x7FC]  }
0x210: {  	s29 =	sld [smem:$0x7D2];
	_ =	sdelay $0x1  }
0x211: {  	s31 =	smov.u32 s1;
	s1 =	sadd.s32 $0x1, s11  }
0x212: {  	p0 =	sne.s32 s1, s29  }
.Ltmp1:
0x213: {  	_ = 	snop;
	(pc) =	sbr.rel @p0 .LBB2_1-.Ltmp1, $4  }
0x214: {  	_ = 	snop  }
0x215: {  	[sflag:s28] =	ssyncset.done $0x0  }
0x216: {  	[sflag:s28] =	ssyncadd.s32 $0xFFFFF800  }
0x217: {  	[smem:$0x7FC] =	sst s1;
	s1 =	smov.u32 s31;
	s31 =	simm.s32 $0x8580  }
0x218: {  	_ =	sfence.sel $0x180000  }
0x219: {  	[bflag:$0x0] =	sbarrier.arrive $0xFFFF  }
0x21a: {  	_ =	strace $0x9000004A  }
0x21b: {  	s0 =	stileid.u32;
	[bflag:$0x2] =	sbarrier.arrive $0xFFFF  }
0x21c: {  	p0 =	sne.s32 s0, $0x0;
	s0 =	rddreg [dreg:$0x3]  }
0x21d: {  	s0 =	sadd.s32 @!p0 $0x100000, s0  }
0x21e: {  	[sflag:s0] =	ssyncadd.tile.s32 @!p0 $0x1;
	_ =	shalt  }
.Lfunc_end2:
_tile_overlayer_lowered:
.L_overlay_start_2:
0x21f: {  	(tag) =	ssettag $0x2  }
0x220: {  	s0 =	rddreg [dreg:$0x0];
	s2 =	stileid.u32  }
0x221: {  	s1 =	rddreg [dreg:$0x1];
	p0 =	sne.s32 s2, $0x0  }
0x222: {  	s3 =	rddreg [dreg:$0x2];
	[bflag:$0x3] =	sbarrier.arrive $0xFFFF;
	s2 =	simm.s32 @!p0 $0x1C01  }
0x223: {  	[timem:s3], [sflag:s2] =	dma.local @!p0 [hbm:s0], s1  }
0x224: {  	s0 =	simm.s32 @!p0 $0x1  }
0x225: {  	_ =	swait.ge @!p0 [sflag:s0], s1  }
0x226: {  	s1 =	ssub.s32 @!p0 $0x0, s1;
	[sflag:s0] =	ssyncset.done @!p0 $0x0  }
0x227: {  	[sflag:s0] =	ssyncadd.s32 @!p0 s1  }
0x228: {  	[bflag:$0x3] =	sbarrier.arrive $0xFFFF  }
0x229: {  	_ =	shalt  }

// kernel: sc_edge_aggregate.7.cloned.1.call-start
scs
__scs_entry_jumppad:
0x0: {  	(pc) =	sbr.rel $0x88, $3  }
0x1: {  	(tag) =	ssettag $0x0;
	lr =	simm.s32 $0x1  }
0x2: {  	[smem:$0x3F9B] =	sst lr;
	_ =	strace $0xD0000000  }
0x3: {  	_ = 	snop  }
0x4: {  	_ = 	snop  }
0x5: {  	_ = 	snop  }
0x6: {  	_ = 	snop  }
0x7: {  	_ = 	snop  }
__scs_overlays_trampoline_lowered:
0x8: {  	[smem:$0x3FAA] =	sst s0  }
0x9: {  	[smem:$0x3FAB] =	sst s1  }
0xa: {  	[smem:$0x3FAC] =	sst s2  }
0xb: {  	[smem:$0x3FAD] =	sst s3  }
0xc: {  	[smem:$0x3FAE] =	sst s4  }
0xd: {  	[smem:$0x3FAF] =	sst s5  }
0xe: {  	[smem:$0x3FB0] =	sst s6  }
0xf: {  	[smem:$0x3FB1] =	sst s7  }
0x10: {  	[smem:$0x3FB2] =	sst s8  }
0x11: {  	[smem:$0x3FB3] =	sst s9;
	s0 =	simm.s32 @!p0 $0x0  }
0x12: {  	s1 =	sld [smem:$0x3F99];
	s0 =	simm.s32 @p0 $0x1  }
0x13: {  	[smem:$0x3FB4] =	sst s0;
	s0 =	simm.s32 @!p1 $0x0  }
0x14: {  	s2 =	sld [smem:$0x3F98];
	s0 =	simm.s32 @p1 $0x1  }
0x15: {  	[smem:$0x3FB5] =	sst s0;
	s0 =	simm.s32 @!p2 $0x0  }
0x16: {  	s3 =	sld [smem:$0x3FDB];
	s0 =	simm.s32 @p2 $0x1  }
0x17: {  	s4 =	simm.s32 $0x1BF5;
	[smem:$0x3FB7] =	sst s0  }
0x18: {  	s0 =	sld [smem:$0x3F9A];
	_ =	swait.ge [sflag:s4], $0x0  }
0x19: {  	s7 =	sld [smem:$0x3F9B]  }
0x1a: {  	s8 =	sadd.s32 $0xFFFFE003, lr  }
0x1b: {  	s9 =	sadd.s32 $0xFFFFFEF7, lr;
	s5 =	simm.s32 $0xFFFFFFFF;
	p2 =	slt.u32 s8, $0xFFFFF086  }
0x1c: {  	p1 =	slt.u32 s9, $0xF7A;
	s5 =	simm.s32 @!p2 $0x0  }
0x1d: {  	s5 =	simm.s32 @p1 $0x1;
	p0 =	seq.s32 s7, s2  }
0x1e: {  	s7 =	smul.u32 @!p0 $0xF7A, s2;
	p2 =	seq.s32 @!p0 s5, $0x0  }
0x1f: {  	s9 =	smul.u32 $0xF7A, s1;
	s8 =	simm.s32 @!p0 $0x1BF5;
	p2 =	por !p2, p0  }
0x20: {  	[sflag:s8] =	ssyncset.s32 @!p0 $0xFFFFF086;
	s6 =	sadd.s32 @!p0 s3, s7;
	s7 =	simm.s32 @!p0 $0x108  }
0x21: {  	s3 =	sadd.s32 s3, s9;
	s6 =	sadd.s32 @!p0 $0x88, s6;
	s7 =	simm.s32 @p2 $0x1082  }
0x22: {  	[simem:s7], [sflag:s8] =	dma.local @!p0 [hbm:s6], $0xF7A  }
0x23: {  	s9 =	sor.u32 $0xD0000000, s2;
	s6 =	simm.s32 $0x108;
	_ =	swait.ge @!p0 [sflag:s8], $0x0  }
0x24: {  	s3 =	sadd.s32 $0x88, s3;
	s6 =	simm.s32 @!p1 $0x1082;
	[sflag:s4] =	ssyncset.s32 $0xFFFFF086  }
0x25: {  	[simem:s6], [sflag:s4] =	dma.local [hbm:s3], $0xF7A  }
0x26: {  	[smem:$0x3F9B] =	sst s1;
	(tag) =	ssettag s2;
	_ =	strace s9  }
0x27: {  	s1 =	sld [smem:$0x3FAB]  }
0x28: {  	s2 =	sld [smem:$0x3FAC]  }
0x29: {  	s4 =	sld [smem:$0x3FAE]  }
0x2a: {  	p0 =	seq.s32 s5, $0x0;
	s5 =	sld [smem:$0x3FAF]  }
0x2b: {  	s6 =	sld [smem:$0x3FB0]  }
0x2c: {  	s7 =	sld [smem:$0x3FB1]  }
0x2d: {  	s3 =	simm.s32 $0x108;
	s8 =	sld [smem:$0x3FB2]  }
0x2e: {  	s3 =	simm.s32 @!p0 $0x1082;
	s9 =	sld [smem:$0x3FB3]  }
0x2f: {  	lr =	sadd.s32 s0, s3;
	s0 =	sld [smem:$0x3FAA]  }
0x30: {  	s3 =	sld [smem:$0x3FAD]  }
0x31: {  	[smem:$0x3FB6] =	sst s10  }
0x32: {  	s10 =	sld [smem:$0x3FB4];
	_ =	sdelay $0x3  }
0x33: {  	p0 =	seq.s32 s10, $0x1;
	s10 =	sld [smem:$0x3FB6];
	_ =	sdelay $0x3  }
0x34: {  	[smem:$0x3FB6] =	sst s10  }
0x35: {  	s10 =	sld [smem:$0x3FB5];
	_ =	sdelay $0x3  }
0x36: {  	p1 =	seq.s32 s10, $0x1;
	s10 =	sld [smem:$0x3FB6];
	_ =	sdelay $0x3  }
0x37: {  	[smem:$0x3FB6] =	sst s10  }
0x38: {  	s10 =	sld [smem:$0x3FB7]  }
0x39: {  	_ = 	snop;
	(pc) =	sbr.ind lr, $3  }
0x3a: {  	_ = 	snop  }
0x3b: {  	_ = 	snop  }
0x3c: {  	p2 =	seq.s32 s10, $0x1;
	s10 =	sld [smem:$0x3FB6]  }
0x3d: {  	_ =	shalt  }
0x3e: {  	_ =	shalt  }
0x3f: {  	_ =	shalt  }
0x40: {  	_ =	shalt  }
0x41: {  	_ =	shalt  }
0x42: {  	_ =	shalt  }
0x43: {  	_ =	shalt  }
0x44: {  	_ =	shalt  }
0x45: {  	_ =	shalt  }
0x46: {  	_ =	shalt  }
0x47: {  	_ =	shalt  }
0x48: {  	_ =	shalt  }
0x49: {  	_ =	shalt  }
0x4a: {  	_ =	shalt  }
0x4b: {  	_ =	shalt  }
0x4c: {  	_ =	shalt  }
0x4d: {  	_ =	shalt  }
0x4e: {  	_ =	shalt  }
0x4f: {  	_ =	shalt  }
0x50: {  	_ =	shalt  }
0x51: {  	_ =	shalt  }
0x52: {  	_ =	shalt  }
0x53: {  	_ =	shalt  }
0x54: {  	_ =	shalt  }
0x55: {  	_ =	shalt  }
0x56: {  	_ =	shalt  }
0x57: {  	_ =	shalt  }
0x58: {  	_ =	shalt  }
0x59: {  	_ =	shalt  }
0x5a: {  	_ =	shalt  }
0x5b: {  	_ =	shalt  }
0x5c: {  	_ =	shalt  }
0x5d: {  	_ =	shalt  }
0x5e: {  	_ =	shalt  }
0x5f: {  	_ =	shalt  }
0x60: {  	_ =	shalt  }
0x61: {  	_ =	shalt  }
0x62: {  	_ =	shalt  }
0x63: {  	_ =	shalt  }
0x64: {  	_ =	shalt  }
0x65: {  	_ =	shalt  }
0x66: {  	_ =	shalt  }
0x67: {  	_ =	shalt  }
0x68: {  	_ =	shalt  }
0x69: {  	_ =	shalt  }
0x6a: {  	_ =	shalt  }
0x6b: {  	_ =	shalt  }
0x6c: {  	_ =	shalt  }
0x6d: {  	_ =	shalt  }
0x6e: {  	_ =	shalt  }
0x6f: {  	_ =	shalt  }
0x70: {  	_ =	shalt  }
0x71: {  	_ =	shalt  }
0x72: {  	_ =	shalt  }
0x73: {  	_ =	shalt  }
0x74: {  	_ =	shalt  }
0x75: {  	_ =	shalt  }
0x76: {  	_ =	shalt  }
0x77: {  	_ =	shalt  }
0x78: {  	_ =	shalt  }
0x79: {  	_ =	shalt  }
0x7a: {  	_ =	shalt  }
0x7b: {  	_ =	shalt  }
0x7c: {  	_ =	shalt  }
0x7d: {  	_ =	shalt  }
0x7e: {  	_ =	shalt  }
0x7f: {  	_ =	shalt  }
0x80: {  	_ =	shalt  }
0x81: {  	_ =	shalt  }
0x82: {  	_ =	shalt  }
0x83: {  	_ =	shalt  }
0x84: {  	_ =	shalt  }
0x85: {  	_ =	shalt  }
0x86: {  	_ =	shalt  }
0x87: {  	_ =	shalt  }
.Lfunc_end0:
.L_simem_size_0:
called_computation.2_lowered:
.L_overlay_start_0:
0x88: {  	s2 =	sld [smem:$0x3FD9]  }
0x89: {  	s3 =	sld [smem:$0x3FFE];
	_ =	sdelay $0x1  }
0x8a: {  	s1 =	srdreg.scid  }
0x8b: {  	s0 =	sand.u32 $0x1, s1  }
0x8c: {  	s17 =	sshll.u32 s0, $0xA;
	s2 =	sadd.s32 s3, s2  }
0x8d: {  	s2 =	sadd.s32 s2, s17  }
0x8e: {  	[smem:$0x3FC2] =	sst s2  }
0x8f: {  	_ = 	snop  }
0x90: {  	s2 =	sld [smem:$0x3FD0];
	(tm) =	ssettm $0x1  }
0x91: {  	s18 =	sld [smem:$0x3FFB];
	_ =	sdelay $0x3  }
0x92: {  	_ =	strace s18  }
0x93: {  	s3 =	sld [smem:$0x3FFC];
	_ =	sdelay $0x3  }
0x94: {  	_ =	strace s3  }
0x95: {  	s3 =	sld [smem:$0x3FFD];
	_ =	sdelay $0x3  }
0x96: {  	_ =	strace s3  }
0x97: {  	_ =	strace $0x8FFFFFFF  }
0x98: {  	s19 =	sld [smem:$0x3FDB];
	_ =	sdelay $0x1  }
0x99: {  	s4 =	simm.s32 $_scs_section_size  }
0x9a: {  	s5 =	simm.s32 $_size__tile_overlayer_lowered;
	s6 =	simm.s32 $_tile_overlayer_lowered  }
0x9b: {  	s22 =	simm.s32 $0x1BFF;
	s21 =	sshll.u32 s6, $0x1;
	s3 =	sadd.s32 s4, s19  }
0x9c: {  	s7 =	simm.s32 $0x0;
	s20 =	sshll.u32 s5, $0x1;
	s5 =	sadd.s32 s21, s3  }
0x9d: {  	[timem:s7], [sflag:s22] =	dma.local [hbm:s5], s20  }
0x9e: {  	_ =	swait.ge [sflag:s22], s20  }
0x9f: {  	s4 =	ssub.s32 $0x0, s20;
	[sflag:s22] =	ssyncset.done $0x0  }
0xa0: {  	[sflag:s22] =	ssyncadd.s32 s4;
	_ =	sdelay $0x1  }
0xa1: {  	s23 =	simm.s32 $0x1B8B  }
0xa2: {  	_ =	swait.ge [sflag:s23], $0x1  }
0xa3: {  	[sflag:s23] =	ssyncset.done $0x0  }
0xa4: {  	s25 =	simm.s32 $0x1B8E;
	s24 =	sld [smem:$0x3FFE];
	[sflag:s23] =	ssyncadd.s32 $0xFFFFFFFF  }
0xa5: {  	s26 =	simm.s32 $execute0_lowered;
	[smem:$0x3FD2] =	sst s25  }
0xa6: {  	s5 =	sshll.u32 s26, $0x1;
	_ =	strace $0x8000004C;
	[dreg:$0x1] =	wrdreg $0xFFFFFFFF  }
0xa7: {  	s28 =	simm.s32 $_size_execute0_lowered;
	s3 =	sadd.s32 s3, s5;
	[dreg:$0x0] =	wrdreg $0x0  }
0xa8: {  	s5 =	sshll.u32 s28, $0x1;
	[dreg:$0x2] =	wrdreg s3  }
0xa9: {  	[dreg:$0x3] =	wrdreg s5  }
0xaa: {  	[dreg:$0x4] =	wrdreg $0xC0  }
0xab: {  	_ =	task [dreg:s7], $0x5FFFF  }
0xac: {  	[dreg:$0x1] =	wrdreg $0xFFFFFFFF  }
0xad: {  	[dreg:$0x0] =	wrdreg $0x60  }
0xae: {  	[dreg:$0x2] =	wrdreg s24  }
0xaf: {  	[dreg:$0x3] =	wrdreg s2  }
0xb0: {  	[dreg:$0x4] =	wrdreg $0x90000  }
0xb1: {  	[dreg:$0x5] =	wrdreg $0x9  }
0xb2: {  	_ =	task.clear_ibuf [dreg:s7], $0x6FFFF;
	_ =	strace $0x9000004C  }
0xb3: {  	s29 =	simm.s32 $0x9;
	_ =	strace $0x8000004E  }
0xb4: {  	_ =	swait.ge [sflag:s29], $0x1  }
0xb5: {  	[sflag:s29] =	ssyncadd.s32 $0xFFFFFFFF  }
0xb6: {  	_ =	strace $0x9000004E  }
0xb7: {  	_ =	sfence  }
0xb8: {  	s30 =	sld [smem:$0x0];
	_ =	sdelay $0x2  }
0xb9: {  	s31 =	sshll.u32 s1, $0xD;
	s1 =	sshrl.u32 s1, $0x2  }
0xba: {  	s3 =	sand.u32 $0x4000, s31;
	s1 =	sadd.s32 s1, s30  }
0xbb: {  	s0 =	sor.u32 s3, s0;
	s1 =	sshll.u32 s1, $0x11  }
0xbc: {  	s0 =	sor.u32 s1, s0  }
0xbd: {  	s0 =	sadd.s32 $0x8F2B, s0  }
0xbe: {  	[sflag:s0] =	ssyncadd.remote.s32 $0x1  }
0xbf: {  	_ =	sfence.sel $0xFFFF  }
0xc0: {  	[dreg:$0x0] =	wrdreg $0xFFFFFFFF;
	(pc) =	sbr.abs _section_cstart, $3  }
0xc1: {  	[dreg:$0x1] =	wrdreg $0xFFFFFFFF  }
0xc2: {  	_ =	task.clear_ibuf [dreg:s7], $0x2FFFF;
	_ =	strace $0x9FFFFFFF  }
0xc3: {  	(tm) =	ssettm $0x7FFFFFFF  }
tec
execute0_lowered:
.L_overlay_start_1:
0x0: {  	(tag) =	ssettag $0x1  }
0x1: {  	s3 =	rddreg [dreg:$0x0]  }
0x2: {  	s0 =	rddreg [dreg:$0x1]  }
0x3: {  	s1 =	rddreg [dreg:$0x2];
	s2 =	simm.s32 $0x0  }
0x4: {  	s4 =	simm.s32 $0x5080;
	[smem:$0x7FF] =	sst s2  }
0x5: {  	s16 =	simm.s32 $0x5100;
	_ =	strace $0x8000004D;
	[dreg:$0x4] =	wrdreg s4  }
0x6: {  	s17 =	simm.s32 $0x5180;
	[dreg:$0x5] =	wrdreg s16  }
0x7: {  	s18 =	simm.s32 $0x5200;
	[dreg:$0x6] =	wrdreg s17  }
0x8: {  	s19 =	simm.s32 $0x5280;
	[dreg:$0x7] =	wrdreg s18  }
0x9: {  	s20 =	simm.s32 $0x5300;
	[dreg:$0x8] =	wrdreg s19  }
0xa: {  	s21 =	simm.s32 $0x5380;
	[dreg:$0x9] =	wrdreg s20  }
0xb: {  	s22 =	simm.s32 $0x5400;
	[dreg:$0xa] =	wrdreg s21  }
0xc: {  	s23 =	simm.s32 $0x5480;
	[dreg:$0xb] =	wrdreg s22  }
0xd: {  	s24 =	simm.s32 $0x5500;
	[dreg:$0xc] =	wrdreg s23  }
0xe: {  	s25 =	simm.s32 $0x5580;
	[dreg:$0xd] =	wrdreg s24  }
0xf: {  	s26 =	simm.s32 $0x5600;
	[dreg:$0xe] =	wrdreg s25  }
0x10: {  	s29 =	simm.s32 $0x5680;
	[dreg:$0xf] =	wrdreg s26  }
0x11: {  	s5 =	simm.s32 $0x5700;
	[dreg:$0x10] =	wrdreg s29  }
0x12: {  	s6 =	simm.s32 $0x5780;
	[dreg:$0x11] =	wrdreg s5  }
0x13: {  	s7 =	simm.s32 $0x5800;
	[dreg:$0x12] =	wrdreg s6  }
0x14: {  	s8 =	simm.s32 $0x5880;
	[dreg:$0x13] =	wrdreg s7  }
0x15: {  	s9 =	simm.s32 $0x5900;
	[dreg:$0x14] =	wrdreg s8  }
0x16: {  	s10 =	simm.s32 $0x5980;
	[dreg:$0x15] =	wrdreg s9  }
0x17: {  	s11 =	simm.s32 $0x5A00;
	[dreg:$0x16] =	wrdreg s10  }
0x18: {  	s12 =	simm.s32 $0x5A80;
	[dreg:$0x17] =	wrdreg s11  }
0x19: {  	s13 =	simm.s32 $0x5B00;
	[dreg:$0x18] =	wrdreg s12  }
0x1a: {  	s14 =	simm.s32 $0x5B80;
	[dreg:$0x19] =	wrdreg s13  }
0x1b: {  	s15 =	simm.s32 $0x5C00;
	[dreg:$0x1a] =	wrdreg s14  }
0x1c: {  	[dreg:$0x1b] =	wrdreg s15;
	s16 =	simm.s32 $0x5C80  }
0x1d: {  	s17 =	simm.s32 $0x5D00;
	[dreg:$0x1c] =	wrdreg s16  }
0x1e: {  	s18 =	simm.s32 $0x5D80;
	[dreg:$0x1d] =	wrdreg s17  }
0x1f: {  	s19 =	simm.s32 $0x5E00;
	[dreg:$0x1e] =	wrdreg s18  }
0x20: {  	s20 =	simm.s32 $0x5E80;
	[dreg:$0x1f] =	wrdreg s19  }
0x21: {  	s21 =	simm.s32 $0x5F00;
	[smem:$0x79C] =	sst s20  }
0x22: {  	s22 =	simm.s32 $0x5F80;
	[smem:$0x79D] =	sst s21  }
0x23: {  	s23 =	simm.s32 $0x6000;
	[smem:$0x79E] =	sst s22  }
0x24: {  	s24 =	simm.s32 $0x6080;
	[smem:$0x79F] =	sst s23  }
0x25: {  	s25 =	simm.s32 $0x6100;
	[smem:$0x7A0] =	sst s24  }
0x26: {  	s26 =	simm.s32 $0x6180;
	[smem:$0x7A1] =	sst s25  }
0x27: {  	s29 =	simm.s32 $0x6200;
	[smem:$0x7A2] =	sst s26  }
0x28: {  	s5 =	simm.s32 $0x6280;
	[smem:$0x7A3] =	sst s29  }
0x29: {  	s6 =	simm.s32 $0x6300;
	[smem:$0x7A4] =	sst s5  }
0x2a: {  	s7 =	simm.s32 $0x6380;
	[smem:$0x7A5] =	sst s6  }
0x2b: {  	s8 =	simm.s32 $0x6400;
	[smem:$0x7A6] =	sst s7  }
0x2c: {  	s9 =	simm.s32 $0x6480;
	[smem:$0x7A7] =	sst s8  }
0x2d: {  	s10 =	simm.s32 $0x6500;
	[smem:$0x7A8] =	sst s9  }
0x2e: {  	s11 =	simm.s32 $0x6580;
	[smem:$0x7A9] =	sst s10  }
0x2f: {  	s12 =	simm.s32 $0x6600;
	[smem:$0x7AA] =	sst s11  }
0x30: {  	s13 =	simm.s32 $0x6680;
	[smem:$0x7AB] =	sst s12  }
0x31: {  	s14 =	simm.s32 $0x6700;
	[smem:$0x7AC] =	sst s13  }
0x32: {  	s15 =	simm.s32 $0x6780;
	[smem:$0x7AD] =	sst s14  }
0x33: {  	[smem:$0x7AE] =	sst s15;
	s16 =	simm.s32 $0x6800  }
0x34: {  	s17 =	simm.s32 $0x6880;
	[smem:$0x7AF] =	sst s16  }
0x35: {  	s18 =	simm.s32 $0x6900;
	[smem:$0x7B0] =	sst s17  }
0x36: {  	s19 =	simm.s32 $0x6980;
	[smem:$0x7B1] =	sst s18  }
0x37: {  	s20 =	simm.s32 $0x6A00;
	[smem:$0x7B2] =	sst s19  }
0x38: {  	s21 =	simm.s32 $0x6A80;
	[smem:$0x7B3] =	sst s20  }
0x39: {  	s22 =	simm.s32 $0x6B00;
	[smem:$0x7B4] =	sst s21  }
0x3a: {  	s23 =	simm.s32 $0x6B80;
	[smem:$0x7B5] =	sst s22  }
0x3b: {  	s24 =	simm.s32 $0x6C00;
	[smem:$0x7B6] =	sst s23  }
0x3c: {  	s25 =	simm.s32 $0x6C80;
	[smem:$0x7B7] =	sst s24  }
0x3d: {  	s26 =	simm.s32 $0x6D00;
	[smem:$0x7B8] =	sst s25  }
0x3e: {  	s29 =	simm.s32 $0x6D80;
	[smem:$0x7B9] =	sst s26  }
0x3f: {  	s6 =	simm.s32 $0x6E00;
	[smem:$0x7BA] =	sst s29  }
0x40: {  	s7 =	simm.s32 $0x6E80;
	[smem:$0x7BB] =	sst s6  }
0x41: {  	s8 =	simm.s32 $0x6F00;
	[smem:$0x7BC] =	sst s7  }
0x42: {  	s9 =	simm.s32 $0x6F80;
	[smem:$0x7BD] =	sst s8  }
0x43: {  	s11 =	simm.s32 $0x7000;
	[smem:$0x7BE] =	sst s9  }
0x44: {  	s12 =	simm.s32 $0x7080;
	[smem:$0x7BF] =	sst s11  }
0x45: {  	s13 =	simm.s32 $0x7100;
	[smem:$0x7C0] =	sst s12  }
0x46: {  	s15 =	simm.s32 $0x7180;
	[smem:$0x7C1] =	sst s13  }
0x47: {  	[smem:$0x7C2] =	sst s15;
	s16 =	simm.s32 $0x7200  }
0x48: {  	s17 =	simm.s32 $0x7280;
	[smem:$0x7C3] =	sst s16  }
0x49: {  	s9 =	simm.s32 $0x7300;
	[smem:$0x7C4] =	sst s17  }
0x4a: {  	s18 =	simm.s32 $0x7380;
	[smem:$0x7C5] =	sst s9  }
0x4b: {  	s19 =	simm.s32 $0x7400;
	[smem:$0x7C7] =	sst s18  }
0x4c: {  	s20 =	simm.s32 $0x7480;
	[smem:$0x7C9] =	sst s19  }
0x4d: {  	s22 =	simm.s32 $0x7500;
	[smem:$0x7CA] =	sst s20  }
0x4e: {  	s23 =	simm.s32 $0x7580;
	[smem:$0x7CB] =	sst s22  }
0x4f: {  	s24 =	simm.s32 $0x7600;
	[smem:$0x7CC] =	sst s23  }
0x50: {  	s26 =	simm.s32 $0x7680;
	[smem:$0x7CD] =	sst s24  }
0x51: {  	s29 =	simm.s32 $0x7700;
	[smem:$0x7CF] =	sst s26  }
0x52: {  	s11 =	simm.s32 $0x7780;
	[smem:$0x7D1] =	sst s29  }
0x53: {  	s13 =	simm.s32 $0x7800;
	[smem:$0x7D3] =	sst s11  }
0x54: {  	s15 =	simm.s32 $0x7880;
	[smem:$0x7D5] =	sst s13  }
0x55: {  	s28 =	simm.s32 $0x1;
	[smem:$0x7D6] =	sst s15;
	s17 =	simm.s32 $0x7900  }
0x56: {  	s30 =	simm.s32 $0x5000;
	s18 =	simm.s32 $0x7980;
	[smem:$0x7D7] =	sst s17  }
0x57: {  	s31 =	simm.s32 $0x8580;
	s20 =	simm.s32 $0x7A00;
	[smem:$0x7D8] =	sst s18  }
0x58: {  	s10 =	stileid.u32;
	s22 =	simm.s32 $0x7B00;
	[smem:$0x7D9] =	sst s20  }
0x59: {  	s5 =	smul.u32 $0x500, s10;
	s24 =	simm.s32 $0x7B80;
	[smem:$0x7DC] =	sst s22  }
0x5a: {  	s7 =	srdreg.scid;
	s26 =	simm.s32 $0x7C00;
	[smem:$0x7DE] =	sst s24  }
0x5b: {  	s21 =	smul.u32 $0x50000, s10;
	s11 =	simm.s32 $0x8080;
	[smem:$0x7DF] =	sst s26  }
0x5c: {  	s25 =	smul.u32 $0x5000, s10;
	s13 =	simm.s32 $0x8100;
	[smem:$0x7EC] =	sst s11  }
0x5d: {  	s6 =	sadd.s32 s5, s3;
	s0 =	sadd.s32 s0, s5;
	[smem:$0x7ED] =	sst s13  }
0x5e: {  	s5 =	sshrl.u32 s21, $0x2;
	s21 =	simm.s32 $0x7A80;
	[smem:$0x7C8] =	sst s0  }
0x5f: {  	s7 =	sand.u32 $0x1, s7;
	s18 =	simm.s32 $0x7D00;
	[smem:$0x7DA] =	sst s21  }
0x60: {  	s16 =	sshll.u32 s10, $0x6;
	s20 =	simm.s32 $0x7E00;
	[smem:$0x7E1] =	sst s18  }
0x61: {  	s8 =	sshll.u32 s7, $0x7;
	s22 =	simm.s32 $0x7E80;
	[smem:$0x7E5] =	sst s20  }
0x62: {  	s23 =	sor.u32 $0x1C01, s16;
	s16 =	simm.s32 $0x8200;
	[smem:$0x7E6] =	sst s22  }
0x63: {  	s14 =	ssub.s32 $0x2, s7;
	s17 =	simm.s32 $0x8280;
	[smem:$0x7EF] =	sst s16  }
0x64: {  	s13 =	simm.s32 $0x8B00;
	s11 =	simm.s32 $0x0;
	[smem:$0x7F1] =	sst s17  }
0x65: {  	s8 =	sadd.s32 s8, s3;
	s7 =	sshrl.u32 s14, $0x1;
	[smem:$0x7FC] =	sst s11  }
0x66: {  	s3 =	smul.u32 $0x280, s10;
	s6 =	sadd.s32 $0x1A00, s6;
	[smem:$0x7FD] =	sst s23  }
0x67: {  	s5 =	sadd.s32 s5, s1;
	s10 =	simm.s32 $0x8000;
	[smem:$0x7C6] =	sst s6  }
0x68: {  	s18 =	simm.s32 $0x8300;
	s20 =	simm.s32 $0x8380;
	[smem:$0x7CE] =	sst s5  }
0x69: {  	s22 =	simm.s32 $0x8400;
	s16 =	simm.s32 $0x8C80;
	[smem:$0x7EA] =	sst s10  }
0x6a: {  	s17 =	simm.s32 $0x8D00;
	s7 =	ssub.s32 s14, s7;
	[smem:$0x7F3] =	sst s18  }
0x6b: {  	s4 =	sadd.s32 $0x6A00, s8;
	s0 =	sadd.s32 $0x56A00, s8;
	[smem:$0x7F5] =	sst s20  }
0x6c: {  	s8 =	simm.s32 $0x7C80;
	[smem:$0x7F7] =	sst s22;
	s10 =	simm.s32 $0x8A00  }
0x6d: {  	s18 =	simm.s32 $0x8D80;
	s9 =	sadd.s32 s25, s0;
	[smem:$0x7E0] =	sst s8  }
0x6e: {  	s20 =	simm.s32 $0x8E80;
	s12 =	smax.u32 s7, $0x1;
	[smem:$0x7D0] =	sst s9  }
0x6f: {  	s14 =	sadd.s32 s25, s4;
	s19 =	sadd.s32 $0x80, s3;
	[smem:$0x7D2] =	sst s12  }
0x70: {  	s29 =	sadd.s32 $0x100, s3;
	s24 =	sadd.s32 $0x180, s3;
	[smem:$0x7D4] =	sst s14  }
0x71: {  	s7 =	sshll.u32 s19, $0x5;
	s6 =	sshll.u32 s19, $0x7;
	s19 =	simm.s32 $0x7D80  }
0x72: {  	s3 =	sadd.s32 $0x200, s3;
	s14 =	simm.s32 $0x8180;
	[smem:$0x7E3] =	sst s19  }
0x73: {  	s9 =	sshll.u32 s29, $0x5;
	s6 =	sadd.s32 s6, s1;
	[smem:$0x7EE] =	sst s14  }
0x74: {  	s26 =	sshll.u32 s24, $0x5;
	s25 =	sadd.s32 s7, s4;
	[smem:$0x7DB] =	sst s6  }
0x75: {  	s15 =	sshll.u32 s3, $0x5;
	s21 =	sadd.s32 s9, s4;
	[smem:$0x7DD] =	sst s25  }
0x76: {  	s3 =	sshll.u32 s3, $0x7;
	s12 =	sadd.s32 s26, s4;
	[smem:$0x7E4] =	sst s21  }
0x77: {  	s22 =	simm.s32 $0x8F80;
	s3 =	sadd.s32 s3, s1;
	[smem:$0x7EB] =	sst s12  }
0x78: {  	s8 =	simm.s32 $0x8900;
	s19 =	sadd.s32 s15, s4;
	[smem:$0x7F0] =	sst s3  }
0x79: {  	s26 =	sadd.s32 s26, s0;
	s14 =	simm.s32 $0x8B80;
	[smem:$0x7F2] =	sst s19  }
0x7a: {  	s6 =	sshll.u32 s29, $0x7;
	s25 =	simm.s32 $0x7F00;
	[smem:$0x7F8] =	sst s26  }
0x7b: {  	s29 =	simm.s32 $0x7F80;
	s21 =	sadd.s32 s7, s0;
	[smem:$0x7E7] =	sst s25  }
0x7c: {  	s26 =	simm.s32 $0x100;
	s7 =	simm.s32 $0x8880;
	[smem:$0x7E8] =	sst s29  }
0x7d: {  	v0 =	vimm.s32 $0x7;
	s12 =	simm.s32 $0x8A80;
	s6 =	sadd.s32 s6, s1;
	[smem:$0x7F4] =	sst s21  }
0x7e: {  	v1 =	vimm.s32 $0x1;
	v2 =	vimm.s32 $0x0;
	v3 =	vlaneseq.u32;
	s19 =	simm.s32 $0x8E00;
	s25 =	simm.s32 $0x8480;
	[smem:$0x7E2] =	sst s6  }
0x7f: {  	vm0 =	vmmov $0x1;
	v4 =	vimm.s32 $0x2;
	v5 =	vimm.s32 $0x3;
	s29 =	simm.s32 $0x8500;
	s21 =	simm.s32 $0x8F00;
	[smem:$0x7F9] =	sst s25  }
0x80: {  	v6 =	vimm.s32 $0x4;
	v7 =	vimm.s32 $0x5;
	v8 =	vimm.s32 $0x6;
	s6 =	sshll.u32 s24, $0x7;
	s24 =	sadd.s32 s9, s0;
	[smem:$0x7FB] =	sst s29  }
0x81: {  	v9 =	vimm.s32 $0x8;
	v10 =	vimm.s32 $0x9;
	v11 =	vimm.s32 $0xA;
	s0 =	sadd.s32 s15, s0;
	s25 =	simm.s32 $0x80;
	[smem:$0x7F6] =	sst s24  }
0x82: {  	v12 =	vimm.s32 $0xB;
	v13 =	vimm.s32 $0xC;
	v14 =	vimm.s32 $0xD;
	s9 =	simm.s32 $0x8980;
	s6 =	sadd.s32 s6, s1;
	[smem:$0x7FA] =	sst s0  }
0x83: {  	v15 =	vimm.s32 $0xE;
	v16 =	vimm.s32 $0xF;
	v3 =	vmul.u32 $0x8, v3;
	s15 =	simm.s32 $0x8C00;
	s24 =	simm.s32 $0x8;
	[smem:$0x7E9] =	sst s6  }
.LBB2_1:
0x84: {  	s11 =	sld [smem:$0x7CE];
	_ =	sdelay $0x1  }
0x85: {  	s3 =	sld [smem:$0x7D4]  }
0x86: {  	s0 =	sshrl.u32 s11, $0x3  }
0x87: {  	[smem:$0x797] =	sst s0  }
0x88: {  	[spmem:s0@s25], [sflag:s23] =	dma.strided [hbm:s3@s26], $0x800, s24, $0x10   }
0x89: {  	_ =	swait.ge [sflag:s28], $0x800  }
0x8a: {  	s5 =	sld [smem:$0x7DB];
	_ =	sdelay $0x1  }
0x8b: {  	s6 =	sld [smem:$0x7DD]  }
0x8c: {  	[sflag:s28] =	ssyncset.done $0x0;
	s3 =	sshrl.u32 s5, $0x3  }
0x8d: {  	[sflag:s28] =	ssyncadd.s32 $0xFFFFF800;
	[smem:$0x798] =	sst s3  }
0x8e: {  	[spmem:s3@s25], [sflag:s23] =	dma.strided [hbm:s6@s26], $0x800, s24, $0x10   }
0x8f: {  	_ =	swait.ge [sflag:s28], $0x800  }
0x90: {  	s5 =	sld [smem:$0x7E2];
	_ =	sdelay $0x1  }
0x91: {  	s6 =	sld [smem:$0x7E4]  }
0x92: {  	[sflag:s28] =	ssyncset.done $0x0;
	s29 =	sshrl.u32 s5, $0x3  }
0x93: {  	[sflag:s28] =	ssyncadd.s32 $0xFFFFF800;
	[smem:$0x799] =	sst s29  }
0x94: {  	[spmem:s29@s25], [sflag:s23] =	dma.strided [hbm:s6@s26], $0x800, s24, $0x10   }
0x95: {  	_ =	swait.ge [sflag:s28], $0x800  }
0x96: {  	s5 =	sld [smem:$0x7E9];
	_ =	sdelay $0x1  }
0x97: {  	s6 =	sld [smem:$0x7EB]  }
0x98: {  	[sflag:s28] =	ssyncset.done $0x0;
	s5 =	sshrl.u32 s5, $0x3  }
0x99: {  	[sflag:s28] =	ssyncadd.s32 $0xFFFFF800;
	[smem:$0x79A] =	sst s5  }
0x9a: {  	[spmem:s5@s25], [sflag:s23] =	dma.strided [hbm:s6@s26], $0x800, s24, $0x10   }
0x9b: {  	_ =	swait.ge [sflag:s28], $0x800  }
0x9c: {  	s6 =	sld [smem:$0x7F0];
	_ =	sdelay $0x1  }
0x9d: {  	s11 =	sld [smem:$0x7F2]  }
0x9e: {  	[sflag:s28] =	ssyncset.done $0x0;
	s6 =	sshrl.u32 s6, $0x3  }
0x9f: {  	[sflag:s28] =	ssyncadd.s32 $0xFFFFF800;
	[smem:$0x79B] =	sst s6  }
0xa0: {  	[spmem:s6@s25], [sflag:s23] =	dma.strided [hbm:s11@s26], $0x800, s24, $0x10   }
0xa1: {  	_ =	swait.ge [sflag:s28], $0x800  }
0xa2: {  	s23 =	sld [smem:$0x7C6]  }
0xa3: {  	[sflag:s28] =	ssyncset.done $0x0  }
0xa4: {  	[sflag:s28] =	ssyncadd.s32 $0xFFFFF800  }
0xa5: {  	[tilespmem:s2], [sflag:$0x1] =	stream.linear.gather [hbm4b:s23+s2], $0x2780, $0x38;
	[tilespmem:$0x1D000] =	vst v63  }
0xa6: {  	_ =	swait.ge [sflag:s28], $0x2780  }
0xa7: {  	s24 =	sld [smem:$0x7C8]  }
0xa8: {  	[sflag:s28] =	ssyncset.done $0x0  }
0xa9: {  	s26 =	simm.s32 $0x2800;
	[sflag:s28] =	ssyncadd.s32 $0xFFFFD880  }
0xaa: {  	[tilespmem:s26], [sflag:$0x1] =	stream.linear.gather [hbm4b:s24+s2], $0x2780, $0x38;
	[tilespmem:$0x1D000] =	vst v63  }
0xab: {  	_ =	swait.ge [sflag:s28], $0x2780  }
0xac: {  	s0 =	simm.s32 $0x8600;
	s3 =	simm.s32 $0x8680;
	[sflag:s28] =	ssyncset.done $0x0  }
0xad: {  	s29 =	simm.s32 $0x8700;
	s5 =	simm.s32 $0x8780;
	[sflag:s28] =	ssyncadd.s32 $0xFFFFD880  }
0xae: {  	s6 =	simm.s32 $0x8800;
	s24 =	simm.s32 $0x0;
	[bflag:$0x0] =	sbarrier.arrive $0xFFFF  }
.LBB2_2:
0xaf: {  	s26 =	sshra.s32 s24, $0x2  }
0xb0: {  	v17 =	vld [tilespmem:s26+$0x0];
	_ =	sdelay $0x4  }
0xb1: {  	v18 =	vshll.u32 v17, $0x1  }
0xb2: {  	v17 =	vand.u32 $0x7, v17;
	v18 =	vand.u32 $0xFFFFFFF0, v18  }
0xb3: {  	v17 =	vor.u32 v17, v18  }
0xb4: {  	v18 =	vperm.xlane v17, v2;
	_ =	sdelay $0x1  }
0xb5: {  	v19 =	vperm.xlane v17, v1;
	v18 =	vadd.s32 v3, v18;
	_ =	sdelay $0x1  }
0xb6: {  	v20 =	vperm.xlane v17, v4;
	v19 =	vadd.s32 v3, v19;
	_ =	sdelay $0x1  }
0xb7: {  	v21 =	vperm.xlane v17, v5;
	v20 =	vadd.s32 v3, v20  }
0xb8: {  	[tilespmem:s30], [sflag:$0x1] =	stream.indirect_vreg.gather [hbm4b:s4+s2], $0x80, v18, vm0, $0xb8;
	[tilespmem:$0x1D000] =	vst v63  }
0xb9: {  	s23 =	rddreg [dreg:$0x4];
	v50 =	vperm.xlane v17, v6;
	v18 =	vadd.s32 v3, v21  }
0xba: {  	[tilespmem:s23], [sflag:$0x1] =	stream.indirect_vreg.gather [hbm4b:s4+s2], $0x80, v19, vm0, $0xb8;
	[tilespmem:$0x1D000] =	vst v63  }
0xbb: {  	s11 =	rddreg [dreg:$0x5];
	v51 =	vperm.xlane v17, v7;
	v19 =	vadd.s32 v3, v50  }
0xbc: {  	[tilespmem:s11], [sflag:$0x1] =	stream.indirect_vreg.gather [hbm4b:s4+s2], $0x80, v20, vm0, $0xb8;
	[tilespmem:$0x1D000] =	vst v63  }
0xbd: {  	v53 =	vperm.xlane v17, v8;
	v52 =	vadd.s32 v3, v51;
	s23 =	rddreg [dreg:$0x6]  }
0xbe: {  	[tilespmem:s23], [sflag:$0x1] =	stream.indirect_vreg.gather [hbm4b:s4+s2], $0x80, v18, vm0, $0xb8;
	[tilespmem:$0x1D000] =	vst v63  }
0xbf: {  	v54 =	vperm.xlane v17, v0;
	s11 =	rddreg [dreg:$0x7];
	v18 =	vadd.s32 v3, v53  }
0xc0: {  	[tilespmem:s11], [sflag:$0x1] =	stream.indirect_vreg.gather [hbm4b:s4+s2], $0x80, v19, vm0, $0xb8;
	[tilespmem:$0x1D000] =	vst v63  }
0xc1: {  	v55 =	vperm.xlane v17, v9;
	s23 =	rddreg [dreg:$0x8];
	v19 =	vadd.s32 v3, v54  }
0xc2: {  	[tilespmem:s23], [sflag:$0x1] =	stream.indirect_vreg.gather [hbm4b:s4+s2], $0x80, v52, vm0, $0xb8;
	[tilespmem:$0x1D000] =	vst v63  }
0xc3: {  	v57 =	vperm.xlane v17, v10;
	v56 =	vadd.s32 v3, v55;
	s11 =	rddreg [dreg:$0x9]  }
0xc4: {  	[tilespmem:s11], [sflag:$0x1] =	stream.indirect_vreg.gather [hbm4b:s4+s2], $0x80, v18, vm0, $0xb8;
	[tilespmem:$0x1D000] =	vst v63  }
0xc5: {  	v58 =	vperm.xlane v17, v11;
	s23 =	rddreg [dreg:$0xa];
	v18 =	vadd.s32 v3, v57  }
0xc6: {  	[tilespmem:s23], [sflag:$0x1] =	stream.indirect_vreg.gather [hbm4b:s4+s2], $0x80, v19, vm0, $0xb8;
	[tilespmem:$0x1D000] =	vst v63  }
0xc7: {  	v59 =	vperm.xlane v17, v12;
	s11 =	rddreg [dreg:$0xb];
	v19 =	vadd.s32 v3, v58  }
0xc8: {  	[tilespmem:s11], [sflag:$0x1] =	stream.indirect_vreg.gather [hbm4b:s4+s2], $0x80, v56, vm0, $0xb8;
	[tilespmem:$0x1D000] =	vst v63  }
0xc9: {  	v61 =	vperm.xlane v17, v13;
	v60 =	vadd.s32 v3, v59;
	s23 =	rddreg [dreg:$0xc]  }
0xca: {  	[tilespmem:s23], [sflag:$0x1] =	stream.indirect_vreg.gather [hbm4b:s4+s2], $0x80, v18, vm0, $0xb8;
	[tilespmem:$0x1D000] =	vst v63  }
0xcb: {  	v62 =	vperm.xlane v17, v14;
	s11 =	rddreg [dreg:$0xd];
	v18 =	vadd.s32 v3, v61  }
0xcc: {  	[tilespmem:s11], [sflag:$0x1] =	stream.indirect_vreg.gather [hbm4b:s4+s2], $0x80, v19, vm0, $0xb8;
	[tilespmem:$0x1D000] =	vst v63  }
0xcd: {  	v63 =	vperm.xlane v17, v15;
	s23 =	rddreg [dreg:$0xe];
	v19 =	vadd.s32 v3, v62  }
0xce: {  	[tilespmem:s23], [sflag:$0x1] =	stream.indirect_vreg.gather [hbm4b:s4+s2], $0x80, v60, vm0, $0xb8;
	[tilespmem:$0x1D000] =	vst v63  }
0xcf: {  	v17 =	vperm.xlane v17, v16;
	v24 =	vadd.s32 v3, v63;
	s11 =	rddreg [dreg:$0xf]  }
0xd0: {  	[tilespmem:s11], [sflag:$0x1] =	stream.indirect_vreg.gather [hbm4b:s4+s2], $0x80, v18, vm0, $0xb8;
	[tilespmem:$0x1D000] =	vst v63  }
0xd1: {  	v17 =	vadd.s32 v3, v17;
	s23 =	rddreg [dreg:$0x10]  }
0xd2: {  	[tilespmem:s23], [sflag:$0x1] =	stream.indirect_vreg.gather [hbm4b:s4+s2], $0x80, v19, vm0, $0xb8;
	[tilespmem:$0x1D000] =	vst v63  }
0xd3: {  	s11 =	rddreg [dreg:$0x11]  }
0xd4: {  	[tilespmem:s11], [sflag:$0x1] =	stream.indirect_vreg.gather [hbm4b:s4+s2], $0x80, v24, vm0, $0xb8;
	[tilespmem:$0x1D000] =	vst v63  }
0xd5: {  	s23 =	rddreg [dreg:$0x12]  }
0xd6: {  	[tilespmem:s23], [sflag:$0x1] =	stream.indirect_vreg.gather [hbm4b:s4+s2], $0x80, v17, vm0, $0xb8;
	[tilespmem:$0x1D000] =	vst v63  }
0xd7: {  	v17 =	vld [tilespmem:s26+$0x10];
	_ =	sdelay $0x4  }
0xd8: {  	v18 =	vshll.u32 v17, $0x1  }
0xd9: {  	v17 =	vand.u32 $0x7, v17;
	v18 =	vand.u32 $0xFFFFFFF0, v18  }
0xda: {  	v17 =	vor.u32 v17, v18  }
0xdb: {  	v18 =	vperm.xlane v17, v2;
	_ =	sdelay $0x1  }
0xdc: {  	v19 =	vperm.xlane v17, v1;
	v18 =	vadd.s32 v3, v18;
	_ =	sdelay $0x1  }
0xdd: {  	v25 =	vperm.xlane v17, v4;
	v19 =	vadd.s32 v3, v19  }
0xde: {  	s11 =	rddreg [dreg:$0x13]  }
0xdf: {  	s23 =	rddreg [dreg:$0x14];
	v26 =	vperm.xlane v17, v5;
	v20 =	vadd.s32 v3, v25  }
0xe0: {  	[tilespmem:s11], [sflag:$0x1] =	stream.indirect_vreg.gather [hbm4b:s4+s2], $0x80, v18, vm0, $0xb8;
	[tilespmem:$0x1D000] =	vst v63  }
0xe1: {  	v27 =	vperm.xlane v17, v6;
	s11 =	rddreg [dreg:$0x15];
	v18 =	vadd.s32 v3, v26  }
0xe2: {  	[tilespmem:s23], [sflag:$0x1] =	stream.indirect_vreg.gather [hbm4b:s4+s2], $0x80, v19, vm0, $0xb8;
	[tilespmem:$0x1D000] =	vst v63  }
0xe3: {  	v28 =	vperm.xlane v17, v7;
	s23 =	rddreg [dreg:$0x16];
	v19 =	vadd.s32 v3, v27  }
0xe4: {  	[tilespmem:s11], [sflag:$0x1] =	stream.indirect_vreg.gather [hbm4b:s4+s2], $0x80, v20, vm0, $0xb8;
	[tilespmem:$0x1D000] =	vst v63  }
0xe5: {  	v30 =	vperm.xlane v17, v8;
	v29 =	vadd.s32 v3, v28;
	s11 =	rddreg [dreg:$0x17]  }
0xe6: {  	[tilespmem:s23], [sflag:$0x1] =	stream.indirect_vreg.gather [hbm4b:s4+s2], $0x80, v18, vm0, $0xb8;
	[tilespmem:$0x1D000] =	vst v63  }
0xe7: {  	v31 =	vperm.xlane v17, v0;
	s23 =	rddreg [dreg:$0x18];
	v18 =	vadd.s32 v3, v30  }
0xe8: {  	[tilespmem:s11], [sflag:$0x1] =	stream.indirect_vreg.gather [hbm4b:s4+s2], $0x80, v19, vm0, $0xb8;
	[tilespmem:$0x1D000] =	vst v63  }
0xe9: {  	v32 =	vperm.xlane v17, v9;
	s11 =	rddreg [dreg:$0x19];
	v19 =	vadd.s32 v3, v31  }
0xea: {  	[tilespmem:s23], [sflag:$0x1] =	stream.indirect_vreg.gather [hbm4b:s4+s2], $0x80, v29, vm0, $0xb8;
	[tilespmem:$0x1D000] =	vst v63  }
0xeb: {  	v34 =	vperm.xlane v17, v10;
	v33 =	vadd.s32 v3, v32;
	s23 =	rddreg [dreg:$0x1a]  }
0xec: {  	[tilespmem:s11], [sflag:$0x1] =	stream.indirect_vreg.gather [hbm4b:s4+s2], $0x80, v18, vm0, $0xb8;
	[tilespmem:$0x1D000] =	vst v63  }
0xed: {  	v35 =	vperm.xlane v17, v11;
	s11 =	rddreg [dreg:$0x1b];
	v18 =	vadd.s32 v3, v34  }
0xee: {  	[tilespmem:s23], [sflag:$0x1] =	stream.indirect_vreg.gather [hbm4b:s4+s2], $0x80, v19, vm0, $0xb8;
	[tilespmem:$0x1D000] =	vst v63  }
0xef: {  	v36 =	vperm.xlane v17, v12;
	s23 =	rddreg [dreg:$0x1c];
	v19 =	vadd.s32 v3, v35  }
0xf0: {  	[tilespmem:s11], [sflag:$0x1] =	stream.indirect_vreg.gather [hbm4b:s4+s2], $0x80, v33, vm0, $0xb8;
	[tilespmem:$0x1D000] =	vst v63  }
0xf1: {  	v38 =	vperm.xlane v17, v13;
	v37 =	vadd.s32 v3, v36;
	s11 =	rddreg [dreg:$0x1d]  }
0xf2: {  	[tilespmem:s23], [sflag:$0x1] =	stream.indirect_vreg.gather [hbm4b:s4+s2], $0x80, v18, vm0, $0xb8;
	[tilespmem:$0x1D000] =	vst v63  }
0xf3: {  	v39 =	vperm.xlane v17, v14;
	s23 =	rddreg [dreg:$0x1e];
	v18 =	vadd.s32 v3, v38  }
0xf4: {  	[tilespmem:s11], [sflag:$0x1] =	stream.indirect_vreg.gather [hbm4b:s4+s2], $0x80, v19, vm0, $0xb8;
	[tilespmem:$0x1D000] =	vst v63  }
0xf5: {  	v40 =	vperm.xlane v17, v15;
	s11 =	rddreg [dreg:$0x1f];
	v19 =	vadd.s32 v3, v39  }
0xf6: {  	[tilespmem:s23], [sflag:$0x1] =	stream.indirect_vreg.gather [hbm4b:s4+s2], $0x80, v37, vm0, $0xb8;
	[tilespmem:$0x1D000] =	vst v63  }
0xf7: {  	v17 =	vperm.xlane v17, v16;
	v41 =	vadd.s32 v3, v40;
	s23 =	sld [smem:$0x79C]  }
0xf8: {  	[tilespmem:s11], [sflag:$0x1] =	stream.indirect_vreg.gather [hbm4b:s4+s2], $0x80, v18, vm0, $0xb8;
	[tilespmem:$0x1D000] =	vst v63  }
0xf9: {  	v17 =	vadd.s32 v3, v17;
	s11 =	sld [smem:$0x79D]  }
0xfa: {  	[tilespmem:s23], [sflag:$0x1] =	stream.indirect_vreg.gather [hbm4b:s4+s2], $0x80, v19, vm0, $0xb8;
	[tilespmem:$0x1D000] =	vst v63  }
0xfb: {  	s23 =	sld [smem:$0x79E]  }
0xfc: {  	[tilespmem:s11], [sflag:$0x1] =	stream.indirect_vreg.gather [hbm4b:s4+s2], $0x80, v41, vm0, $0xb8;
	[tilespmem:$0x1D000] =	vst v63  }
0xfd: {  	_ = 	snop  }
0xfe: {  	[tilespmem:s23], [sflag:$0x1] =	stream.indirect_vreg.gather [hbm4b:s4+s2], $0x80, v17, vm0, $0xb8;
	[tilespmem:$0x1D000] =	vst v63  }
0xff: {  	v17 =	vld [tilespmem:s26+$0x20];
	_ =	sdelay $0x4  }
0x100: {  	v18 =	vshll.u32 v17, $0x1  }
0x101: {  	v17 =	vand.u32 $0x7, v17;
	v18 =	vand.u32 $0xFFFFFFF0, v18  }
0x102: {  	v17 =	vor.u32 v17, v18  }
0x103: {  	v18 =	vperm.xlane v17, v2;
	_ =	sdelay $0x1  }
0x104: {  	v19 =	vperm.xlane v17, v1;
	v18 =	vadd.s32 v3, v18;
	_ =	sdelay $0x1  }
0x105: {  	s11 =	sld [smem:$0x79F];
	v42 =	vperm.xlane v17, v4;
	v19 =	vadd.s32 v3, v19;
	_ =	sdelay $0x1  }
0x106: {  	s23 =	sld [smem:$0x7A0];
	v43 =	vperm.xlane v17, v5;
	v20 =	vadd.s32 v3, v42  }
0x107: {  	[tilespmem:s11], [sflag:$0x1] =	stream.indirect_vreg.gather [hbm4b:s4+s2], $0x80, v18, vm0, $0xb8;
	[tilespmem:$0x1D000] =	vst v63  }
0x108: {  	v44 =	vperm.xlane v17, v6;
	s11 =	sld [smem:$0x7A1];
	v18 =	vadd.s32 v3, v43  }
0x109: {  	[tilespmem:s23], [sflag:$0x1] =	stream.indirect_vreg.gather [hbm4b:s4+s2], $0x80, v19, vm0, $0xb8;
	[tilespmem:$0x1D000] =	vst v63  }
0x10a: {  	v45 =	vperm.xlane v17, v7;
	s23 =	sld [smem:$0x7A2];
	v19 =	vadd.s32 v3, v44  }
0x10b: {  	[tilespmem:s11], [sflag:$0x1] =	stream.indirect_vreg.gather [hbm4b:s4+s2], $0x80, v20, vm0, $0xb8;
	[tilespmem:$0x1D000] =	vst v63  }
0x10c: {  	v47 =	vperm.xlane v17, v8;
	v46 =	vadd.s32 v3, v45;
	s11 =	sld [smem:$0x7A3]  }
0x10d: {  	[tilespmem:s23], [sflag:$0x1] =	stream.indirect_vreg.gather [hbm4b:s4+s2], $0x80, v18, vm0, $0xb8;
	[tilespmem:$0x1D000] =	vst v63  }
0x10e: {  	v48 =	vperm.xlane v17, v0;
	s23 =	sld [smem:$0x7A4];
	v18 =	vadd.s32 v3, v47  }
0x10f: {  	[tilespmem:s11], [sflag:$0x1] =	stream.indirect_vreg.gather [hbm4b:s4+s2], $0x80, v19, vm0, $0xb8;
	[tilespmem:$0x1D000] =	vst v63  }
0x110: {  	v49 =	vperm.xlane v17, v9;
	s11 =	sld [smem:$0x7A5];
	v19 =	vadd.s32 v3, v48  }
0x111: {  	[tilespmem:s23], [sflag:$0x1] =	stream.indirect_vreg.gather [hbm4b:s4+s2], $0x80, v46, vm0, $0xb8;
	[tilespmem:$0x1D000] =	vst v63  }
0x112: {  	v51 =	vperm.xlane v17, v10;
	v50 =	vadd.s32 v3, v49;
	s23 =	sld [smem:$0x7A6]  }
0x113: {  	[tilespmem:s11], [sflag:$0x1] =	stream.indirect_vreg.gather [hbm4b:s4+s2], $0x80, v18, vm0, $0xb8;
	[tilespmem:$0x1D000] =	vst v63  }
0x114: {  	v52 =	vperm.xlane v17, v11;
	s11 =	sld [smem:$0x7A7];
	v18 =	vadd.s32 v3, v51  }
0x115: {  	[tilespmem:s23], [sflag:$0x1] =	stream.indirect_vreg.gather [hbm4b:s4+s2], $0x80, v19, vm0, $0xb8;
	[tilespmem:$0x1D000] =	vst v63  }
0x116: {  	v53 =	vperm.xlane v17, v12;
	s23 =	sld [smem:$0x7A8];
	v19 =	vadd.s32 v3, v52  }
0x117: {  	[tilespmem:s11], [sflag:$0x1] =	stream.indirect_vreg.gather [hbm4b:s4+s2], $0x80, v50, vm0, $0xb8;
	[tilespmem:$0x1D000] =	vst v63  }
0x118: {  	v55 =	vperm.xlane v17, v13;
	v54 =	vadd.s32 v3, v53;
	s11 =	sld [smem:$0x7A9]  }
0x119: {  	[tilespmem:s23], [sflag:$0x1] =	stream.indirect_vreg.gather [hbm4b:s4+s2], $0x80, v18, vm0, $0xb8;
	[tilespmem:$0x1D000] =	vst v63  }
0x11a: {  	v56 =	vperm.xlane v17, v14;
	s23 =	sld [smem:$0x7AA];
	v18 =	vadd.s32 v3, v55  }
0x11b: {  	[tilespmem:s11], [sflag:$0x1] =	stream.indirect_vreg.gather [hbm4b:s4+s2], $0x80, v19, vm0, $0xb8;
	[tilespmem:$0x1D000] =	vst v63  }
0x11c: {  	v57 =	vperm.xlane v17, v15;
	s11 =	sld [smem:$0x7AB];
	v19 =	vadd.s32 v3, v56  }
0x11d: {  	[tilespmem:s23], [sflag:$0x1] =	stream.indirect_vreg.gather [hbm4b:s4+s2], $0x80, v54, vm0, $0xb8;
	[tilespmem:$0x1D000] =	vst v63  }
0x11e: {  	v17 =	vperm.xlane v17, v16;
	v58 =	vadd.s32 v3, v57;
	s23 =	sld [smem:$0x7AC]  }
0x11f: {  	[tilespmem:s11], [sflag:$0x1] =	stream.indirect_vreg.gather [hbm4b:s4+s2], $0x80, v18, vm0, $0xb8;
	[tilespmem:$0x1D000] =	vst v63  }
0x120: {  	v17 =	vadd.s32 v3, v17;
	s11 =	sld [smem:$0x7AD]  }
0x121: {  	[tilespmem:s23], [sflag:$0x1] =	stream.indirect_vreg.gather [hbm4b:s4+s2], $0x80, v19, vm0, $0xb8;
	[tilespmem:$0x1D000] =	vst v63  }
0x122: {  	s23 =	sld [smem:$0x7AE]  }
0x123: {  	[tilespmem:s11], [sflag:$0x1] =	stream.indirect_vreg.gather [hbm4b:s4+s2], $0x80, v58, vm0, $0xb8;
	[tilespmem:$0x1D000] =	vst v63  }
0x124: {  	_ = 	snop  }
0x125: {  	[tilespmem:s23], [sflag:$0x1] =	stream.indirect_vreg.gather [hbm4b:s4+s2], $0x80, v17, vm0, $0xb8;
	[tilespmem:$0x1D000] =	vst v63  }
0x126: {  	v17 =	vld [tilespmem:s26+$0x30];
	_ =	sdelay $0x4  }
0x127: {  	v18 =	vshll.u32 v17, $0x1  }
0x128: {  	v17 =	vand.u32 $0x7, v17;
	v18 =	vand.u32 $0xFFFFFFF0, v18  }
0x129: {  	v17 =	vor.u32 v17, v18  }
0x12a: {  	v18 =	vperm.xlane v17, v2;
	_ =	sdelay $0x1  }
0x12b: {  	v19 =	vperm.xlane v17, v1;
	v18 =	vadd.s32 v3, v18;
	_ =	sdelay $0x1  }
0x12c: {  	s11 =	sld [smem:$0x7AF];
	v59 =	vperm.xlane v17, v4;
	v19 =	vadd.s32 v3, v19;
	_ =	sdelay $0x1  }
0x12d: {  	s23 =	sld [smem:$0x7B0];
	v60 =	vperm.xlane v17, v5;
	v20 =	vadd.s32 v3, v59  }
0x12e: {  	[tilespmem:s11], [sflag:$0x1] =	stream.indirect_vreg.gather [hbm4b:s4+s2], $0x80, v18, vm0, $0xb8;
	[tilespmem:$0x1D000] =	vst v63  }
0x12f: {  	v61 =	vperm.xlane v17, v6;
	s11 =	sld [smem:$0x7B1];
	v18 =	vadd.s32 v3, v60  }
0x130: {  	[tilespmem:s23], [sflag:$0x1] =	stream.indirect_vreg.gather [hbm4b:s4+s2], $0x80, v19, vm0, $0xb8;
	[tilespmem:$0x1D000] =	vst v63  }
0x131: {  	v62 =	vperm.xlane v17, v7;
	s23 =	sld [smem:$0x7B2];
	v19 =	vadd.s32 v3, v61  }
0x132: {  	[tilespmem:s11], [sflag:$0x1] =	stream.indirect_vreg.gather [hbm4b:s4+s2], $0x80, v20, vm0, $0xb8;
	[tilespmem:$0x1D000] =	vst v63  }
0x133: {  	v24 =	vperm.xlane v17, v8;
	v63 =	vadd.s32 v3, v62;
	s11 =	sld [smem:$0x7B3]  }
0x134: {  	[tilespmem:s23], [sflag:$0x1] =	stream.indirect_vreg.gather [hbm4b:s4+s2], $0x80, v18, vm0, $0xb8;
	[tilespmem:$0x1D000] =	vst v63  }
0x135: {  	v25 =	vperm.xlane v17, v0;
	s23 =	sld [smem:$0x7B4];
	v18 =	vadd.s32 v3, v24  }
0x136: {  	[tilespmem:s11], [sflag:$0x1] =	stream.indirect_vreg.gather [hbm4b:s4+s2], $0x80, v19, vm0, $0xb8;
	[tilespmem:$0x1D000] =	vst v63  }
0x137: {  	v26 =	vperm.xlane v17, v9;
	s11 =	sld [smem:$0x7B5];
	v19 =	vadd.s32 v3, v25  }
0x138: {  	[tilespmem:s23], [sflag:$0x1] =	stream.indirect_vreg.gather [hbm4b:s4+s2], $0x80, v63, vm0, $0xb8;
	[tilespmem:$0x1D000] =	vst v63  }
0x139: {  	v28 =	vperm.xlane v17, v10;
	v27 =	vadd.s32 v3, v26;
	s23 =	sld [smem:$0x7B6]  }
0x13a: {  	[tilespmem:s11], [sflag:$0x1] =	stream.indirect_vreg.gather [hbm4b:s4+s2], $0x80, v18, vm0, $0xb8;
	[tilespmem:$0x1D000] =	vst v63  }
0x13b: {  	v29 =	vperm.xlane v17, v11;
	s11 =	sld [smem:$0x7B7];
	v18 =	vadd.s32 v3, v28  }
0x13c: {  	[tilespmem:s23], [sflag:$0x1] =	stream.indirect_vreg.gather [hbm4b:s4+s2], $0x80, v19, vm0, $0xb8;
	[tilespmem:$0x1D000] =	vst v63  }
0x13d: {  	v30 =	vperm.xlane v17, v12;
	s23 =	sld [smem:$0x7B8];
	v19 =	vadd.s32 v3, v29  }
0x13e: {  	[tilespmem:s11], [sflag:$0x1] =	stream.indirect_vreg.gather [hbm4b:s4+s2], $0x80, v27, vm0, $0xb8;
	[tilespmem:$0x1D000] =	vst v63  }
0x13f: {  	v32 =	vperm.xlane v17, v13;
	v31 =	vadd.s32 v3, v30;
	s11 =	sld [smem:$0x7B9]  }
0x140: {  	[tilespmem:s23], [sflag:$0x1] =	stream.indirect_vreg.gather [hbm4b:s4+s2], $0x80, v18, vm0, $0xb8;
	[tilespmem:$0x1D000] =	vst v63  }
0x141: {  	v33 =	vperm.xlane v17, v14;
	s23 =	sld [smem:$0x7BA];
	v18 =	vadd.s32 v3, v32  }
0x142: {  	[tilespmem:s11], [sflag:$0x1] =	stream.indirect_vreg.gather [hbm4b:s4+s2], $0x80, v19, vm0, $0xb8;
	[tilespmem:$0x1D000] =	vst v63  }
0x143: {  	v34 =	vperm.xlane v17, v15;
	s11 =	sld [smem:$0x7BB];
	v19 =	vadd.s32 v3, v33  }
0x144: {  	[tilespmem:s23], [sflag:$0x1] =	stream.indirect_vreg.gather [hbm4b:s4+s2], $0x80, v31, vm0, $0xb8;
	[tilespmem:$0x1D000] =	vst v63  }
0x145: {  	v17 =	vperm.xlane v17, v16;
	v35 =	vadd.s32 v3, v34;
	s23 =	sld [smem:$0x7BC]  }
0x146: {  	[tilespmem:s11], [sflag:$0x1] =	stream.indirect_vreg.gather [hbm4b:s4+s2], $0x80, v18, vm0, $0xb8;
	[tilespmem:$0x1D000] =	vst v63  }
0x147: {  	v17 =	vadd.s32 v3, v17;
	s11 =	sld [smem:$0x7BD]  }
0x148: {  	[tilespmem:s23], [sflag:$0x1] =	stream.indirect_vreg.gather [hbm4b:s4+s2], $0x80, v19, vm0, $0xb8;
	[tilespmem:$0x1D000] =	vst v63  }
0x149: {  	s23 =	sld [smem:$0x7BE]  }
0x14a: {  	[tilespmem:s11], [sflag:$0x1] =	stream.indirect_vreg.gather [hbm4b:s4+s2], $0x80, v35, vm0, $0xb8;
	[tilespmem:$0x1D000] =	vst v63  }
0x14b: {  	_ = 	snop  }
0x14c: {  	[tilespmem:s23], [sflag:$0x1] =	stream.indirect_vreg.gather [hbm4b:s4+s2], $0x80, v17, vm0, $0xb8;
	[tilespmem:$0x1D000] =	vst v63  }
0x14d: {  	v17 =	vld [tilespmem:s26+$0x40];
	_ =	sdelay $0x4  }
0x14e: {  	v18 =	vshll.u32 v17, $0x1  }
0x14f: {  	v17 =	vand.u32 $0x7, v17;
	v18 =	vand.u32 $0xFFFFFFF0, v18  }
0x150: {  	v17 =	vor.u32 v17, v18  }
0x151: {  	v18 =	vperm.xlane v17, v2;
	_ =	sdelay $0x1  }
0x152: {  	v19 =	vperm.xlane v17, v1;
	v18 =	vadd.s32 v3, v18;
	_ =	sdelay $0x1  }
0x153: {  	s11 =	sld [smem:$0x7BF];
	v36 =	vperm.xlane v17, v4;
	v19 =	vadd.s32 v3, v19;
	_ =	sdelay $0x1  }
0x154: {  	s23 =	sld [smem:$0x7C0];
	v37 =	vperm.xlane v17, v5;
	v20 =	vadd.s32 v3, v36  }
0x155: {  	[tilespmem:s11], [sflag:$0x1] =	stream.indirect_vreg.gather [hbm4b:s4+s2], $0x80, v18, vm0, $0xb8;
	[tilespmem:$0x1D000] =	vst v63  }
0x156: {  	v38 =	vperm.xlane v17, v6;
	s11 =	sld [smem:$0x7C1];
	v18 =	vadd.s32 v3, v37  }
0x157: {  	[tilespmem:s23], [sflag:$0x1] =	stream.indirect_vreg.gather [hbm4b:s4+s2], $0x80, v19, vm0, $0xb8;
	[tilespmem:$0x1D000] =	vst v63  }
0x158: {  	v39 =	vperm.xlane v17, v7;
	s23 =	sld [smem:$0x7C2];
	v19 =	vadd.s32 v3, v38  }
0x159: {  	[tilespmem:s11], [sflag:$0x1] =	stream.indirect_vreg.gather [hbm4b:s4+s2], $0x80, v20, vm0, $0xb8;
	[tilespmem:$0x1D000] =	vst v63  }
0x15a: {  	v41 =	vperm.xlane v17, v8;
	v40 =	vadd.s32 v3, v39;
	s11 =	sld [smem:$0x7C3]  }
0x15b: {  	[tilespmem:s23], [sflag:$0x1] =	stream.indirect_vreg.gather [hbm4b:s4+s2], $0x80, v18, vm0, $0xb8;
	[tilespmem:$0x1D000] =	vst v63  }
0x15c: {  	v42 =	vperm.xlane v17, v0;
	s23 =	sld [smem:$0x7C4];
	v18 =	vadd.s32 v3, v41  }
0x15d: {  	[tilespmem:s11], [sflag:$0x1] =	stream.indirect_vreg.gather [hbm4b:s4+s2], $0x80, v19, vm0, $0xb8;
	[tilespmem:$0x1D000] =	vst v63  }
0x15e: {  	v43 =	vperm.xlane v17, v9;
	s11 =	sld [smem:$0x7C5];
	v19 =	vadd.s32 v3, v42  }
0x15f: {  	[tilespmem:s23], [sflag:$0x1] =	stream.indirect_vreg.gather [hbm4b:s4+s2], $0x80, v40, vm0, $0xb8;
	[tilespmem:$0x1D000] =	vst v63  }
0x160: {  	v45 =	vperm.xlane v17, v10;
	v44 =	vadd.s32 v3, v43;
	s23 =	sld [smem:$0x7C7]  }
0x161: {  	[tilespmem:s11], [sflag:$0x1] =	stream.indirect_vreg.gather [hbm4b:s4+s2], $0x80, v18, vm0, $0xb8;
	[tilespmem:$0x1D000] =	vst v63  }
0x162: {  	v46 =	vperm.xlane v17, v11;
	s11 =	sld [smem:$0x7C9];
	v18 =	vadd.s32 v3, v45  }
0x163: {  	[tilespmem:s23], [sflag:$0x1] =	stream.indirect_vreg.gather [hbm4b:s4+s2], $0x80, v19, vm0, $0xb8;
	[tilespmem:$0x1D000] =	vst v63  }
0x164: {  	v47 =	vperm.xlane v17, v12;
	s23 =	sld [smem:$0x7CA];
	v19 =	vadd.s32 v3, v46  }
0x165: {  	[tilespmem:s11], [sflag:$0x1] =	stream.indirect_vreg.gather [hbm4b:s4+s2], $0x80, v44, vm0, $0xb8;
	[tilespmem:$0x1D000] =	vst v63  }
0x166: {  	v49 =	vperm.xlane v17, v13;
	v48 =	vadd.s32 v3, v47;
	s11 =	sld [smem:$0x7CB]  }
0x167: {  	[tilespmem:s23], [sflag:$0x1] =	stream.indirect_vreg.gather [hbm4b:s4+s2], $0x80, v18, vm0, $0xb8;
	[tilespmem:$0x1D000] =	vst v63  }
0x168: {  	v50 =	vperm.xlane v17, v14;
	s23 =	sld [smem:$0x7CC];
	v18 =	vadd.s32 v3, v49  }
0x169: {  	[tilespmem:s11], [sflag:$0x1] =	stream.indirect_vreg.gather [hbm4b:s4+s2], $0x80, v19, vm0, $0xb8;
	[tilespmem:$0x1D000] =	vst v63  }
0x16a: {  	v51 =	vperm.xlane v17, v15;
	s11 =	sld [smem:$0x7CD];
	v19 =	vadd.s32 v3, v50  }
0x16b: {  	[tilespmem:s23], [sflag:$0x1] =	stream.indirect_vreg.gather [hbm4b:s4+s2], $0x80, v48, vm0, $0xb8;
	[tilespmem:$0x1D000] =	vst v63  }
0x16c: {  	v17 =	vperm.xlane v17, v16;
	v52 =	vadd.s32 v3, v51;
	s23 =	sld [smem:$0x7CF]  }
0x16d: {  	[tilespmem:s11], [sflag:$0x1] =	stream.indirect_vreg.gather [hbm4b:s4+s2], $0x80, v18, vm0, $0xb8;
	[tilespmem:$0x1D000] =	vst v63  }
0x16e: {  	v17 =	vadd.s32 v3, v17;
	s11 =	sld [smem:$0x7D1]  }
0x16f: {  	[tilespmem:s23], [sflag:$0x1] =	stream.indirect_vreg.gather [hbm4b:s4+s2], $0x80, v19, vm0, $0xb8;
	[tilespmem:$0x1D000] =	vst v63  }
0x170: {  	s23 =	sld [smem:$0x7D3]  }
0x171: {  	[tilespmem:s11], [sflag:$0x1] =	stream.indirect_vreg.gather [hbm4b:s4+s2], $0x80, v52, vm0, $0xb8;
	[tilespmem:$0x1D000] =	vst v63  }
0x172: {  	_ = 	snop  }
0x173: {  	[tilespmem:s23], [sflag:$0x1] =	stream.indirect_vreg.gather [hbm4b:s4+s2], $0x80, v17, vm0, $0xb8;
	[tilespmem:$0x1D000] =	vst v63  }
0x174: {  	v17 =	vld [tilespmem:s26+$0x50];
	_ =	sdelay $0x4  }
0x175: {  	v18 =	vshll.u32 v17, $0x1  }
0x176: {  	v17 =	vand.u32 $0x7, v17;
	v18 =	vand.u32 $0xFFFFFFF0, v18  }
0x177: {  	v17 =	vor.u32 v17, v18  }
0x178: {  	v18 =	vperm.xlane v17, v2;
	_ =	sdelay $0x1  }
0x179: {  	v19 =	vperm.xlane v17, v1;
	v18 =	vadd.s32 v3, v18;
	_ =	sdelay $0x1  }
0x17a: {  	s11 =	sld [smem:$0x7D5];
	v53 =	vperm.xlane v17, v4;
	v19 =	vadd.s32 v3, v19;
	_ =	sdelay $0x1  }
0x17b: {  	s23 =	sld [smem:$0x7D6];
	v54 =	vperm.xlane v17, v5;
	v20 =	vadd.s32 v3, v53  }
0x17c: {  	[tilespmem:s11], [sflag:$0x1] =	stream.indirect_vreg.gather [hbm4b:s4+s2], $0x80, v18, vm0, $0xb8;
	[tilespmem:$0x1D000] =	vst v63  }
0x17d: {  	v55 =	vperm.xlane v17, v6;
	s11 =	sld [smem:$0x7D7];
	v18 =	vadd.s32 v3, v54  }
0x17e: {  	[tilespmem:s23], [sflag:$0x1] =	stream.indirect_vreg.gather [hbm4b:s4+s2], $0x80, v19, vm0, $0xb8;
	[tilespmem:$0x1D000] =	vst v63  }
0x17f: {  	v56 =	vperm.xlane v17, v7;
	s23 =	sld [smem:$0x7D8];
	v19 =	vadd.s32 v3, v55  }
0x180: {  	[tilespmem:s11], [sflag:$0x1] =	stream.indirect_vreg.gather [hbm4b:s4+s2], $0x80, v20, vm0, $0xb8;
	[tilespmem:$0x1D000] =	vst v63  }
0x181: {  	v58 =	vperm.xlane v17, v8;
	v57 =	vadd.s32 v3, v56;
	s11 =	sld [smem:$0x7D9]  }
0x182: {  	[tilespmem:s23], [sflag:$0x1] =	stream.indirect_vreg.gather [hbm4b:s4+s2], $0x80, v18, vm0, $0xb8;
	[tilespmem:$0x1D000] =	vst v63  }
0x183: {  	v59 =	vperm.xlane v17, v0;
	s23 =	sld [smem:$0x7DA];
	v18 =	vadd.s32 v3, v58  }
0x184: {  	[tilespmem:s11], [sflag:$0x1] =	stream.indirect_vreg.gather [hbm4b:s4+s2], $0x80, v19, vm0, $0xb8;
	[tilespmem:$0x1D000] =	vst v63  }
0x185: {  	v60 =	vperm.xlane v17, v9;
	s11 =	sld [smem:$0x7DC];
	v19 =	vadd.s32 v3, v59  }
0x186: {  	[tilespmem:s23], [sflag:$0x1] =	stream.indirect_vreg.gather [hbm4b:s4+s2], $0x80, v57, vm0, $0xb8;
	[tilespmem:$0x1D000] =	vst v63  }
0x187: {  	v62 =	vperm.xlane v17, v10;
	v61 =	vadd.s32 v3, v60;
	s23 =	sld [smem:$0x7DE]  }
0x188: {  	[tilespmem:s11], [sflag:$0x1] =	stream.indirect_vreg.gather [hbm4b:s4+s2], $0x80, v18, vm0, $0xb8;
	[tilespmem:$0x1D000] =	vst v63  }
0x189: {  	v63 =	vperm.xlane v17, v11;
	s11 =	sld [smem:$0x7DF];
	v18 =	vadd.s32 v3, v62  }
0x18a: {  	[tilespmem:s23], [sflag:$0x1] =	stream.indirect_vreg.gather [hbm4b:s4+s2], $0x80, v19, vm0, $0xb8;
	[tilespmem:$0x1D000] =	vst v63  }
0x18b: {  	v24 =	vperm.xlane v17, v12;
	s23 =	sld [smem:$0x7E0];
	v19 =	vadd.s32 v3, v63  }
0x18c: {  	[tilespmem:s11], [sflag:$0x1] =	stream.indirect_vreg.gather [hbm4b:s4+s2], $0x80, v61, vm0, $0xb8;
	[tilespmem:$0x1D000] =	vst v63  }
0x18d: {  	v26 =	vperm.xlane v17, v13;
	v25 =	vadd.s32 v3, v24;
	s11 =	sld [smem:$0x7E1]  }
0x18e: {  	[tilespmem:s23], [sflag:$0x1] =	stream.indirect_vreg.gather [hbm4b:s4+s2], $0x80, v18, vm0, $0xb8;
	[tilespmem:$0x1D000] =	vst v63  }
0x18f: {  	v27 =	vperm.xlane v17, v14;
	s23 =	sld [smem:$0x7E3];
	v18 =	vadd.s32 v3, v26  }
0x190: {  	[tilespmem:s11], [sflag:$0x1] =	stream.indirect_vreg.gather [hbm4b:s4+s2], $0x80, v19, vm0, $0xb8;
	[tilespmem:$0x1D000] =	vst v63  }
0x191: {  	v28 =	vperm.xlane v17, v15;
	s11 =	sld [smem:$0x7E5];
	v19 =	vadd.s32 v3, v27  }
0x192: {  	[tilespmem:s23], [sflag:$0x1] =	stream.indirect_vreg.gather [hbm4b:s4+s2], $0x80, v25, vm0, $0xb8;
	[tilespmem:$0x1D000] =	vst v63  }
0x193: {  	v17 =	vperm.xlane v17, v16;
	v29 =	vadd.s32 v3, v28;
	s23 =	sld [smem:$0x7E6]  }
0x194: {  	[tilespmem:s11], [sflag:$0x1] =	stream.indirect_vreg.gather [hbm4b:s4+s2], $0x80, v18, vm0, $0xb8;
	[tilespmem:$0x1D000] =	vst v63  }
0x195: {  	v17 =	vadd.s32 v3, v17;
	s11 =	sld [smem:$0x7E7]  }
0x196: {  	[tilespmem:s23], [sflag:$0x1] =	stream.indirect_vreg.gather [hbm4b:s4+s2], $0x80, v19, vm0, $0xb8;
	[tilespmem:$0x1D000] =	vst v63  }
0x197: {  	s23 =	sld [smem:$0x7E8]  }
0x198: {  	[tilespmem:s11], [sflag:$0x1] =	stream.indirect_vreg.gather [hbm4b:s4+s2], $0x80, v29, vm0, $0xb8;
	[tilespmem:$0x1D000] =	vst v63  }
0x199: {  	_ = 	snop  }
0x19a: {  	[tilespmem:s23], [sflag:$0x1] =	stream.indirect_vreg.gather [hbm4b:s4+s2], $0x80, v17, vm0, $0xb8;
	[tilespmem:$0x1D000] =	vst v63  }
0x19b: {  	v17 =	vld [tilespmem:s26+$0x60];
	_ =	sdelay $0x4  }
0x19c: {  	v18 =	vshll.u32 v17, $0x1  }
0x19d: {  	v17 =	vand.u32 $0x7, v17;
	v18 =	vand.u32 $0xFFFFFFF0, v18  }
0x19e: {  	v17 =	vor.u32 v17, v18  }
0x19f: {  	v18 =	vperm.xlane v17, v2;
	_ =	sdelay $0x1  }
0x1a0: {  	v19 =	vperm.xlane v17, v1;
	v18 =	vadd.s32 v3, v18;
	_ =	sdelay $0x1  }
0x1a1: {  	s11 =	sld [smem:$0x7EA];
	v30 =	vperm.xlane v17, v4;
	v19 =	vadd.s32 v3, v19;
	_ =	sdelay $0x1  }
0x1a2: {  	s23 =	sld [smem:$0x7EC];
	v31 =	vperm.xlane v17, v5;
	v20 =	vadd.s32 v3, v30  }
0x1a3: {  	[tilespmem:s11], [sflag:$0x1] =	stream.indirect_vreg.gather [hbm4b:s4+s2], $0x80, v18, vm0, $0xb8;
	[tilespmem:$0x1D000] =	vst v63  }
0x1a4: {  	v32 =	vperm.xlane v17, v6;
	s11 =	sld [smem:$0x7ED];
	v18 =	vadd.s32 v3, v31  }
0x1a5: {  	[tilespmem:s23], [sflag:$0x1] =	stream.indirect_vreg.gather [hbm4b:s4+s2], $0x80, v19, vm0, $0xb8;
	[tilespmem:$0x1D000] =	vst v63  }
0x1a6: {  	v33 =	vperm.xlane v17, v7;
	s23 =	sld [smem:$0x7EE];
	v19 =	vadd.s32 v3, v32  }
0x1a7: {  	[tilespmem:s11], [sflag:$0x1] =	stream.indirect_vreg.gather [hbm4b:s4+s2], $0x80, v20, vm0, $0xb8;
	[tilespmem:$0x1D000] =	vst v63  }
0x1a8: {  	v35 =	vperm.xlane v17, v8;
	v34 =	vadd.s32 v3, v33;
	s11 =	sld [smem:$0x7EF]  }
0x1a9: {  	[tilespmem:s23], [sflag:$0x1] =	stream.indirect_vreg.gather [hbm4b:s4+s2], $0x80, v18, vm0, $0xb8;
	[tilespmem:$0x1D000] =	vst v63  }
0x1aa: {  	v36 =	vperm.xlane v17, v0;
	s23 =	sld [smem:$0x7F1];
	v18 =	vadd.s32 v3, v35  }
0x1ab: {  	[tilespmem:s11], [sflag:$0x1] =	stream.indirect_vreg.gather [hbm4b:s4+s2], $0x80, v19, vm0, $0xb8;
	[tilespmem:$0x1D000] =	vst v63  }
0x1ac: {  	v37 =	vperm.xlane v17, v9;
	s11 =	sld [smem:$0x7F3];
	v19 =	vadd.s32 v3, v36  }
0x1ad: {  	[tilespmem:s23], [sflag:$0x1] =	stream.indirect_vreg.gather [hbm4b:s4+s2], $0x80, v34, vm0, $0xb8;
	[tilespmem:$0x1D000] =	vst v63  }
0x1ae: {  	v39 =	vperm.xlane v17, v10;
	v38 =	vadd.s32 v3, v37;
	s23 =	sld [smem:$0x7F5]  }
0x1af: {  	[tilespmem:s11], [sflag:$0x1] =	stream.indirect_vreg.gather [hbm4b:s4+s2], $0x80, v18, vm0, $0xb8;
	[tilespmem:$0x1D000] =	vst v63  }
0x1b0: {  	v40 =	vperm.xlane v17, v11;
	s11 =	sld [smem:$0x7F7];
	v18 =	vadd.s32 v3, v39  }
0x1b1: {  	[tilespmem:s23], [sflag:$0x1] =	stream.indirect_vreg.gather [hbm4b:s4+s2], $0x80, v19, vm0, $0xb8;
	[tilespmem:$0x1D000] =	vst v63  }
0x1b2: {  	v41 =	vperm.xlane v17, v12;
	s23 =	sld [smem:$0x7F9];
	v19 =	vadd.s32 v3, v40  }
0x1b3: {  	[tilespmem:s11], [sflag:$0x1] =	stream.indirect_vreg.gather [hbm4b:s4+s2], $0x80, v38, vm0, $0xb8;
	[tilespmem:$0x1D000] =	vst v63  }
0x1b4: {  	v43 =	vperm.xlane v17, v13;
	v42 =	vadd.s32 v3, v41;
	s11 =	sld [smem:$0x7FB]  }
0x1b5: {  	[tilespmem:s23], [sflag:$0x1] =	stream.indirect_vreg.gather [hbm4b:s4+s2], $0x80, v18, vm0, $0xb8;
	[tilespmem:$0x1D000] =	vst v63  }
0x1b6: {  	v44 =	vperm.xlane v17, v14;
	v18 =	vadd.s32 v3, v43  }
0x1b7: {  	[tilespmem:s11], [sflag:$0x1] =	stream.indirect_vreg.gather [hbm4b:s4+s2], $0x80, v19, vm0, $0xb8;
	[tilespmem:$0x1D000] =	vst v63  }
0x1b8: {  	v45 =	vperm.xlane v17, v15;
	v19 =	vadd.s32 v3, v44  }
0x1b9: {  	[tilespmem:s31], [sflag:$0x1] =	stream.indirect_vreg.gather [hbm4b:s4+s2], $0x80, v42, vm0, $0xb8;
	[tilespmem:$0x1D000] =	vst v63  }
0x1ba: {  	v17 =	vperm.xlane v17, v16;
	v46 =	vadd.s32 v3, v45  }
0x1bb: {  	[tilespmem:s0], [sflag:$0x1] =	stream.indirect_vreg.gather [hbm4b:s4+s2], $0x80, v18, vm0, $0xb8;
	[tilespmem:$0x1D000] =	vst v63  }
0x1bc: {  	v17 =	vadd.s32 v3, v17  }
0x1bd: {  	[tilespmem:s3], [sflag:$0x1] =	stream.indirect_vreg.gather [hbm4b:s4+s2], $0x80, v19, vm0, $0xb8;
	[tilespmem:$0x1D000] =	vst v63  }
0x1be: {  	_ = 	snop  }
0x1bf: {  	[tilespmem:s29], [sflag:$0x1] =	stream.indirect_vreg.gather [hbm4b:s4+s2], $0x80, v46, vm0, $0xb8;
	[tilespmem:$0x1D000] =	vst v63  }
0x1c0: {  	_ = 	snop  }
0x1c1: {  	[tilespmem:s5], [sflag:$0x1] =	stream.indirect_vreg.gather [hbm4b:s4+s2], $0x80, v17, vm0, $0xb8;
	[tilespmem:$0x1D000] =	vst v63  }
0x1c2: {  	v17 =	vld [tilespmem:s26+$0x70];
	_ =	sdelay $0x4  }
0x1c3: {  	v18 =	vshll.u32 v17, $0x1  }
0x1c4: {  	v17 =	vand.u32 $0x7, v17;
	v18 =	vand.u32 $0xFFFFFFF0, v18  }
0x1c5: {  	v17 =	vor.u32 v17, v18  }
0x1c6: {  	v18 =	vperm.xlane v17, v2;
	_ =	sdelay $0x1  }
0x1c7: {  	v19 =	vperm.xlane v17, v1;
	v18 =	vadd.s32 v3, v18;
	_ =	sdelay $0x1  }
0x1c8: {  	v47 =	vperm.xlane v17, v4;
	v19 =	vadd.s32 v3, v19;
	_ =	sdelay $0x1  }
0x1c9: {  	v48 =	vperm.xlane v17, v5;
	v20 =	vadd.s32 v3, v47  }
0x1ca: {  	[tilespmem:s6], [sflag:$0x1] =	stream.indirect_vreg.gather [hbm4b:s4+s2], $0x80, v18, vm0, $0xb8;
	[tilespmem:$0x1D000] =	vst v63  }
0x1cb: {  	v49 =	vperm.xlane v17, v6;
	v18 =	vadd.s32 v3, v48  }
0x1cc: {  	[tilespmem:s7], [sflag:$0x1] =	stream.indirect_vreg.gather [hbm4b:s4+s2], $0x80, v19, vm0, $0xb8;
	[tilespmem:$0x1D000] =	vst v63  }
0x1cd: {  	v50 =	vperm.xlane v17, v7;
	v19 =	vadd.s32 v3, v49  }
0x1ce: {  	[tilespmem:s8], [sflag:$0x1] =	stream.indirect_vreg.gather [hbm4b:s4+s2], $0x80, v20, vm0, $0xb8;
	[tilespmem:$0x1D000] =	vst v63  }
0x1cf: {  	v52 =	vperm.xlane v17, v8;
	v51 =	vadd.s32 v3, v50  }
0x1d0: {  	[tilespmem:s9], [sflag:$0x1] =	stream.indirect_vreg.gather [hbm4b:s4+s2], $0x80, v18, vm0, $0xb8;
	[tilespmem:$0x1D000] =	vst v63  }
0x1d1: {  	v53 =	vperm.xlane v17, v0;
	v18 =	vadd.s32 v3, v52  }
0x1d2: {  	[tilespmem:s10], [sflag:$0x1] =	stream.indirect_vreg.gather [hbm4b:s4+s2], $0x80, v19, vm0, $0xb8;
	[tilespmem:$0x1D000] =	vst v63  }
0x1d3: {  	v54 =	vperm.xlane v17, v9;
	v19 =	vadd.s32 v3, v53  }
0x1d4: {  	[tilespmem:s12], [sflag:$0x1] =	stream.indirect_vreg.gather [hbm4b:s4+s2], $0x80, v51, vm0, $0xb8;
	[tilespmem:$0x1D000] =	vst v63  }
0x1d5: {  	v56 =	vperm.xlane v17, v10;
	v55 =	vadd.s32 v3, v54  }
0x1d6: {  	[tilespmem:s13], [sflag:$0x1] =	stream.indirect_vreg.gather [hbm4b:s4+s2], $0x80, v18, vm0, $0xb8;
	[tilespmem:$0x1D000] =	vst v63  }
0x1d7: {  	v57 =	vperm.xlane v17, v11;
	v18 =	vadd.s32 v3, v56  }
0x1d8: {  	[tilespmem:s14], [sflag:$0x1] =	stream.indirect_vreg.gather [hbm4b:s4+s2], $0x80, v19, vm0, $0xb8;
	[tilespmem:$0x1D000] =	vst v63  }
0x1d9: {  	v58 =	vperm.xlane v17, v12;
	v19 =	vadd.s32 v3, v57  }
0x1da: {  	[tilespmem:s15], [sflag:$0x1] =	stream.indirect_vreg.gather [hbm4b:s4+s2], $0x80, v55, vm0, $0xb8;
	[tilespmem:$0x1D000] =	vst v63  }
0x1db: {  	v60 =	vperm.xlane v17, v13;
	v59 =	vadd.s32 v3, v58  }
0x1dc: {  	[tilespmem:s16], [sflag:$0x1] =	stream.indirect_vreg.gather [hbm4b:s4+s2], $0x80, v18, vm0, $0xb8;
	[tilespmem:$0x1D000] =	vst v63  }
0x1dd: {  	v61 =	vperm.xlane v17, v14;
	v18 =	vadd.s32 v3, v60  }
0x1de: {  	[tilespmem:s17], [sflag:$0x1] =	stream.indirect_vreg.gather [hbm4b:s4+s2], $0x80, v19, vm0, $0xb8;
	[tilespmem:$0x1D000] =	vst v63  }
0x1df: {  	v62 =	vperm.xlane v17, v15;
	v19 =	vadd.s32 v3, v61  }
0x1e0: {  	[tilespmem:s18], [sflag:$0x1] =	stream.indirect_vreg.gather [hbm4b:s4+s2], $0x80, v59, vm0, $0xb8;
	[tilespmem:$0x1D000] =	vst v63  }
0x1e1: {  	v17 =	vperm.xlane v17, v16;
	v63 =	vadd.s32 v3, v62  }
0x1e2: {  	[tilespmem:s19], [sflag:$0x1] =	stream.indirect_vreg.gather [hbm4b:s4+s2], $0x80, v18, vm0, $0xb8;
	[tilespmem:$0x1D000] =	vst v63  }
0x1e3: {  	v17 =	vadd.s32 v3, v17  }
0x1e4: {  	[tilespmem:s20], [sflag:$0x1] =	stream.indirect_vreg.gather [hbm4b:s4+s2], $0x80, v19, vm0, $0xb8;
	[tilespmem:$0x1D000] =	vst v63  }
0x1e5: {  	_ = 	snop  }
0x1e6: {  	[tilespmem:s21], [sflag:$0x1] =	stream.indirect_vreg.gather [hbm4b:s4+s2], $0x80, v63, vm0, $0xb8;
	[tilespmem:$0x1D000] =	vst v63  }
0x1e7: {  	_ = 	snop  }
0x1e8: {  	[tilespmem:s22], [sflag:$0x1] =	stream.indirect_vreg.gather [hbm4b:s4+s2], $0x80, v17, vm0, $0xb8;
	[tilespmem:$0x1D000] =	vst v63  }
0x1e9: {  	_ =	swait.ge [sflag:s28], $0x4000  }
0x1ea: {  	p0 =	sne.s32 s24, $0x9C00;
	[sflag:s28] =	ssyncset.done $0x0  }
.Ltmp0:
0x1eb: {  	s26 =	sadd.s32 $0x2800, s26;
	[sflag:s28] =	ssyncadd.s32 $0xFFFFC000;
	(pc) =	sbr.rel @p0 .LBB2_2-.Ltmp0, $4  }
0x1ec: {  	[spmem:s1] =	stream.indirect.scatter.add.f32 [tilespmem:s30], [sflag:$0x1], $0x80, s26, s25, $0xb8;
	[tilespmem:$0x1D000] =	vst v63  }
0x1ed: {  	_ =	swait.ge [sflag:s28], $0x4000  }
0x1ee: {  	[sflag:s28] =	ssyncset.done $0x0  }
0x1ef: {  	s24 =	sadd.s32 $0x200, s24;
	[sflag:s28] =	ssyncadd.s32 $0xFFFFC000  }
0x1f0: {  	[bflag:$0x0] =	sbarrier.arrive $0xFFFF  }
0x1f1: {  	s11 =	sld [smem:$0x7D0]  }
0x1f2: {  	s23 =	sld [smem:$0x7FD]  }
0x1f3: {  	s31 =	sld [smem:$0x797];
	_ =	sdelay $0x1  }
0x1f4: {  	s24 =	simm.s32 $0x8;
	s26 =	simm.s32 $0x100  }
0x1f5: {  	[hbm:s11@s26], [sflag:s23] =	dma.strided [spmem:s31@s25], $0x800, s24, $0x10   }
0x1f6: {  	_ =	swait.ge [sflag:s28], $0x800  }
0x1f7: {  	s5 =	sld [smem:$0x7F4]  }
0x1f8: {  	s0 =	sld [smem:$0x798]  }
0x1f9: {  	[sflag:s28] =	ssyncset.done $0x0  }
0x1fa: {  	[sflag:s28] =	ssyncadd.s32 $0xFFFFF800  }
0x1fb: {  	[hbm:s5@s26], [sflag:s23] =	dma.strided [spmem:s0@s25], $0x800, s24, $0x10   }
0x1fc: {  	_ =	swait.ge [sflag:s28], $0x800  }
0x1fd: {  	s6 =	sld [smem:$0x7F6]  }
0x1fe: {  	s29 =	sld [smem:$0x799]  }
0x1ff: {  	[sflag:s28] =	ssyncset.done $0x0  }
0x200: {  	[sflag:s28] =	ssyncadd.s32 $0xFFFFF800  }
0x201: {  	[hbm:s6@s26], [sflag:s23] =	dma.strided [spmem:s29@s25], $0x800, s24, $0x10   }
0x202: {  	_ =	swait.ge [sflag:s28], $0x800  }
0x203: {  	s0 =	sld [smem:$0x7F8]  }
0x204: {  	s3 =	sld [smem:$0x79A]  }
0x205: {  	[sflag:s28] =	ssyncset.done $0x0  }
0x206: {  	[sflag:s28] =	ssyncadd.s32 $0xFFFFF800  }
0x207: {  	[hbm:s0@s26], [sflag:s23] =	dma.strided [spmem:s3@s25], $0x800, s24, $0x10   }
0x208: {  	_ =	swait.ge [sflag:s28], $0x800  }
0x209: {  	s5 =	sld [smem:$0x7FA]  }
0x20a: {  	s6 =	sld [smem:$0x79B]  }
0x20b: {  	[sflag:s28] =	ssyncset.done $0x0  }
0x20c: {  	[sflag:s28] =	ssyncadd.s32 $0xFFFFF800  }
0x20d: {  	[hbm:s5@s26], [sflag:s23] =	dma.strided [spmem:s6@s25], $0x800, s24, $0x10   }
0x20e: {  	_ =	swait.ge [sflag:s28], $0x800  }
0x20f: {  	s11 =	sld [smem:$0x7FC]  }
0x210: {  	s29 =	sld [smem:$0x7D2];
	_ =	sdelay $0x1  }
0x211: {  	s31 =	smov.u32 s1;
	s1 =	sadd.s32 $0x1, s11  }
0x212: {  	p0 =	sne.s32 s1, s29  }
.Ltmp1:
0x213: {  	_ = 	snop;
	(pc) =	sbr.rel @p0 .LBB2_1-.Ltmp1, $4  }
0x214: {  	_ = 	snop  }
0x215: {  	[sflag:s28] =	ssyncset.done $0x0  }
0x216: {  	[sflag:s28] =	ssyncadd.s32 $0xFFFFF800  }
0x217: {  	[smem:$0x7FC] =	sst s1;
	s1 =	smov.u32 s31;
	s31 =	simm.s32 $0x8580  }
0x218: {  	_ =	sfence.sel $0x180000  }
0x219: {  	[bflag:$0x0] =	sbarrier.arrive $0xFFFF  }
0x21a: {  	_ =	strace $0x9000004D  }
0x21b: {  	s0 =	stileid.u32;
	[bflag:$0x2] =	sbarrier.arrive $0xFFFF  }
0x21c: {  	p0 =	sne.s32 s0, $0x0;
	s0 =	rddreg [dreg:$0x3]  }
0x21d: {  	s0 =	sadd.s32 @!p0 $0x100000, s0  }
0x21e: {  	[sflag:s0] =	ssyncadd.tile.s32 @!p0 $0x1;
	_ =	shalt  }
.Lfunc_end2:
_tile_overlayer_lowered:
.L_overlay_start_2:
0x21f: {  	(tag) =	ssettag $0x2  }
0x220: {  	s0 =	rddreg [dreg:$0x0];
	s2 =	stileid.u32  }
0x221: {  	s1 =	rddreg [dreg:$0x1];
	p0 =	sne.s32 s2, $0x0  }
0x222: {  	s3 =	rddreg [dreg:$0x2];
	[bflag:$0x3] =	sbarrier.arrive $0xFFFF;
	s2 =	simm.s32 @!p0 $0x1C01  }
0x223: {  	[timem:s3], [sflag:s2] =	dma.local @!p0 [hbm:s0], s1  }
0x224: {  	s0 =	simm.s32 @!p0 $0x1  }
0x225: {  	_ =	swait.ge @!p0 [sflag:s0], s1  }
0x226: {  	s1 =	ssub.s32 @!p0 $0x0, s1;
	[sflag:s0] =	ssyncset.done @!p0 $0x0  }
0x227: {  	[sflag:s0] =	ssyncadd.s32 @!p0 s1  }
0x228: {  	[bflag:$0x3] =	sbarrier.arrive $0xFFFF  }
0x229: {  	_ =	shalt  }

</sc_bundles>
